<compile_context>
chip_gen: v7x
topology: tpu7x:2x2x1
jax: 0.10.2.dev20260603
libtpu: 0.0.44.dev20260713+nightly
codegen_flags: <defaults>
</compile_context>

<pallas_src>
import functools

import jax
import jax.numpy as jnp
from jax import lax
from jax.experimental import pallas as pl
from jax.experimental.pallas import tpu as pltpu
from jax.experimental.pallas import tpu_sc as plsc

D = 128
N_NODES = 10000
N_TOK = 320000

NC = 2
NS = 16
LANES = 16

NW = NC * NS
TPW = N_TOK // NW
CHUNK = 40
NCHUNK = TPW // CHUNK
assert TPW % CHUNK == 0
NBUF = 8
PIPE = NBUF // 2
ROWS_PER_TILE = 624
TAIL_ROWS = N_NODES - NS * ROWS_PER_TILE


ZROWS = 16


def _sc_scatter_body(occ_hbm, idx_hbm, out_hbm, *refs):
    idx_v = refs[:NBUF]
    rows_v = refs[NBUF:2 * NBUF]
    zeros_v = refs[2 * NBUF]
    accum_sh = refs[2 * NBUF + 1]
    sem_ini = refs[2 * NBUF + 2:3 * NBUF + 2]
    sem_inr = refs[3 * NBUF + 2:4 * NBUF + 2]
    sem_sc = refs[4 * NBUF + 2:]

    cid = lax.axis_index("c")
    sid = lax.axis_index("s")
    wid = cid * NS + sid
    base = wid * TPW

    def issue_in(k, b):
        off = base + k * CHUNK
        pltpu.async_copy(idx_hbm.at[pl.ds(off, CHUNK)], idx_v[b], sem_ini[b])
        pltpu.async_copy(occ_hbm.at[pl.ds(off, CHUNK)], rows_v[b], sem_inr[b])

    def wait_in(b):
        pltpu.make_async_copy(idx_hbm.at[pl.ds(0, CHUNK)], idx_v[b], sem_ini[b]).wait()
        pltpu.make_async_copy(occ_hbm.at[pl.ds(0, CHUNK)], rows_v[b], sem_inr[b]).wait()

    def issue_sc(b):
        pltpu.async_copy(rows_v[b], accum_sh.at[idx_v[b]], sem_sc[b], add=True)

    def wait_sc(b):
        pltpu.make_async_copy(rows_v[b], accum_sh.at[idx_v[b]], sem_sc[b]).wait()

    for b in range(PIPE):
        issue_in(b, b)

    zvec = jnp.zeros((LANES,), jnp.float32)
    for r in range(ZROWS):
        for c in range(D // LANES):
            zeros_v[r, pl.ds(c * LANES, LANES)] = zvec
    def _zinit(i, carry):
        pltpu.sync_copy(zeros_v, accum_sh.at[pl.ds(sid * ROWS_PER_TILE + i * ZROWS, ZROWS)])
        return carry
    lax.fori_loop(0, ROWS_PER_TILE // ZROWS, _zinit, 0)
    @pl.when(sid == NS - 1)
    def _zinit_tail():
        pltpu.sync_copy(
            zeros_v,
            accum_sh.at[pl.ds(NS * ROWS_PER_TILE, TAIL_ROWS)],
        )

    plsc.subcore_barrier()

    for k in range(NBUF):
        wait_in(k)
        issue_sc(k)
        if k >= PIPE:
            wait_sc(k - PIPE)
        if k + PIPE < NCHUNK:
            issue_in(k + PIPE, (k + PIPE) % NBUF)

    n_groups = (NCHUNK - PIPE - NBUF) // NBUF
    def _group(g, carry):
        k0 = NBUF + g * NBUF
        for j in range(NBUF):
            k = k0 + j
            wait_in(j)
            issue_sc(j)
            wait_sc((j + NBUF - PIPE) % NBUF)
            issue_in(k + PIPE, (j + PIPE) % NBUF)
        return carry
    lax.fori_loop(0, n_groups, _group, 0)

    for k in range(NBUF + n_groups * NBUF, NCHUNK):
        b = k % NBUF
        wait_in(b)
        issue_sc(b)
        wait_sc((b + NBUF - PIPE) % NBUF)
        if k + PIPE < NCHUNK:
            issue_in(k + PIPE, (k + PIPE) % NBUF)
    for k in range(NCHUNK - PIPE, NCHUNK):
        wait_sc(k % NBUF)

    plsc.subcore_barrier()

    pltpu.sync_copy(
        accum_sh.at[pl.ds(sid * ROWS_PER_TILE, ROWS_PER_TILE)],
        out_hbm.at[cid, pl.ds(sid * ROWS_PER_TILE, ROWS_PER_TILE)],
    )
    @pl.when(sid == NS - 1)
    def _write_tail():
        pltpu.sync_copy(
            accum_sh.at[pl.ds(NS * ROWS_PER_TILE, TAIL_ROWS)],
            out_hbm.at[cid, pl.ds(NS * ROWS_PER_TILE, TAIL_ROWS)],
        )


_sc_scatter = functools.partial(
    pl.kernel,
    out_type=jax.ShapeDtypeStruct((NC, N_NODES, D), jnp.float32),
    mesh=plsc.VectorSubcoreMesh(core_axis_name="c", subcore_axis_name="s"),
    scratch_types=(
        [pltpu.VMEM((CHUNK,), jnp.int32) for _ in range(NBUF)]
        + [pltpu.VMEM((CHUNK, D), jnp.float32) for _ in range(NBUF)]
        + [pltpu.VMEM((ZROWS, D), jnp.float32)]
        + [pltpu.VMEM_SHARED((N_NODES, D), jnp.float32)]
        + [pltpu.SemaphoreType.DMA for _ in range(3 * NBUF)]
    ),
)(_sc_scatter_body)


ROW_BLK = 2000


def _tc_gate_body(p0_ref, p1_ref, prev_ref, wg1_ref, wg2_ref, bg_ref, wu_ref, bu_ref, out_ref):
    upd = p0_ref[0] + p1_ref[0]
    prev = prev_ref[...]
    gate_lin = (
        jnp.dot(prev, wg1_ref[...], preferred_element_type=jnp.float32)
        + jnp.dot(upd, wg2_ref[...], preferred_element_type=jnp.float32)
        + bg_ref[...]
    )
    gate = jax.nn.sigmoid(gate_lin)
    proj = jnp.maximum(
        jnp.dot(upd, wu_ref[...], preferred_element_type=jnp.float32) + bu_ref[...],
        0.0,
    )
    out_ref[...] = gate * prev + (1.0 - gate) * proj


def _tc_gate(partials, prev, Wg, bg, Wu, bu):
    wg1 = Wg[:D]
    wg2 = Wg[D:]
    bg2 = bg.reshape(1, D)
    bu2 = bu.reshape(1, D)
    grid = (N_NODES // ROW_BLK,)
    return pl.pallas_call(
        _tc_gate_body,
        grid=grid,
        in_specs=[
            pl.BlockSpec((1, ROW_BLK, D), lambda i: (0, i, 0)),
            pl.BlockSpec((1, ROW_BLK, D), lambda i: (1, i, 0)),
            pl.BlockSpec((ROW_BLK, D), lambda i: (i, 0)),
            pl.BlockSpec((D, D), lambda i: (0, 0)),
            pl.BlockSpec((D, D), lambda i: (0, 0)),
            pl.BlockSpec((1, D), lambda i: (0, 0)),
            pl.BlockSpec((D, D), lambda i: (0, 0)),
            pl.BlockSpec((1, D), lambda i: (0, 0)),
        ],
        out_specs=pl.BlockSpec((ROW_BLK, D), lambda i: (i, 0)),
        out_shape=jax.ShapeDtypeStruct((N_NODES, D), jnp.float32),
    )(partials, partials, prev, wg1, wg2, bg2, Wu, bu2)


def kernel(flattened_nodes_occurrences, flattened_nodes_indices, previous_cfg_nodes_encodings, nr_cfg_nodes, Wg, bg, Wu, bu):
    partials = _sc_scatter(flattened_nodes_occurrences, flattened_nodes_indices)
    return _tc_gate(partials, previous_cfg_nodes_encodings, Wg, bg, Wu, bu)

# --- scband reference (transcript-rebuilt; emitter-appended) ---
"""Pipeline reference for scband-scatter-cfgencoded-ngrams-to-cfgnode-encodings-41987600285774 (READ-ONLY COPY).

The authoritative reference and input builder live on the scoring server;
editing this copy changes nothing except your own understanding.
"""

import jax, jax.numpy as jnp
import numpy as np

D = 128
N_NODES = 10000
N_TOK = 320000


def setup_inputs(seed: int = 0) -> dict:
    key = jax.random.key(seed)
    ks = jax.random.split(key, 6)
    return {
        "flattened_nodes_occurrences": jax.random.normal(ks[0], (N_TOK, D), dtype=jnp.float32),
        "flattened_nodes_indices": jax.random.randint(ks[1], (N_TOK,), 0, N_NODES, dtype=jnp.int32),
        "previous_cfg_nodes_encodings": jax.random.normal(ks[2], (N_NODES, D), dtype=jnp.float32),
        "nr_cfg_nodes": N_NODES,
        "Wg": jax.random.normal(ks[3], (2 * D, D), dtype=jnp.float32) * 0.05,
        "bg": jnp.zeros((D,), dtype=jnp.float32),
        "Wu": jax.random.normal(ks[4], (D, D), dtype=jnp.float32) * 0.05,
        "bu": jnp.zeros((D,), dtype=jnp.float32),
    }


def reference(flattened_nodes_occurrences, flattened_nodes_indices, previous_cfg_nodes_encodings, nr_cfg_nodes, Wg, bg, Wu, bu):
    # ScatterCombiner (method='sum'): scatter-add encoded ngram occurrences onto their CFG node slots
    num_segments = previous_cfg_nodes_encodings.shape[0]
    safe_indices = jnp.where(flattened_nodes_indices < nr_cfg_nodes, flattened_nodes_indices, num_segments)
    updated_cfg_nodes_encodings = jax.ops.segment_sum(
        flattened_nodes_occurrences, safe_indices, num_segments=num_segments
    )
    # StateUpdater gate: sigmoid gate over [prev_state; update], gated residual update
    gate_in = jnp.concatenate([previous_cfg_nodes_encodings, updated_cfg_nodes_encodings], axis=-1)
    gate = jax.nn.sigmoid(gate_in @ Wg + bg)
    update_proj = jax.nn.relu(updated_cfg_nodes_encodings @ Wu + bu)  # dropout is identity in eval
    new_cfg_nodes_encodings = gate * previous_cfg_nodes_encodings + (1.0 - gate) * update_proj
    return new_cfg_nodes_encodings

if __name__ == "__main__":
    import jax
    _d = setup_inputs()
    print(jax.jit(kernel)(*tuple(_d.values())))

</pallas_src>

<mosaic_0001>
#map = affine_map<(d0, d1) -> (0, 0)>
#map1 = affine_map<(d0, d1) -> (0)>
#map2 = affine_map<(d0, d1) -> (0, 0, 0)>
module attributes {stable_mosaic.version = 14 : i64} {
  func.func @_sc_scatter_body(%arg0: i32, %arg1: i32, %arg2: memref<320000x128xf32, #tpu.memory_space<hbm>>, %arg3: memref<320000xi32, #tpu.memory_space<hbm>>, %arg4: memref<2x10000x128xf32, #tpu.memory_space<hbm>>, %arg5: memref<40xi32, #tpu.memory_space<vmem>>, %arg6: memref<40xi32, #tpu.memory_space<vmem>>, %arg7: memref<40xi32, #tpu.memory_space<vmem>>, %arg8: memref<40xi32, #tpu.memory_space<vmem>>, %arg9: memref<40xi32, #tpu.memory_space<vmem>>, %arg10: memref<40xi32, #tpu.memory_space<vmem>>, %arg11: memref<40xi32, #tpu.memory_space<vmem>>, %arg12: memref<40xi32, #tpu.memory_space<vmem>>, %arg13: memref<40x128xf32, #tpu.memory_space<vmem>>, %arg14: memref<40x128xf32, #tpu.memory_space<vmem>>, %arg15: memref<40x128xf32, #tpu.memory_space<vmem>>, %arg16: memref<40x128xf32, #tpu.memory_space<vmem>>, %arg17: memref<40x128xf32, #tpu.memory_space<vmem>>, %arg18: memref<40x128xf32, #tpu.memory_space<vmem>>, %arg19: memref<40x128xf32, #tpu.memory_space<vmem>>, %arg20: memref<40x128xf32, #tpu.memory_space<vmem>>, %arg21: memref<16x128xf32, #tpu.memory_space<vmem>>, %arg22: memref<10000x128xf32, #tpu.memory_space<vmem_shared>>, %arg23: memref<!tpu.dma_semaphore, #tpu.memory_space<semaphore_mem>>, %arg24: memref<!tpu.dma_semaphore, #tpu.memory_space<semaphore_mem>>, %arg25: memref<!tpu.dma_semaphore, #tpu.memory_space<semaphore_mem>>, %arg26: memref<!tpu.dma_semaphore, #tpu.memory_space<semaphore_mem>>, %arg27: memref<!tpu.dma_semaphore, #tpu.memory_space<semaphore_mem>>, %arg28: memref<!tpu.dma_semaphore, #tpu.memory_space<semaphore_mem>>, %arg29: memref<!tpu.dma_semaphore, #tpu.memory_space<semaphore_mem>>, %arg30: memref<!tpu.dma_semaphore, #tpu.memory_space<semaphore_mem>>, %arg31: memref<!tpu.dma_semaphore, #tpu.memory_space<semaphore_mem>>, %arg32: memref<!tpu.dma_semaphore, #tpu.memory_space<semaphore_mem>>, %arg33: memref<!tpu.dma_semaphore, #tpu.memory_space<semaphore_mem>>, %arg34: memref<!tpu.dma_semaphore, #tpu.memory_space<semaphore_mem>>, %arg35: memref<!tpu.dma_semaphore, #tpu.memory_space<semaphore_mem>>, %arg36: memref<!tpu.dma_semaphore, #tpu.memory_space<semaphore_mem>>, %arg37: memref<!tpu.dma_semaphore, #tpu.memory_space<semaphore_mem>>, %arg38: memref<!tpu.dma_semaphore, #tpu.memory_space<semaphore_mem>>, %arg39: memref<!tpu.dma_semaphore, #tpu.memory_space<semaphore_mem>>, %arg40: memref<!tpu.dma_semaphore, #tpu.memory_space<semaphore_mem>>, %arg41: memref<!tpu.dma_semaphore, #tpu.memory_space<semaphore_mem>>, %arg42: memref<!tpu.dma_semaphore, #tpu.memory_space<semaphore_mem>>, %arg43: memref<!tpu.dma_semaphore, #tpu.memory_space<semaphore_mem>>, %arg44: memref<!tpu.dma_semaphore, #tpu.memory_space<semaphore_mem>>, %arg45: memref<!tpu.dma_semaphore, #tpu.memory_space<semaphore_mem>>, %arg46: memref<!tpu.dma_semaphore, #tpu.memory_space<semaphore_mem>>) attributes {dimension_semantics = [#tpu.dimension_semantics<core_parallel>, #tpu.dimension_semantics<subcore_parallel>], iteration_bounds = array<i64: 2, 16>, scalar_prefetch = 0 : i64, scratch_operands = 42 : i64, tpu.core_type = #tpu.core_type<sc_vector_subcore>, window_params = [{transform_indices = #map}, {transform_indices = #map1}, {transform_indices = #map2}]} {
    %mul3A = arith.constant 16 : i32
    %mul3A_0 = arith.muli %arg0, %mul3A : i32
    %add3A = arith.addi %mul3A_0, %arg1 : i32
    %mul3A_1 = arith.constant 10000 : i32
    %mul3A_2 = arith.muli %add3A, %mul3A_1 : i32
    %add3A_3 = arith.constant 0 : i32
    %add3A_4 = arith.addi %mul3A_2, %add3A_3 : i32
    %dma_start3A = tpu.memref_slice %arg3[%add3A_4] : memref<320000xi32, #tpu.memory_space<hbm>> -> memref<40xi32, #tpu.memory_space<hbm>>
    %dma_start3A_5 = tpu.memref_slice %arg3[%add3A_4] : memref<320000xi32, #tpu.memory_space<hbm>> -> memref<40xi32, #tpu.memory_space<hbm>>
    tpu.enqueue_dma source(%dma_start3A_5 : memref<40xi32, #tpu.memory_space<hbm>>) target(%arg5 : memref<40xi32, #tpu.memory_space<vmem>>) target_semaphore(%arg23 : memref<!tpu.dma_semaphore, #tpu.memory_space<semaphore_mem>>)
    %dma_start3A_6 = arith.constant 0 : i32
    %dma_start3A_7 = tpu.memref_slice %arg2[%add3A_4, %dma_start3A_6] : memref<320000x128xf32, #tpu.memory_space<hbm>> -> memref<40x128xf32, #tpu.memory_space<hbm>>
    %dma_start3A_8 = arith.constant 0 : i32
    %dma_start3A_9 = tpu.memref_slice %arg2[%add3A_4, %dma_start3A_8] : memref<320000x128xf32, #tpu.memory_space<hbm>> -> memref<40x128xf32, #tpu.memory_space<hbm>>
    tpu.enqueue_dma source(%dma_start3A_9 : memref<40x128xf32, #tpu.memory_space<hbm>>) target(%arg13 : memref<40x128xf32, #tpu.memory_space<vmem>>) target_semaphore(%arg31 : memref<!tpu.dma_semaphore, #tpu.memory_space<semaphore_mem>>)
    %add3A_10 = arith.constant 40 : i32
    %add3A_11 = arith.addi %mul3A_2, %add3A_10 : i32
    %dma_start3A_12 = tpu.memref_slice %arg3[%add3A_11] : memref<320000xi32, #tpu.memory_space<hbm>> -> memref<40xi32, #tpu.memory_space<hbm>>
    %dma_start3A_13 = tpu.memref_slice %arg3[%add3A_11] : memref<320000xi32, #tpu.memory_space<hbm>> -> memref<40xi32, #tpu.memory_space<hbm>>
    tpu.enqueue_dma source(%dma_start3A_13 : memref<40xi32, #tpu.memory_space<hbm>>) target(%arg6 : memref<40xi32, #tpu.memory_space<vmem>>) target_semaphore(%arg24 : memref<!tpu.dma_semaphore, #tpu.memory_space<semaphore_mem>>)
    %dma_start3A_14 = arith.constant 0 : i32
    %dma_start3A_15 = tpu.memref_slice %arg2[%add3A_11, %dma_start3A_14] : memref<320000x128xf32, #tpu.memory_space<hbm>> -> memref<40x128xf32, #tpu.memory_space<hbm>>
    %dma_start3A_16 = arith.constant 0 : i32
    %dma_start3A_17 = tpu.memref_slice %arg2[%add3A_11, %dma_start3A_16] : memref<320000x128xf32, #tpu.memory_space<hbm>> -> memref<40x128xf32, #tpu.memory_space<hbm>>
    tpu.enqueue_dma source(%dma_start3A_17 : memref<40x128xf32, #tpu.memory_space<hbm>>) target(%arg14 : memref<40x128xf32, #tpu.memory_space<vmem>>) target_semaphore(%arg32 : memref<!tpu.dma_semaphore, #tpu.memory_space<semaphore_mem>>)
    %add3A_18 = arith.constant 80 : i32
    %add3A_19 = arith.addi %mul3A_2, %add3A_18 : i32
    %dma_start3A_20 = tpu.memref_slice %arg3[%add3A_19] : memref<320000xi32, #tpu.memory_space<hbm>> -> memref<40xi32, #tpu.memory_space<hbm>>
    %dma_start3A_21 = tpu.memref_slice %arg3[%add3A_19] : memref<320000xi32, #tpu.memory_space<hbm>> -> memref<40xi32, #tpu.memory_space<hbm>>
    tpu.enqueue_dma source(%dma_start3A_21 : memref<40xi32, #tpu.memory_space<hbm>>) target(%arg7 : memref<40xi32, #tpu.memory_space<vmem>>) target_semaphore(%arg25 : memref<!tpu.dma_semaphore, #tpu.memory_space<semaphore_mem>>)
    %dma_start3A_22 = arith.constant 0 : i32
    %dma_start3A_23 = tpu.memref_slice %arg2[%add3A_19, %dma_start3A_22] : memref<320000x128xf32, #tpu.memory_space<hbm>> -> memref<40x128xf32, #tpu.memory_space<hbm>>
    %dma_start3A_24 = arith.constant 0 : i32
    %dma_start3A_25 = tpu.memref_slice %arg2[%add3A_19, %dma_start3A_24] : memref<320000x128xf32, #tpu.memory_space<hbm>> -> memref<40x128xf32, #tpu.memory_space<hbm>>
    tpu.enqueue_dma source(%dma_start3A_25 : memref<40x128xf32, #tpu.memory_space<hbm>>) target(%arg15 : memref<40x128xf32, #tpu.memory_space<vmem>>) target_semaphore(%arg33 : memref<!tpu.dma_semaphore, #tpu.memory_space<semaphore_mem>>)
    %add3A_26 = arith.constant 120 : i32
    %add3A_27 = arith.addi %mul3A_2, %add3A_26 : i32
    %dma_start3A_28 = tpu.memref_slice %arg3[%add3A_27] : memref<320000xi32, #tpu.memory_space<hbm>> -> memref<40xi32, #tpu.memory_space<hbm>>
    %dma_start3A_29 = tpu.memref_slice %arg3[%add3A_27] : memref<320000xi32, #tpu.memory_space<hbm>> -> memref<40xi32, #tpu.memory_space<hbm>>
    tpu.enqueue_dma source(%dma_start3A_29 : memref<40xi32, #tpu.memory_space<hbm>>) target(%arg8 : memref<40xi32, #tpu.memory_space<vmem>>) target_semaphore(%arg26 : memref<!tpu.dma_semaphore, #tpu.memory_space<semaphore_mem>>)
    %dma_start3A_30 = arith.constant 0 : i32
    %dma_start3A_31 = tpu.memref_slice %arg2[%add3A_27, %dma_start3A_30] : memref<320000x128xf32, #tpu.memory_space<hbm>> -> memref<40x128xf32, #tpu.memory_space<hbm>>
    %dma_start3A_32 = arith.constant 0 : i32
    %dma_start3A_33 = tpu.memref_slice %arg2[%add3A_27, %dma_start3A_32] : memref<320000x128xf32, #tpu.memory_space<hbm>> -> memref<40x128xf32, #tpu.memory_space<hbm>>
    tpu.enqueue_dma source(%dma_start3A_33 : memref<40x128xf32, #tpu.memory_space<hbm>>) target(%arg16 : memref<40x128xf32, #tpu.memory_space<vmem>>) target_semaphore(%arg34 : memref<!tpu.dma_semaphore, #tpu.memory_space<semaphore_mem>>)
    %broadcast_in_dim3A = arith.constant 0.000000e+00 : f32
    %broadcast_in_dim3A_34 = vector.broadcast %broadcast_in_dim3A : f32 to vector<16xf32>
    %swap3A = arith.constant 0 : i32
    %swap3A_35 = arith.index_cast %swap3A : i32 to index
    %swap3A_36 = arith.constant 0 : index
    %swap3A_37 = tpu.vector_load %arg21[%swap3A_35, %swap3A_36] {strides = array<i32>} : memref<16x128xf32, #tpu.memory_space<vmem>>, vector<1x16xf32>,
    %swap3A_38 = vector.shape_cast %swap3A_37 : vector<1x16xf32> to vector<16xf32>
    %swap3A_39 = vector.shape_cast %broadcast_in_dim3A_34 : vector<16xf32> to vector<1x16xf32>
    tpu.vector_store %arg21[%swap3A_35, %swap3A_36], %swap3A_39 {strides = array<i32>} : memref<16x128xf32, #tpu.memory_space<vmem>>, vector<1x16xf32>,
    %swap3A_40 = arith.constant 0 : i32
    %swap3A_41 = arith.index_cast %swap3A_40 : i32 to index
    %swap3A_42 = arith.constant 16 : index
    %swap3A_43 = tpu.vector_load %arg21[%swap3A_41, %swap3A_42] {strides = array<i32>} : memref<16x128xf32, #tpu.memory_space<vmem>>, vector<1x16xf32>,
    %swap3A_44 = vector.shape_cast %swap3A_43 : vector<1x16xf32> to vector<16xf32>
    %swap3A_45 = vector.shape_cast %broadcast_in_dim3A_34 : vector<16xf32> to vector<1x16xf32>
    tpu.vector_store %arg21[%swap3A_41, %swap3A_42], %swap3A_45 {strides = array<i32>} : memref<16x128xf32, #tpu.memory_space<vmem>>, vector<1x16xf32>,
    %swap3A_46 = arith.constant 0 : i32
    %swap3A_47 = arith.index_cast %swap3A_46 : i32 to index
    %swap3A_48 = arith.constant 32 : index
    %swap3A_49 = tpu.vector_load %arg21[%swap3A_47, %swap3A_48] {strides = array<i32>} : memref<16x128xf32, #tpu.memory_space<vmem>>, vector<1x16xf32>,
    %swap3A_50 = vector.shape_cast %swap3A_49 : vector<1x16xf32> to vector<16xf32>
    %swap3A_51 = vector.shape_cast %broadcast_in_dim3A_34 : vector<16xf32> to vector<1x16xf32>
    tpu.vector_store %arg21[%swap3A_47, %swap3A_48], %swap3A_51 {strides = array<i32>} : memref<16x128xf32, #tpu.memory_space<vmem>>, vector<1x16xf32>,
    %swap3A_52 = arith.constant 0 : i32
    %swap3A_53 = arith.index_cast %swap3A_52 : i32 to index
    %swap3A_54 = arith.constant 48 : index
    %swap3A_55 = tpu.vector_load %arg21[%swap3A_53, %swap3A_54] {strides = array<i32>} : memref<16x128xf32, #tpu.memory_space<vmem>>, vector<1x16xf32>,
    %swap3A_56 = vector.shape_cast %swap3A_55 : vector<1x16xf32> to vector<16xf32>
    %swap3A_57 = vector.shape_cast %broadcast_in_dim3A_34 : vector<16xf32> to vector<1x16xf32>
    tpu.vector_store %arg21[%swap3A_53, %swap3A_54], %swap3A_57 {strides = array<i32>} : memref<16x128xf32, #tpu.memory_space<vmem>>, vector<1x16xf32>,
    %swap3A_58 = arith.constant 0 : i32
    %swap3A_59 = arith.index_cast %swap3A_58 : i32 to index
    %swap3A_60 = arith.constant 64 : index
    %swap3A_61 = tpu.vector_load %arg21[%swap3A_59, %swap3A_60] {strides = array<i32>} : memref<16x128xf32, #tpu.memory_space<vmem>>, vector<1x16xf32>,
    %swap3A_62 = vector.shape_cast %swap3A_61 : vector<1x16xf32> to vector<16xf32>
    %swap3A_63 = vector.shape_cast %broadcast_in_dim3A_34 : vector<16xf32> to vector<1x16xf32>
    tpu.vector_store %arg21[%swap3A_59, %swap3A_60], %swap3A_63 {strides = array<i32>} : memref<16x128xf32, #tpu.memory_space<vmem>>, vector<1x16xf32>,
    %swap3A_64 = arith.constant 0 : i32
    %swap3A_65 = arith.index_cast %swap3A_64 : i32 to index
    %swap3A_66 = arith.constant 80 : index
    %swap3A_67 = tpu.vector_load %arg21[%swap3A_65, %swap3A_66] {strides = array<i32>} : memref<16x128xf32, #tpu.memory_space<vmem>>, vector<1x16xf32>,
    %swap3A_68 = vector.shape_cast %swap3A_67 : vector<1x16xf32> to vector<16xf32>
    %swap3A_69 = vector.shape_cast %broadcast_in_dim3A_34 : vector<16xf32> to vector<1x16xf32>
    tpu.vector_store %arg21[%swap3A_65, %swap3A_66], %swap3A_69 {strides = array<i32>} : memref<16x128xf32, #tpu.memory_space<vmem>>, vector<1x16xf32>,
    %swap3A_70 = arith.constant 0 : i32
    %swap3A_71 = arith.index_cast %swap3A_70 : i32 to index
    %swap3A_72 = arith.constant 96 : index
    %swap3A_73 = tpu.vector_load %arg21[%swap3A_71, %swap3A_72] {strides = array<i32>} : memref<16x128xf32, #tpu.memory_space<vmem>>, vector<1x16xf32>,
    %swap3A_74 = vector.shape_cast %swap3A_73 : vector<1x16xf32> to vector<16xf32>
    %swap3A_75 = vector.shape_cast %broadcast_in_dim3A_34 : vector<16xf32> to vector<1x16xf32>
    tpu.vector_store %arg21[%swap3A_71, %swap3A_72], %swap3A_75 {strides = array<i32>} : memref<16x128xf32, #tpu.memory_space<vmem>>, vector<1x16xf32>,
    %swap3A_76 = arith.constant 0 : i32
    %swap3A_77 = arith.index_cast %swap3A_76 : i32 to index
    %swap3A_78 = arith.constant 112 : index
    %swap3A_79 = tpu.vector_load %arg21[%swap3A_77, %swap3A_78] {strides = array<i32>} : memref<16x128xf32, #tpu.memory_space<vmem>>, vector<1x16xf32>,
    %swap3A_80 = vector.shape_cast %swap3A_79 : vector<1x16xf32> to vector<16xf32>
    %swap3A_81 = vector.shape_cast %broadcast_in_dim3A_34 : vector<16xf32> to vector<1x16xf32>
    tpu.vector_store %arg21[%swap3A_77, %swap3A_78], %swap3A_81 {strides = array<i32>} : memref<16x128xf32, #tpu.memory_space<vmem>>, vector<1x16xf32>,
    %swap3A_82 = arith.constant 1 : i32
    %swap3A_83 = arith.index_cast %swap3A_82 : i32 to index
    %swap3A_84 = arith.constant 0 : index
    %swap3A_85 = tpu.vector_load %arg21[%swap3A_83, %swap3A_84] {strides = array<i32>} : memref<16x128xf32, #tpu.memory_space<vmem>>, vector<1x16xf32>,
    %swap3A_86 = vector.shape_cast %swap3A_85 : vector<1x16xf32> to vector<16xf32>
    %swap3A_87 = vector.shape_cast %broadcast_in_dim3A_34 : vector<16xf32> to vector<1x16xf32>
    tpu.vector_store %arg21[%swap3A_83, %swap3A_84], %swap3A_87 {strides = array<i32>} : memref<16x128xf32, #tpu.memory_space<vmem>>, vector<1x16xf32>,
    %swap3A_88 = arith.constant 1 : i32
    %swap3A_89 = arith.index_cast %swap3A_88 : i32 to index
    %swap3A_90 = arith.constant 16 : index
    %swap3A_91 = tpu.vector_load %arg21[%swap3A_89, %swap3A_90] {strides = array<i32>} : memref<16x128xf32, #tpu.memory_space<vmem>>, vector<1x16xf32>,
    %swap3A_92 = vector.shape_cast %swap3A_91 : vector<1x16xf32> to vector<16xf32>
    %swap3A_93 = vector.shape_cast %broadcast_in_dim3A_34 : vector<16xf32> to vector<1x16xf32>
    tpu.vector_store %arg21[%swap3A_89, %swap3A_90], %swap3A_93 {strides = array<i32>} : memref<16x128xf32, #tpu.memory_space<vmem>>, vector<1x16xf32>,
    %swap3A_94 = arith.constant 1 : i32
    %swap3A_95 = arith.index_cast %swap3A_94 : i32 to index
    %swap3A_96 = arith.constant 32 : index
    %swap3A_97 = tpu.vector_load %arg21[%swap3A_95, %swap3A_96] {strides = array<i32>} : memref<16x128xf32, #tpu.memory_space<vmem>>, vector<1x16xf32>,
    %swap3A_98 = vector.shape_cast %swap3A_97 : vector<1x16xf32> to vector<16xf32>
    %swap3A_99 = vector.shape_cast %broadcast_in_dim3A_34 : vector<16xf32> to vector<1x16xf32>
    tpu.vector_store %arg21[%swap3A_95, %swap3A_96], %swap3A_99 {strides = array<i32>} : memref<16x128xf32, #tpu.memory_space<vmem>>, vector<1x16xf32>,
    %swap3A_100 = arith.constant 1 : i32
    %swap3A_101 = arith.index_cast %swap3A_100 : i32 to index
    %swap3A_102 = arith.constant 48 : index
    %swap3A_103 = tpu.vector_load %arg21[%swap3A_101, %swap3A_102] {strides = array<i32>} : memref<16x128xf32, #tpu.memory_space<vmem>>, vector<1x16xf32>,
    %swap3A_104 = vector.shape_cast %swap3A_103 : vector<1x16xf32> to vector<16xf32>
    %swap3A_105 = vector.shape_cast %broadcast_in_dim3A_34 : vector<16xf32> to vector<1x16xf32>
    tpu.vector_store %arg21[%swap3A_101, %swap3A_102], %swap3A_105 {strides = array<i32>} : memref<16x128xf32, #tpu.memory_space<vmem>>, vector<1x16xf32>,
    %swap3A_106 = arith.constant 1 : i32
    %swap3A_107 = arith.index_cast %swap3A_106 : i32 to index
    %swap3A_108 = arith.constant 64 : index
    %swap3A_109 = tpu.vector_load %arg21[%swap3A_107, %swap3A_108] {strides = array<i32>} : memref<16x128xf32, #tpu.memory_space<vmem>>, vector<1x16xf32>,
    %swap3A_110 = vector.shape_cast %swap3A_109 : vector<1x16xf32> to vector<16xf32>
    %swap3A_111 = vector.shape_cast %broadcast_in_dim3A_34 : vector<16xf32> to vector<1x16xf32>
    tpu.vector_store %arg21[%swap3A_107, %swap3A_108], %swap3A_111 {strides = array<i32>} : memref<16x128xf32, #tpu.memory_space<vmem>>, vector<1x16xf32>,
    %swap3A_112 = arith.constant 1 : i32
    %swap3A_113 = arith.index_cast %swap3A_112 : i32 to index
    %swap3A_114 = arith.constant 80 : index
    %swap3A_115 = tpu.vector_load %arg21[%swap3A_113, %swap3A_114] {strides = array<i32>} : memref<16x128xf32, #tpu.memory_space<vmem>>, vector<1x16xf32>,
    %swap3A_116 = vector.shape_cast %swap3A_115 : vector<1x16xf32> to vector<16xf32>
    %swap3A_117 = vector.shape_cast %broadcast_in_dim3A_34 : vector<16xf32> to vector<1x16xf32>
    tpu.vector_store %arg21[%swap3A_113, %swap3A_114], %swap3A_117 {strides = array<i32>} : memref<16x128xf32, #tpu.memory_space<vmem>>, vector<1x16xf32>,
    %swap3A_118 = arith.constant 1 : i32
    %swap3A_119 = arith.index_cast %swap3A_118 : i32 to index
    %swap3A_120 = arith.constant 96 : index
    %swap3A_121 = tpu.vector_load %arg21[%swap3A_119, %swap3A_120] {strides = array<i32>} : memref<16x128xf32, #tpu.memory_space<vmem>>, vector<1x16xf32>,
    %swap3A_122 = vector.shape_cast %swap3A_121 : vector<1x16xf32> to vector<16xf32>
    %swap3A_123 = vector.shape_cast %broadcast_in_dim3A_34 : vector<16xf32> to vector<1x16xf32>
    tpu.vector_store %arg21[%swap3A_119, %swap3A_120], %swap3A_123 {strides = array<i32>} : memref<16x128xf32, #tpu.memory_space<vmem>>, vector<1x16xf32>,
    %swap3A_124 = arith.constant 1 : i32
    %swap3A_125 = arith.index_cast %swap3A_124 : i32 to index
    %swap3A_126 = arith.constant 112 : index
    %swap3A_127 = tpu.vector_load %arg21[%swap3A_125, %swap3A_126] {strides = array<i32>} : memref<16x128xf32, #tpu.memory_space<vmem>>, vector<1x16xf32>,
    %swap3A_128 = vector.shape_cast %swap3A_127 : vector<1x16xf32> to vector<16xf32>
    %swap3A_129 = vector.shape_cast %broadcast_in_dim3A_34 : vector<16xf32> to vector<1x16xf32>
    tpu.vector_store %arg21[%swap3A_125, %swap3A_126], %swap3A_129 {strides = array<i32>} : memref<16x128xf32, #tpu.memory_space<vmem>>, vector<1x16xf32>,
    %swap3A_130 = arith.constant 2 : i32
    %swap3A_131 = arith.index_cast %swap3A_130 : i32 to index
    %swap3A_132 = arith.constant 0 : index
    %swap3A_133 = tpu.vector_load %arg21[%swap3A_131, %swap3A_132] {strides = array<i32>} : memref<16x128xf32, #tpu.memory_space<vmem>>, vector<1x16xf32>,
    %swap3A_134 = vector.shape_cast %swap3A_133 : vector<1x16xf32> to vector<16xf32>
    %swap3A_135 = vector.shape_cast %broadcast_in_dim3A_34 : vector<16xf32> to vector<1x16xf32>
    tpu.vector_store %arg21[%swap3A_131, %swap3A_132], %swap3A_135 {strides = array<i32>} : memref<16x128xf32, #tpu.memory_space<vmem>>, vector<1x16xf32>,
    %swap3A_136 = arith.constant 2 : i32
    %swap3A_137 = arith.index_cast %swap3A_136 : i32 to index
    %swap3A_138 = arith.constant 16 : index
    %swap3A_139 = tpu.vector_load %arg21[%swap3A_137, %swap3A_138] {strides = array<i32>} : memref<16x128xf32, #tpu.memory_space<vmem>>, vector<1x16xf32>,
    %swap3A_140 = vector.shape_cast %swap3A_139 : vector<1x16xf32> to vector<16xf32>
    %swap3A_141 = vector.shape_cast %broadcast_in_dim3A_34 : vector<16xf32> to vector<1x16xf32>
    tpu.vector_store %arg21[%swap3A_137, %swap3A_138], %swap3A_141 {strides = array<i32>} : memref<16x128xf32, #tpu.memory_space<vmem>>, vector<1x16xf32>,
    %swap3A_142 = arith.constant 2 : i32
    %swap3A_143 = arith.index_cast %swap3A_142 : i32 to index
    %swap3A_144 = arith.constant 32 : index
    %swap3A_145 = tpu.vector_load %arg21[%swap3A_143, %swap3A_144] {strides = array<i32>} : memref<16x128xf32, #tpu.memory_space<vmem>>, vector<1x16xf32>,
    %swap3A_146 = vector.shape_cast %swap3A_145 : vector<1x16xf32> to vector<16xf32>
    %swap3A_147 = vector.shape_cast %broadcast_in_dim3A_34 : vector<16xf32> to vector<1x16xf32>
    tpu.vector_store %arg21[%swap3A_143, %swap3A_144], %swap3A_147 {strides = array<i32>} : memref<16x128xf32, #tpu.memory_space<vmem>>, vector<1x16xf32>,
    %swap3A_148 = arith.constant 2 : i32
    %swap3A_149 = arith.index_cast %swap3A_148 : i32 to index
    %swap3A_150 = arith.constant 48 : index
    %swap3A_151 = tpu.vector_load %arg21[%swap3A_149, %swap3A_150] {strides = array<i32>} : memref<16x128xf32, #tpu.memory_space<vmem>>, vector<1x16xf32>,
    %swap3A_152 = vector.shape_cast %swap3A_151 : vector<1x16xf32> to vector<16xf32>
    %swap3A_153 = vector.shape_cast %broadcast_in_dim3A_34 : vector<16xf32> to vector<1x16xf32>
    tpu.vector_store %arg21[%swap3A_149, %swap3A_150], %swap3A_153 {strides = array<i32>} : memref<16x128xf32, #tpu.memory_space<vmem>>, vector<1x16xf32>,
    %swap3A_154 = arith.constant 2 : i32
    %swap3A_155 = arith.index_cast %swap3A_154 : i32 to index
    %swap3A_156 = arith.constant 64 : index
    %swap3A_157 = tpu.vector_load %arg21[%swap3A_155, %swap3A_156] {strides = array<i32>} : memref<16x128xf32, #tpu.memory_space<vmem>>, vector<1x16xf32>,
    %swap3A_158 = vector.shape_cast %swap3A_157 : vector<1x16xf32> to vector<16xf32>
    %swap3A_159 = vector.shape_cast %broadcast_in_dim3A_34 : vector<16xf32> to vector<1x16xf32>
    tpu.vector_store %arg21[%swap3A_155, %swap3A_156], %swap3A_159 {strides = array<i32>} : memref<16x128xf32, #tpu.memory_space<vmem>>, vector<1x16xf32>,
    %swap3A_160 = arith.constant 2 : i32
    %swap3A_161 = arith.index_cast %swap3A_160 : i32 to index
    %swap3A_162 = arith.constant 80 : index
    %swap3A_163 = tpu.vector_load %arg21[%swap3A_161, %swap3A_162] {strides = array<i32>} : memref<16x128xf32, #tpu.memory_space<vmem>>, vector<1x16xf32>,
    %swap3A_164 = vector.shape_cast %swap3A_163 : vector<1x16xf32> to vector<16xf32>
    %swap3A_165 = vector.shape_cast %broadcast_in_dim3A_34 : vector<16xf32> to vector<1x16xf32>
    tpu.vector_store %arg21[%swap3A_161, %swap3A_162], %swap3A_165 {strides = array<i32>} : memref<16x128xf32, #tpu.memory_space<vmem>>, vector<1x16xf32>,
    %swap3A_166 = arith.constant 2 : i32
    %swap3A_167 = arith.index_cast %swap3A_166 : i32 to index
    %swap3A_168 = arith.constant 96 : index
    %swap3A_169 = tpu.vector_load %arg21[%swap3A_167, %swap3A_168] {strides = array<i32>} : memref<16x128xf32, #tpu.memory_space<vmem>>, vector<1x16xf32>,
    %swap3A_170 = vector.shape_cast %swap3A_169 : vector<1x16xf32> to vector<16xf32>
    %swap3A_171 = vector.shape_cast %broadcast_in_dim3A_34 : vector<16xf32> to vector<1x16xf32>
    tpu.vector_store %arg21[%swap3A_167, %swap3A_168], %swap3A_171 {strides = array<i32>} : memref<16x128xf32, #tpu.memory_space<vmem>>, vector<1x16xf32>,
    %swap3A_172 = arith.constant 2 : i32
    %swap3A_173 = arith.index_cast %swap3A_172 : i32 to index
    %swap3A_174 = arith.constant 112 : index
    %swap3A_175 = tpu.vector_load %arg21[%swap3A_173, %swap3A_174] {strides = array<i32>} : memref<16x128xf32, #tpu.memory_space<vmem>>, vector<1x16xf32>,
    %swap3A_176 = vector.shape_cast %swap3A_175 : vector<1x16xf32> to vector<16xf32>
    %swap3A_177 = vector.shape_cast %broadcast_in_dim3A_34 : vector<16xf32> to vector<1x16xf32>
    tpu.vector_store %arg21[%swap3A_173, %swap3A_174], %swap3A_177 {strides = array<i32>} : memref<16x128xf32, #tpu.memory_space<vmem>>, vector<1x16xf32>,
    %swap3A_178 = arith.constant 3 : i32
    %swap3A_179 = arith.index_cast %swap3A_178 : i32 to index
    %swap3A_180 = arith.constant 0 : index
    %swap3A_181 = tpu.vector_load %arg21[%swap3A_179, %swap3A_180] {strides = array<i32>} : memref<16x128xf32, #tpu.memory_space<vmem>>, vector<1x16xf32>,
    %swap3A_182 = vector.shape_cast %swap3A_181 : vector<1x16xf32> to vector<16xf32>
    %swap3A_183 = vector.shape_cast %broadcast_in_dim3A_34 : vector<16xf32> to vector<1x16xf32>
    tpu.vector_store %arg21[%swap3A_179, %swap3A_180], %swap3A_183 {strides = array<i32>} : memref<16x128xf32, #tpu.memory_space<vmem>>, vector<1x16xf32>,
    %swap3A_184 = arith.constant 3 : i32
    %swap3A_185 = arith.index_cast %swap3A_184 : i32 to index
    %swap3A_186 = arith.constant 16 : index
    %swap3A_187 = tpu.vector_load %arg21[%swap3A_185, %swap3A_186] {strides = array<i32>} : memref<16x128xf32, #tpu.memory_space<vmem>>, vector<1x16xf32>,
    %swap3A_188 = vector.shape_cast %swap3A_187 : vector<1x16xf32> to vector<16xf32>
    %swap3A_189 = vector.shape_cast %broadcast_in_dim3A_34 : vector<16xf32> to vector<1x16xf32>
    tpu.vector_store %arg21[%swap3A_185, %swap3A_186], %swap3A_189 {strides = array<i32>} : memref<16x128xf32, #tpu.memory_space<vmem>>, vector<1x16xf32>,
    %swap3A_190 = arith.constant 3 : i32
    %swap3A_191 = arith.index_cast %swap3A_190 : i32 to index
    %swap3A_192 = arith.constant 32 : index
    %swap3A_193 = tpu.vector_load %arg21[%swap3A_191, %swap3A_192] {strides = array<i32>} : memref<16x128xf32, #tpu.memory_space<vmem>>, vector<1x16xf32>,
    %swap3A_194 = vector.shape_cast %swap3A_193 : vector<1x16xf32> to vector<16xf32>
    %swap3A_195 = vector.shape_cast %broadcast_in_dim3A_34 : vector<16xf32> to vector<1x16xf32>
    tpu.vector_store %arg21[%swap3A_191, %swap3A_192], %swap3A_195 {strides = array<i32>} : memref<16x128xf32, #tpu.memory_space<vmem>>, vector<1x16xf32>,
    %swap3A_196 = arith.constant 3 : i32
    %swap3A_197 = arith.index_cast %swap3A_196 : i32 to index
    %swap3A_198 = arith.constant 48 : index
    %swap3A_199 = tpu.vector_load %arg21[%swap3A_197, %swap3A_198] {strides = array<i32>} : memref<16x128xf32, #tpu.memory_space<vmem>>, vector<1x16xf32>,
    %swap3A_200 = vector.shape_cast %swap3A_199 : vector<1x16xf32> to vector<16xf32>
    %swap3A_201 = vector.shape_cast %broadcast_in_dim3A_34 : vector<16xf32> to vector<1x16xf32>
    tpu.vector_store %arg21[%swap3A_197, %swap3A_198], %swap3A_201 {strides = array<i32>} : memref<16x128xf32, #tpu.memory_space<vmem>>, vector<1x16xf32>,
    %swap3A_202 = arith.constant 3 : i32
    %swap3A_203 = arith.index_cast %swap3A_202 : i32 to index
    %swap3A_204 = arith.constant 64 : index
    %swap3A_205 = tpu.vector_load %arg21[%swap3A_203, %swap3A_204] {strides = array<i32>} : memref<16x128xf32, #tpu.memory_space<vmem>>, vector<1x16xf32>,
    %swap3A_206 = vector.shape_cast %swap3A_205 : vector<1x16xf32> to vector<16xf32>
    %swap3A_207 = vector.shape_cast %broadcast_in_dim3A_34 : vector<16xf32> to vector<1x16xf32>
    tpu.vector_store %arg21[%swap3A_203, %swap3A_204], %swap3A_207 {strides = array<i32>} : memref<16x128xf32, #tpu.memory_space<vmem>>, vector<1x16xf32>,
    %swap3A_208 = arith.constant 3 : i32
    %swap3A_209 = arith.index_cast %swap3A_208 : i32 to index
    %swap3A_210 = arith.constant 80 : index
    %swap3A_211 = tpu.vector_load %arg21[%swap3A_209, %swap3A_210] {strides = array<i32>} : memref<16x128xf32, #tpu.memory_space<vmem>>, vector<1x16xf32>,
    %swap3A_212 = vector.shape_cast %swap3A_211 : vector<1x16xf32> to vector<16xf32>
    %swap3A_213 = vector.shape_cast %broadcast_in_dim3A_34 : vector<16xf32> to vector<1x16xf32>
    tpu.vector_store %arg21[%swap3A_209, %swap3A_210], %swap3A_213 {strides = array<i32>} : memref<16x128xf32, #tpu.memory_space<vmem>>, vector<1x16xf32>,
    %swap3A_214 = arith.constant 3 : i32
    %swap3A_215 = arith.index_cast %swap3A_214 : i32 to index
    %swap3A_216 = arith.constant 96 : index
    %swap3A_217 = tpu.vector_load %arg21[%swap3A_215, %swap3A_216] {strides = array<i32>} : memref<16x128xf32, #tpu.memory_space<vmem>>, vector<1x16xf32>,
    %swap3A_218 = vector.shape_cast %swap3A_217 : vector<1x16xf32> to vector<16xf32>
    %swap3A_219 = vector.shape_cast %broadcast_in_dim3A_34 : vector<16xf32> to vector<1x16xf32>
    tpu.vector_store %arg21[%swap3A_215, %swap3A_216], %swap3A_219 {strides = array<i32>} : memref<16x128xf32, #tpu.memory_space<vmem>>, vector<1x16xf32>,
    %swap3A_220 = arith.constant 3 : i32
    %swap3A_221 = arith.index_cast %swap3A_220 : i32 to index
    %swap3A_222 = arith.constant 112 : index
    %swap3A_223 = tpu.vector_load %arg21[%swap3A_221, %swap3A_222] {strides = array<i32>} : memref<16x128xf32, #tpu.memory_space<vmem>>, vector<1x16xf32>,
    %swap3A_224 = vector.shape_cast %swap3A_223 : vector<1x16xf32> to vector<16xf32>
    %swap3A_225 = vector.shape_cast %broadcast_in_dim3A_34 : vector<16xf32> to vector<1x16xf32>
    tpu.vector_store %arg21[%swap3A_221, %swap3A_222], %swap3A_225 {strides = array<i32>} : memref<16x128xf32, #tpu.memory_space<vmem>>, vector<1x16xf32>,
    %swap3A_226 = arith.constant 4 : i32
    %swap3A_227 = arith.index_cast %swap3A_226 : i32 to index
    %swap3A_228 = arith.constant 0 : index
    %swap3A_229 = tpu.vector_load %arg21[%swap3A_227, %swap3A_228] {strides = array<i32>} : memref<16x128xf32, #tpu.memory_space<vmem>>, vector<1x16xf32>,
    %swap3A_230 = vector.shape_cast %swap3A_229 : vector<1x16xf32> to vector<16xf32>
    %swap3A_231 = vector.shape_cast %broadcast_in_dim3A_34 : vector<16xf32> to vector<1x16xf32>
    tpu.vector_store %arg21[%swap3A_227, %swap3A_228], %swap3A_231 {strides = array<i32>} : memref<16x128xf32, #tpu.memory_space<vmem>>, vector<1x16xf32>,
    %swap3A_232 = arith.constant 4 : i32
    %swap3A_233 = arith.index_cast %swap3A_232 : i32 to index
    %swap3A_234 = arith.constant 16 : index
    %swap3A_235 = tpu.vector_load %arg21[%swap3A_233, %swap3A_234] {strides = array<i32>} : memref<16x128xf32, #tpu.memory_space<vmem>>, vector<1x16xf32>,
    %swap3A_236 = vector.shape_cast %swap3A_235 : vector<1x16xf32> to vector<16xf32>
    %swap3A_237 = vector.shape_cast %broadcast_in_dim3A_34 : vector<16xf32> to vector<1x16xf32>
    tpu.vector_store %arg21[%swap3A_233, %swap3A_234], %swap3A_237 {strides = array<i32>} : memref<16x128xf32, #tpu.memory_space<vmem>>, vector<1x16xf32>,
    %swap3A_238 = arith.constant 4 : i32
    %swap3A_239 = arith.index_cast %swap3A_238 : i32 to index
    %swap3A_240 = arith.constant 32 : index
    %swap3A_241 = tpu.vector_load %arg21[%swap3A_239, %swap3A_240] {strides = array<i32>} : memref<16x128xf32, #tpu.memory_space<vmem>>, vector<1x16xf32>,
    %swap3A_242 = vector.shape_cast %swap3A_241 : vector<1x16xf32> to vector<16xf32>
    %swap3A_243 = vector.shape_cast %broadcast_in_dim3A_34 : vector<16xf32> to vector<1x16xf32>
    tpu.vector_store %arg21[%swap3A_239, %swap3A_240], %swap3A_243 {strides = array<i32>} : memref<16x128xf32, #tpu.memory_space<vmem>>, vector<1x16xf32>,
    %swap3A_244 = arith.constant 4 : i32
    %swap3A_245 = arith.index_cast %swap3A_244 : i32 to index
    %swap3A_246 = arith.constant 48 : index
    %swap3A_247 = tpu.vector_load %arg21[%swap3A_245, %swap3A_246] {strides = array<i32>} : memref<16x128xf32, #tpu.memory_space<vmem>>, vector<1x16xf32>,
    %swap3A_248 = vector.shape_cast %swap3A_247 : vector<1x16xf32> to vector<16xf32>
    %swap3A_249 = vector.shape_cast %broadcast_in_dim3A_34 : vector<16xf32> to vector<1x16xf32>
    tpu.vector_store %arg21[%swap3A_245, %swap3A_246], %swap3A_249 {strides = array<i32>} : memref<16x128xf32, #tpu.memory_space<vmem>>, vector<1x16xf32>,
    %swap3A_250 = arith.constant 4 : i32
    %swap3A_251 = arith.index_cast %swap3A_250 : i32 to index
    %swap3A_252 = arith.constant 64 : index
    %swap3A_253 = tpu.vector_load %arg21[%swap3A_251, %swap3A_252] {strides = array<i32>} : memref<16x128xf32, #tpu.memory_space<vmem>>, vector<1x16xf32>,
    %swap3A_254 = vector.shape_cast %swap3A_253 : vector<1x16xf32> to vector<16xf32>
    %swap3A_255 = vector.shape_cast %broadcast_in_dim3A_34 : vector<16xf32> to vector<1x16xf32>
    tpu.vector_store %arg21[%swap3A_251, %swap3A_252], %swap3A_255 {strides = array<i32>} : memref<16x128xf32, #tpu.memory_space<vmem>>, vector<1x16xf32>,
    %swap3A_256 = arith.constant 4 : i32
    %swap3A_257 = arith.index_cast %swap3A_256 : i32 to index
    %swap3A_258 = arith.constant 80 : index
    %swap3A_259 = tpu.vector_load %arg21[%swap3A_257, %swap3A_258] {strides = array<i32>} : memref<16x128xf32, #tpu.memory_space<vmem>>, vector<1x16xf32>,
    %swap3A_260 = vector.shape_cast %swap3A_259 : vector<1x16xf32> to vector<16xf32>
    %swap3A_261 = vector.shape_cast %broadcast_in_dim3A_34 : vector<16xf32> to vector<1x16xf32>
    tpu.vector_store %arg21[%swap3A_257, %swap3A_258], %swap3A_261 {strides = array<i32>} : memref<16x128xf32, #tpu.memory_space<vmem>>, vector<1x16xf32>,
    %swap3A_262 = arith.constant 4 : i32
    %swap3A_263 = arith.index_cast %swap3A_262 : i32 to index
    %swap3A_264 = arith.constant 96 : index
    %swap3A_265 = tpu.vector_load %arg21[%swap3A_263, %swap3A_264] {strides = array<i32>} : memref<16x128xf32, #tpu.memory_space<vmem>>, vector<1x16xf32>,
    %swap3A_266 = vector.shape_cast %swap3A_265 : vector<1x16xf32> to vector<16xf32>
    %swap3A_267 = vector.shape_cast %broadcast_in_dim3A_34 : vector<16xf32> to vector<1x16xf32>
    tpu.vector_store %arg21[%swap3A_263, %swap3A_264], %swap3A_267 {strides = array<i32>} : memref<16x128xf32, #tpu.memory_space<vmem>>, vector<1x16xf32>,
    %swap3A_268 = arith.constant 4 : i32
    %swap3A_269 = arith.index_cast %swap3A_268 : i32 to index
    %swap3A_270 = arith.constant 112 : index
    %swap3A_271 = tpu.vector_load %arg21[%swap3A_269, %swap3A_270] {strides = array<i32>} : memref<16x128xf32, #tpu.memory_space<vmem>>, vector<1x16xf32>,
    %swap3A_272 = vector.shape_cast %swap3A_271 : vector<1x16xf32> to vector<16xf32>
    %swap3A_273 = vector.shape_cast %broadcast_in_dim3A_34 : vector<16xf32> to vector<1x16xf32>
    tpu.vector_store %arg21[%swap3A_269, %swap3A_270], %swap3A_273 {strides = array<i32>} : memref<16x128xf32, #tpu.memory_space<vmem>>, vector<1x16xf32>,
    %swap3A_274 = arith.constant 5 : i32
    %swap3A_275 = arith.index_cast %swap3A_274 : i32 to index
    %swap3A_276 = arith.constant 0 : index
    %swap3A_277 = tpu.vector_load %arg21[%swap3A_275, %swap3A_276] {strides = array<i32>} : memref<16x128xf32, #tpu.memory_space<vmem>>, vector<1x16xf32>,
    %swap3A_278 = vector.shape_cast %swap3A_277 : vector<1x16xf32> to vector<16xf32>
    %swap3A_279 = vector.shape_cast %broadcast_in_dim3A_34 : vector<16xf32> to vector<1x16xf32>
    tpu.vector_store %arg21[%swap3A_275, %swap3A_276], %swap3A_279 {strides = array<i32>} : memref<16x128xf32, #tpu.memory_space<vmem>>, vector<1x16xf32>,
    %swap3A_280 = arith.constant 5 : i32
    %swap3A_281 = arith.index_cast %swap3A_280 : i32 to index
    %swap3A_282 = arith.constant 16 : index
    %swap3A_283 = tpu.vector_load %arg21[%swap3A_281, %swap3A_282] {strides = array<i32>} : memref<16x128xf32, #tpu.memory_space<vmem>>, vector<1x16xf32>,
    %swap3A_284 = vector.shape_cast %swap3A_283 : vector<1x16xf32> to vector<16xf32>
    %swap3A_285 = vector.shape_cast %broadcast_in_dim3A_34 : vector<16xf32> to vector<1x16xf32>
    tpu.vector_store %arg21[%swap3A_281, %swap3A_282], %swap3A_285 {strides = array<i32>} : memref<16x128xf32, #tpu.memory_space<vmem>>, vector<1x16xf32>,
    %swap3A_286 = arith.constant 5 : i32
    %swap3A_287 = arith.index_cast %swap3A_286 : i32 to index
    %swap3A_288 = arith.constant 32 : index
    %swap3A_289 = tpu.vector_load %arg21[%swap3A_287, %swap3A_288] {strides = array<i32>} : memref<16x128xf32, #tpu.memory_space<vmem>>, vector<1x16xf32>,
    %swap3A_290 = vector.shape_cast %swap3A_289 : vector<1x16xf32> to vector<16xf32>
    %swap3A_291 = vector.shape_cast %broadcast_in_dim3A_34 : vector<16xf32> to vector<1x16xf32>
    tpu.vector_store %arg21[%swap3A_287, %swap3A_288], %swap3A_291 {strides = array<i32>} : memref<16x128xf32, #tpu.memory_space<vmem>>, vector<1x16xf32>,
    %swap3A_292 = arith.constant 5 : i32
    %swap3A_293 = arith.index_cast %swap3A_292 : i32 to index
    %swap3A_294 = arith.constant 48 : index
    %swap3A_295 = tpu.vector_load %arg21[%swap3A_293, %swap3A_294] {strides = array<i32>} : memref<16x128xf32, #tpu.memory_space<vmem>>, vector<1x16xf32>,
    %swap3A_296 = vector.shape_cast %swap3A_295 : vector<1x16xf32> to vector<16xf32>
    %swap3A_297 = vector.shape_cast %broadcast_in_dim3A_34 : vector<16xf32> to vector<1x16xf32>
    tpu.vector_store %arg21[%swap3A_293, %swap3A_294], %swap3A_297 {strides = array<i32>} : memref<16x128xf32, #tpu.memory_space<vmem>>, vector<1x16xf32>,
    %swap3A_298 = arith.constant 5 : i32
    %swap3A_299 = arith.index_cast %swap3A_298 : i32 to index
    %swap3A_300 = arith.constant 64 : index
    %swap3A_301 = tpu.vector_load %arg21[%swap3A_299, %swap3A_300] {strides = array<i32>} : memref<16x128xf32, #tpu.memory_space<vmem>>, vector<1x16xf32>,
    %swap3A_302 = vector.shape_cast %swap3A_301 : vector<1x16xf32> to vector<16xf32>
    %swap3A_303 = vector.shape_cast %broadcast_in_dim3A_34 : vector<16xf32> to vector<1x16xf32>
    tpu.vector_store %arg21[%swap3A_299, %swap3A_300], %swap3A_303 {strides = array<i32>} : memref<16x128xf32, #tpu.memory_space<vmem>>, vector<1x16xf32>,
    %swap3A_304 = arith.constant 5 : i32
    %swap3A_305 = arith.index_cast %swap3A_304 : i32 to index
    %swap3A_306 = arith.constant 80 : index
    %swap3A_307 = tpu.vector_load %arg21[%swap3A_305, %swap3A_306] {strides = array<i32>} : memref<16x128xf32, #tpu.memory_space<vmem>>, vector<1x16xf32>,
    %swap3A_308 = vector.shape_cast %swap3A_307 : vector<1x16xf32> to vector<16xf32>
    %swap3A_309 = vector.shape_cast %broadcast_in_dim3A_34 : vector<16xf32> to vector<1x16xf32>
    tpu.vector_store %arg21[%swap3A_305, %swap3A_306], %swap3A_309 {strides = array<i32>} : memref<16x128xf32, #tpu.memory_space<vmem>>, vector<1x16xf32>,
    %swap3A_310 = arith.constant 5 : i32
    %swap3A_311 = arith.index_cast %swap3A_310 : i32 to index
    %swap3A_312 = arith.constant 96 : index
    %swap3A_313 = tpu.vector_load %arg21[%swap3A_311, %swap3A_312] {strides = array<i32>} : memref<16x128xf32, #tpu.memory_space<vmem>>, vector<1x16xf32>,
    %swap3A_314 = vector.shape_cast %swap3A_313 : vector<1x16xf32> to vector<16xf32>
    %swap3A_315 = vector.shape_cast %broadcast_in_dim3A_34 : vector<16xf32> to vector<1x16xf32>
    tpu.vector_store %arg21[%swap3A_311, %swap3A_312], %swap3A_315 {strides = array<i32>} : memref<16x128xf32, #tpu.memory_space<vmem>>, vector<1x16xf32>,
    %swap3A_316 = arith.constant 5 : i32
    %swap3A_317 = arith.index_cast %swap3A_316 : i32 to index
    %swap3A_318 = arith.constant 112 : index
    %swap3A_319 = tpu.vector_load %arg21[%swap3A_317, %swap3A_318] {strides = array<i32>} : memref<16x128xf32, #tpu.memory_space<vmem>>, vector<1x16xf32>,
    %swap3A_320 = vector.shape_cast %swap3A_319 : vector<1x16xf32> to vector<16xf32>
    %swap3A_321 = vector.shape_cast %broadcast_in_dim3A_34 : vector<16xf32> to vector<1x16xf32>
    tpu.vector_store %arg21[%swap3A_317, %swap3A_318], %swap3A_321 {strides = array<i32>} : memref<16x128xf32, #tpu.memory_space<vmem>>, vector<1x16xf32>,
    %swap3A_322 = arith.constant 6 : i32
    %swap3A_323 = arith.index_cast %swap3A_322 : i32 to index
    %swap3A_324 = arith.constant 0 : index
    %swap3A_325 = tpu.vector_load %arg21[%swap3A_323, %swap3A_324] {strides = array<i32>} : memref<16x128xf32, #tpu.memory_space<vmem>>, vector<1x16xf32>,
    %swap3A_326 = vector.shape_cast %swap3A_325 : vector<1x16xf32> to vector<16xf32>
    %swap3A_327 = vector.shape_cast %broadcast_in_dim3A_34 : vector<16xf32> to vector<1x16xf32>
    tpu.vector_store %arg21[%swap3A_323, %swap3A_324], %swap3A_327 {strides = array<i32>} : memref<16x128xf32, #tpu.memory_space<vmem>>, vector<1x16xf32>,
    %swap3A_328 = arith.constant 6 : i32
    %swap3A_329 = arith.index_cast %swap3A_328 : i32 to index
    %swap3A_330 = arith.constant 16 : index
    %swap3A_331 = tpu.vector_load %arg21[%swap3A_329, %swap3A_330] {strides = array<i32>} : memref<16x128xf32, #tpu.memory_space<vmem>>, vector<1x16xf32>,
    %swap3A_332 = vector.shape_cast %swap3A_331 : vector<1x16xf32> to vector<16xf32>
    %swap3A_333 = vector.shape_cast %broadcast_in_dim3A_34 : vector<16xf32> to vector<1x16xf32>
    tpu.vector_store %arg21[%swap3A_329, %swap3A_330], %swap3A_333 {strides = array<i32>} : memref<16x128xf32, #tpu.memory_space<vmem>>, vector<1x16xf32>,
    %swap3A_334 = arith.constant 6 : i32
    %swap3A_335 = arith.index_cast %swap3A_334 : i32 to index
    %swap3A_336 = arith.constant 32 : index
    %swap3A_337 = tpu.vector_load %arg21[%swap3A_335, %swap3A_336] {strides = array<i32>} : memref<16x128xf32, #tpu.memory_space<vmem>>, vector<1x16xf32>,
    %swap3A_338 = vector.shape_cast %swap3A_337 : vector<1x16xf32> to vector<16xf32>
    %swap3A_339 = vector.shape_cast %broadcast_in_dim3A_34 : vector<16xf32> to vector<1x16xf32>
    tpu.vector_store %arg21[%swap3A_335, %swap3A_336], %swap3A_339 {strides = array<i32>} : memref<16x128xf32, #tpu.memory_space<vmem>>, vector<1x16xf32>,
    %swap3A_340 = arith.constant 6 : i32
    %swap3A_341 = arith.index_cast %swap3A_340 : i32 to index
    %swap3A_342 = arith.constant 48 : index
    %swap3A_343 = tpu.vector_load %arg21[%swap3A_341, %swap3A_342] {strides = array<i32>} : memref<16x128xf32, #tpu.memory_space<vmem>>, vector<1x16xf32>,
    %swap3A_344 = vector.shape_cast %swap3A_343 : vector<1x16xf32> to vector<16xf32>
    %swap3A_345 = vector.shape_cast %broadcast_in_dim3A_34 : vector<16xf32> to vector<1x16xf32>
    tpu.vector_store %arg21[%swap3A_341, %swap3A_342], %swap3A_345 {strides = array<i32>} : memref<16x128xf32, #tpu.memory_space<vmem>>, vector<1x16xf32>,
    %swap3A_346 = arith.constant 6 : i32
    %swap3A_347 = arith.index_cast %swap3A_346 : i32 to index
    %swap3A_348 = arith.constant 64 : index
    %swap3A_349 = tpu.vector_load %arg21[%swap3A_347, %swap3A_348] {strides = array<i32>} : memref<16x128xf32, #tpu.memory_space<vmem>>, vector<1x16xf32>,
    %swap3A_350 = vector.shape_cast %swap3A_349 : vector<1x16xf32> to vector<16xf32>
    %swap3A_351 = vector.shape_cast %broadcast_in_dim3A_34 : vector<16xf32> to vector<1x16xf32>
    tpu.vector_store %arg21[%swap3A_347, %swap3A_348], %swap3A_351 {strides = array<i32>} : memref<16x128xf32, #tpu.memory_space<vmem>>, vector<1x16xf32>,
    %swap3A_352 = arith.constant 6 : i32
    %swap3A_353 = arith.index_cast %swap3A_352 : i32 to index
    %swap3A_354 = arith.constant 80 : index
    %swap3A_355 = tpu.vector_load %arg21[%swap3A_353, %swap3A_354] {strides = array<i32>} : memref<16x128xf32, #tpu.memory_space<vmem>>, vector<1x16xf32>,
    %swap3A_356 = vector.shape_cast %swap3A_355 : vector<1x16xf32> to vector<16xf32>
    %swap3A_357 = vector.shape_cast %broadcast_in_dim3A_34 : vector<16xf32> to vector<1x16xf32>
    tpu.vector_store %arg21[%swap3A_353, %swap3A_354], %swap3A_357 {strides = array<i32>} : memref<16x128xf32, #tpu.memory_space<vmem>>, vector<1x16xf32>,
    %swap3A_358 = arith.constant 6 : i32
    %swap3A_359 = arith.index_cast %swap3A_358 : i32 to index
    %swap3A_360 = arith.constant 96 : index
    %swap3A_361 = tpu.vector_load %arg21[%swap3A_359, %swap3A_360] {strides = array<i32>} : memref<16x128xf32, #tpu.memory_space<vmem>>, vector<1x16xf32>,
    %swap3A_362 = vector.shape_cast %swap3A_361 : vector<1x16xf32> to vector<16xf32>
    %swap3A_363 = vector.shape_cast %broadcast_in_dim3A_34 : vector<16xf32> to vector<1x16xf32>
    tpu.vector_store %arg21[%swap3A_359, %swap3A_360], %swap3A_363 {strides = array<i32>} : memref<16x128xf32, #tpu.memory_space<vmem>>, vector<1x16xf32>,
    %swap3A_364 = arith.constant 6 : i32
    %swap3A_365 = arith.index_cast %swap3A_364 : i32 to index
    %swap3A_366 = arith.constant 112 : index
    %swap3A_367 = tpu.vector_load %arg21[%swap3A_365, %swap3A_366] {strides = array<i32>} : memref<16x128xf32, #tpu.memory_space<vmem>>, vector<1x16xf32>,
    %swap3A_368 = vector.shape_cast %swap3A_367 : vector<1x16xf32> to vector<16xf32>
    %swap3A_369 = vector.shape_cast %broadcast_in_dim3A_34 : vector<16xf32> to vector<1x16xf32>
    tpu.vector_store %arg21[%swap3A_365, %swap3A_366], %swap3A_369 {strides = array<i32>} : memref<16x128xf32, #tpu.memory_space<vmem>>, vector<1x16xf32>,
    %swap3A_370 = arith.constant 7 : i32
    %swap3A_371 = arith.index_cast %swap3A_370 : i32 to index
    %swap3A_372 = arith.constant 0 : index
    %swap3A_373 = tpu.vector_load %arg21[%swap3A_371, %swap3A_372] {strides = array<i32>} : memref<16x128xf32, #tpu.memory_space<vmem>>, vector<1x16xf32>,
    %swap3A_374 = vector.shape_cast %swap3A_373 : vector<1x16xf32> to vector<16xf32>
    %swap3A_375 = vector.shape_cast %broadcast_in_dim3A_34 : vector<16xf32> to vector<1x16xf32>
    tpu.vector_store %arg21[%swap3A_371, %swap3A_372], %swap3A_375 {strides = array<i32>} : memref<16x128xf32, #tpu.memory_space<vmem>>, vector<1x16xf32>,
    %swap3A_376 = arith.constant 7 : i32
    %swap3A_377 = arith.index_cast %swap3A_376 : i32 to index
    %swap3A_378 = arith.constant 16 : index
    %swap3A_379 = tpu.vector_load %arg21[%swap3A_377, %swap3A_378] {strides = array<i32>} : memref<16x128xf32, #tpu.memory_space<vmem>>, vector<1x16xf32>,
    %swap3A_380 = vector.shape_cast %swap3A_379 : vector<1x16xf32> to vector<16xf32>
    %swap3A_381 = vector.shape_cast %broadcast_in_dim3A_34 : vector<16xf32> to vector<1x16xf32>
    tpu.vector_store %arg21[%swap3A_377, %swap3A_378], %swap3A_381 {strides = array<i32>} : memref<16x128xf32, #tpu.memory_space<vmem>>, vector<1x16xf32>,
    %swap3A_382 = arith.constant 7 : i32
    %swap3A_383 = arith.index_cast %swap3A_382 : i32 to index
    %swap3A_384 = arith.constant 32 : index
    %swap3A_385 = tpu.vector_load %arg21[%swap3A_383, %swap3A_384] {strides = array<i32>} : memref<16x128xf32, #tpu.memory_space<vmem>>, vector<1x16xf32>,
    %swap3A_386 = vector.shape_cast %swap3A_385 : vector<1x16xf32> to vector<16xf32>
    %swap3A_387 = vector.shape_cast %broadcast_in_dim3A_34 : vector<16xf32> to vector<1x16xf32>
    tpu.vector_store %arg21[%swap3A_383, %swap3A_384], %swap3A_387 {strides = array<i32>} : memref<16x128xf32, #tpu.memory_space<vmem>>, vector<1x16xf32>,
    %swap3A_388 = arith.constant 7 : i32
    %swap3A_389 = arith.index_cast %swap3A_388 : i32 to index
    %swap3A_390 = arith.constant 48 : index
    %swap3A_391 = tpu.vector_load %arg21[%swap3A_389, %swap3A_390] {strides = array<i32>} : memref<16x128xf32, #tpu.memory_space<vmem>>, vector<1x16xf32>,
    %swap3A_392 = vector.shape_cast %swap3A_391 : vector<1x16xf32> to vector<16xf32>
    %swap3A_393 = vector.shape_cast %broadcast_in_dim3A_34 : vector<16xf32> to vector<1x16xf32>
    tpu.vector_store %arg21[%swap3A_389, %swap3A_390], %swap3A_393 {strides = array<i32>} : memref<16x128xf32, #tpu.memory_space<vmem>>, vector<1x16xf32>,
    %swap3A_394 = arith.constant 7 : i32
    %swap3A_395 = arith.index_cast %swap3A_394 : i32 to index
    %swap3A_396 = arith.constant 64 : index
    %swap3A_397 = tpu.vector_load %arg21[%swap3A_395, %swap3A_396] {strides = array<i32>} : memref<16x128xf32, #tpu.memory_space<vmem>>, vector<1x16xf32>,
    %swap3A_398 = vector.shape_cast %swap3A_397 : vector<1x16xf32> to vector<16xf32>
    %swap3A_399 = vector.shape_cast %broadcast_in_dim3A_34 : vector<16xf32> to vector<1x16xf32>
    tpu.vector_store %arg21[%swap3A_395, %swap3A_396], %swap3A_399 {strides = array<i32>} : memref<16x128xf32, #tpu.memory_space<vmem>>, vector<1x16xf32>,
    %swap3A_400 = arith.constant 7 : i32
    %swap3A_401 = arith.index_cast %swap3A_400 : i32 to index
    %swap3A_402 = arith.constant 80 : index
    %swap3A_403 = tpu.vector_load %arg21[%swap3A_401, %swap3A_402] {strides = array<i32>} : memref<16x128xf32, #tpu.memory_space<vmem>>, vector<1x16xf32>,
    %swap3A_404 = vector.shape_cast %swap3A_403 : vector<1x16xf32> to vector<16xf32>
    %swap3A_405 = vector.shape_cast %broadcast_in_dim3A_34 : vector<16xf32> to vector<1x16xf32>
    tpu.vector_store %arg21[%swap3A_401, %swap3A_402], %swap3A_405 {strides = array<i32>} : memref<16x128xf32, #tpu.memory_space<vmem>>, vector<1x16xf32>,
    %swap3A_406 = arith.constant 7 : i32
    %swap3A_407 = arith.index_cast %swap3A_406 : i32 to index
    %swap3A_408 = arith.constant 96 : index
    %swap3A_409 = tpu.vector_load %arg21[%swap3A_407, %swap3A_408] {strides = array<i32>} : memref<16x128xf32, #tpu.memory_space<vmem>>, vector<1x16xf32>,
    %swap3A_410 = vector.shape_cast %swap3A_409 : vector<1x16xf32> to vector<16xf32>
    %swap3A_411 = vector.shape_cast %broadcast_in_dim3A_34 : vector<16xf32> to vector<1x16xf32>
    tpu.vector_store %arg21[%swap3A_407, %swap3A_408], %swap3A_411 {strides = array<i32>} : memref<16x128xf32, #tpu.memory_space<vmem>>, vector<1x16xf32>,
    %swap3A_412 = arith.constant 7 : i32
    %swap3A_413 = arith.index_cast %swap3A_412 : i32 to index
    %swap3A_414 = arith.constant 112 : index
    %swap3A_415 = tpu.vector_load %arg21[%swap3A_413, %swap3A_414] {strides = array<i32>} : memref<16x128xf32, #tpu.memory_space<vmem>>, vector<1x16xf32>,
    %swap3A_416 = vector.shape_cast %swap3A_415 : vector<1x16xf32> to vector<16xf32>
    %swap3A_417 = vector.shape_cast %broadcast_in_dim3A_34 : vector<16xf32> to vector<1x16xf32>
    tpu.vector_store %arg21[%swap3A_413, %swap3A_414], %swap3A_417 {strides = array<i32>} : memref<16x128xf32, #tpu.memory_space<vmem>>, vector<1x16xf32>,
    %swap3A_418 = arith.constant 8 : i32
    %swap3A_419 = arith.index_cast %swap3A_418 : i32 to index
    %swap3A_420 = arith.constant 0 : index
    %swap3A_421 = tpu.vector_load %arg21[%swap3A_419, %swap3A_420] {strides = array<i32>} : memref<16x128xf32, #tpu.memory_space<vmem>>, vector<1x16xf32>,
    %swap3A_422 = vector.shape_cast %swap3A_421 : vector<1x16xf32> to vector<16xf32>
    %swap3A_423 = vector.shape_cast %broadcast_in_dim3A_34 : vector<16xf32> to vector<1x16xf32>
    tpu.vector_store %arg21[%swap3A_419, %swap3A_420], %swap3A_423 {strides = array<i32>} : memref<16x128xf32, #tpu.memory_space<vmem>>, vector<1x16xf32>,
    %swap3A_424 = arith.constant 8 : i32
    %swap3A_425 = arith.index_cast %swap3A_424 : i32 to index
    %swap3A_426 = arith.constant 16 : index
    %swap3A_427 = tpu.vector_load %arg21[%swap3A_425, %swap3A_426] {strides = array<i32>} : memref<16x128xf32, #tpu.memory_space<vmem>>, vector<1x16xf32>,
    %swap3A_428 = vector.shape_cast %swap3A_427 : vector<1x16xf32> to vector<16xf32>
    %swap3A_429 = vector.shape_cast %broadcast_in_dim3A_34 : vector<16xf32> to vector<1x16xf32>
    tpu.vector_store %arg21[%swap3A_425, %swap3A_426], %swap3A_429 {strides = array<i32>} : memref<16x128xf32, #tpu.memory_space<vmem>>, vector<1x16xf32>,
    %swap3A_430 = arith.constant 8 : i32
    %swap3A_431 = arith.index_cast %swap3A_430 : i32 to index
    %swap3A_432 = arith.constant 32 : index
    %swap3A_433 = tpu.vector_load %arg21[%swap3A_431, %swap3A_432] {strides = array<i32>} : memref<16x128xf32, #tpu.memory_space<vmem>>, vector<1x16xf32>,
    %swap3A_434 = vector.shape_cast %swap3A_433 : vector<1x16xf32> to vector<16xf32>
    %swap3A_435 = vector.shape_cast %broadcast_in_dim3A_34 : vector<16xf32> to vector<1x16xf32>
    tpu.vector_store %arg21[%swap3A_431, %swap3A_432], %swap3A_435 {strides = array<i32>} : memref<16x128xf32, #tpu.memory_space<vmem>>, vector<1x16xf32>,
    %swap3A_436 = arith.constant 8 : i32
    %swap3A_437 = arith.index_cast %swap3A_436 : i32 to index
    %swap3A_438 = arith.constant 48 : index
    %swap3A_439 = tpu.vector_load %arg21[%swap3A_437, %swap3A_438] {strides = array<i32>} : memref<16x128xf32, #tpu.memory_space<vmem>>, vector<1x16xf32>,
    %swap3A_440 = vector.shape_cast %swap3A_439 : vector<1x16xf32> to vector<16xf32>
    %swap3A_441 = vector.shape_cast %broadcast_in_dim3A_34 : vector<16xf32> to vector<1x16xf32>
    tpu.vector_store %arg21[%swap3A_437, %swap3A_438], %swap3A_441 {strides = array<i32>} : memref<16x128xf32, #tpu.memory_space<vmem>>, vector<1x16xf32>,
    %swap3A_442 = arith.constant 8 : i32
    %swap3A_443 = arith.index_cast %swap3A_442 : i32 to index
    %swap3A_444 = arith.constant 64 : index
    %swap3A_445 = tpu.vector_load %arg21[%swap3A_443, %swap3A_444] {strides = array<i32>} : memref<16x128xf32, #tpu.memory_space<vmem>>, vector<1x16xf32>,
    %swap3A_446 = vector.shape_cast %swap3A_445 : vector<1x16xf32> to vector<16xf32>
    %swap3A_447 = vector.shape_cast %broadcast_in_dim3A_34 : vector<16xf32> to vector<1x16xf32>
    tpu.vector_store %arg21[%swap3A_443, %swap3A_444], %swap3A_447 {strides = array<i32>} : memref<16x128xf32, #tpu.memory_space<vmem>>, vector<1x16xf32>,
    %swap3A_448 = arith.constant 8 : i32
    %swap3A_449 = arith.index_cast %swap3A_448 : i32 to index
    %swap3A_450 = arith.constant 80 : index
    %swap3A_451 = tpu.vector_load %arg21[%swap3A_449, %swap3A_450] {strides = array<i32>} : memref<16x128xf32, #tpu.memory_space<vmem>>, vector<1x16xf32>,
    %swap3A_452 = vector.shape_cast %swap3A_451 : vector<1x16xf32> to vector<16xf32>
    %swap3A_453 = vector.shape_cast %broadcast_in_dim3A_34 : vector<16xf32> to vector<1x16xf32>
    tpu.vector_store %arg21[%swap3A_449, %swap3A_450], %swap3A_453 {strides = array<i32>} : memref<16x128xf32, #tpu.memory_space<vmem>>, vector<1x16xf32>,
    %swap3A_454 = arith.constant 8 : i32
    %swap3A_455 = arith.index_cast %swap3A_454 : i32 to index
    %swap3A_456 = arith.constant 96 : index
    %swap3A_457 = tpu.vector_load %arg21[%swap3A_455, %swap3A_456] {strides = array<i32>} : memref<16x128xf32, #tpu.memory_space<vmem>>, vector<1x16xf32>,
    %swap3A_458 = vector.shape_cast %swap3A_457 : vector<1x16xf32> to vector<16xf32>
    %swap3A_459 = vector.shape_cast %broadcast_in_dim3A_34 : vector<16xf32> to vector<1x16xf32>
    tpu.vector_store %arg21[%swap3A_455, %swap3A_456], %swap3A_459 {strides = array<i32>} : memref<16x128xf32, #tpu.memory_space<vmem>>, vector<1x16xf32>,
    %swap3A_460 = arith.constant 8 : i32
    %swap3A_461 = arith.index_cast %swap3A_460 : i32 to index
    %swap3A_462 = arith.constant 112 : index
    %swap3A_463 = tpu.vector_load %arg21[%swap3A_461, %swap3A_462] {strides = array<i32>} : memref<16x128xf32, #tpu.memory_space<vmem>>, vector<1x16xf32>,
    %swap3A_464 = vector.shape_cast %swap3A_463 : vector<1x16xf32> to vector<16xf32>
    %swap3A_465 = vector.shape_cast %broadcast_in_dim3A_34 : vector<16xf32> to vector<1x16xf32>
    tpu.vector_store %arg21[%swap3A_461, %swap3A_462], %swap3A_465 {strides = array<i32>} : memref<16x128xf32, #tpu.memory_space<vmem>>, vector<1x16xf32>,
    %swap3A_466 = arith.constant 9 : i32
    %swap3A_467 = arith.index_cast %swap3A_466 : i32 to index
    %swap3A_468 = arith.constant 0 : index
    %swap3A_469 = tpu.vector_load %arg21[%swap3A_467, %swap3A_468] {strides = array<i32>} : memref<16x128xf32, #tpu.memory_space<vmem>>, vector<1x16xf32>,
    %swap3A_470 = vector.shape_cast %swap3A_469 : vector<1x16xf32> to vector<16xf32>
    %swap3A_471 = vector.shape_cast %broadcast_in_dim3A_34 : vector<16xf32> to vector<1x16xf32>
    tpu.vector_store %arg21[%swap3A_467, %swap3A_468], %swap3A_471 {strides = array<i32>} : memref<16x128xf32, #tpu.memory_space<vmem>>, vector<1x16xf32>,
    %swap3A_472 = arith.constant 9 : i32
    %swap3A_473 = arith.index_cast %swap3A_472 : i32 to index
    %swap3A_474 = arith.constant 16 : index
    %swap3A_475 = tpu.vector_load %arg21[%swap3A_473, %swap3A_474] {strides = array<i32>} : memref<16x128xf32, #tpu.memory_space<vmem>>, vector<1x16xf32>,
    %swap3A_476 = vector.shape_cast %swap3A_475 : vector<1x16xf32> to vector<16xf32>
    %swap3A_477 = vector.shape_cast %broadcast_in_dim3A_34 : vector<16xf32> to vector<1x16xf32>
    tpu.vector_store %arg21[%swap3A_473, %swap3A_474], %swap3A_477 {strides = array<i32>} : memref<16x128xf32, #tpu.memory_space<vmem>>, vector<1x16xf32>,
    %swap3A_478 = arith.constant 9 : i32
    %swap3A_479 = arith.index_cast %swap3A_478 : i32 to index
    %swap3A_480 = arith.constant 32 : index
    %swap3A_481 = tpu.vector_load %arg21[%swap3A_479, %swap3A_480] {strides = array<i32>} : memref<16x128xf32, #tpu.memory_space<vmem>>, vector<1x16xf32>,
    %swap3A_482 = vector.shape_cast %swap3A_481 : vector<1x16xf32> to vector<16xf32>
    %swap3A_483 = vector.shape_cast %broadcast_in_dim3A_34 : vector<16xf32> to vector<1x16xf32>
    tpu.vector_store %arg21[%swap3A_479, %swap3A_480], %swap3A_483 {strides = array<i32>} : memref<16x128xf32, #tpu.memory_space<vmem>>, vector<1x16xf32>,
    %swap3A_484 = arith.constant 9 : i32
    %swap3A_485 = arith.index_cast %swap3A_484 : i32 to index
    %swap3A_486 = arith.constant 48 : index
    %swap3A_487 = tpu.vector_load %arg21[%swap3A_485, %swap3A_486] {strides = array<i32>} : memref<16x128xf32, #tpu.memory_space<vmem>>, vector<1x16xf32>,
    %swap3A_488 = vector.shape_cast %swap3A_487 : vector<1x16xf32> to vector<16xf32>
    %swap3A_489 = vector.shape_cast %broadcast_in_dim3A_34 : vector<16xf32> to vector<1x16xf32>
    tpu.vector_store %arg21[%swap3A_485, %swap3A_486], %swap3A_489 {strides = array<i32>} : memref<16x128xf32, #tpu.memory_space<vmem>>, vector<1x16xf32>,
    %swap3A_490 = arith.constant 9 : i32
    %swap3A_491 = arith.index_cast %swap3A_490 : i32 to index
    %swap3A_492 = arith.constant 64 : index
    %swap3A_493 = tpu.vector_load %arg21[%swap3A_491, %swap3A_492] {strides = array<i32>} : memref<16x128xf32, #tpu.memory_space<vmem>>, vector<1x16xf32>,
    %swap3A_494 = vector.shape_cast %swap3A_493 : vector<1x16xf32> to vector<16xf32>
    %swap3A_495 = vector.shape_cast %broadcast_in_dim3A_34 : vector<16xf32> to vector<1x16xf32>
    tpu.vector_store %arg21[%swap3A_491, %swap3A_492], %swap3A_495 {strides = array<i32>} : memref<16x128xf32, #tpu.memory_space<vmem>>, vector<1x16xf32>,
    %swap3A_496 = arith.constant 9 : i32
    %swap3A_497 = arith.index_cast %swap3A_496 : i32 to index
    %swap3A_498 = arith.constant 80 : index
    %swap3A_499 = tpu.vector_load %arg21[%swap3A_497, %swap3A_498] {strides = array<i32>} : memref<16x128xf32, #tpu.memory_space<vmem>>, vector<1x16xf32>,
    %swap3A_500 = vector.shape_cast %swap3A_499 : vector<1x16xf32> to vector<16xf32>
    %swap3A_501 = vector.shape_cast %broadcast_in_dim3A_34 : vector<16xf32> to vector<1x16xf32>
    tpu.vector_store %arg21[%swap3A_497, %swap3A_498], %swap3A_501 {strides = array<i32>} : memref<16x128xf32, #tpu.memory_space<vmem>>, vector<1x16xf32>,
    %swap3A_502 = arith.constant 9 : i32
    %swap3A_503 = arith.index_cast %swap3A_502 : i32 to index
    %swap3A_504 = arith.constant 96 : index
    %swap3A_505 = tpu.vector_load %arg21[%swap3A_503, %swap3A_504] {strides = array<i32>} : memref<16x128xf32, #tpu.memory_space<vmem>>, vector<1x16xf32>,
    %swap3A_506 = vector.shape_cast %swap3A_505 : vector<1x16xf32> to vector<16xf32>
    %swap3A_507 = vector.shape_cast %broadcast_in_dim3A_34 : vector<16xf32> to vector<1x16xf32>
    tpu.vector_store %arg21[%swap3A_503, %swap3A_504], %swap3A_507 {strides = array<i32>} : memref<16x128xf32, #tpu.memory_space<vmem>>, vector<1x16xf32>,
    %swap3A_508 = arith.constant 9 : i32
    %swap3A_509 = arith.index_cast %swap3A_508 : i32 to index
    %swap3A_510 = arith.constant 112 : index
    %swap3A_511 = tpu.vector_load %arg21[%swap3A_509, %swap3A_510] {strides = array<i32>} : memref<16x128xf32, #tpu.memory_space<vmem>>, vector<1x16xf32>,
    %swap3A_512 = vector.shape_cast %swap3A_511 : vector<1x16xf32> to vector<16xf32>
    %swap3A_513 = vector.shape_cast %broadcast_in_dim3A_34 : vector<16xf32> to vector<1x16xf32>
    tpu.vector_store %arg21[%swap3A_509, %swap3A_510], %swap3A_513 {strides = array<i32>} : memref<16x128xf32, #tpu.memory_space<vmem>>, vector<1x16xf32>,
    %swap3A_514 = arith.constant 10 : i32
    %swap3A_515 = arith.index_cast %swap3A_514 : i32 to index
    %swap3A_516 = arith.constant 0 : index
    %swap3A_517 = tpu.vector_load %arg21[%swap3A_515, %swap3A_516] {strides = array<i32>} : memref<16x128xf32, #tpu.memory_space<vmem>>, vector<1x16xf32>,
    %swap3A_518 = vector.shape_cast %swap3A_517 : vector<1x16xf32> to vector<16xf32>
    %swap3A_519 = vector.shape_cast %broadcast_in_dim3A_34 : vector<16xf32> to vector<1x16xf32>
    tpu.vector_store %arg21[%swap3A_515, %swap3A_516], %swap3A_519 {strides = array<i32>} : memref<16x128xf32, #tpu.memory_space<vmem>>, vector<1x16xf32>,
    %swap3A_520 = arith.constant 10 : i32
    %swap3A_521 = arith.index_cast %swap3A_520 : i32 to index
    %swap3A_522 = arith.constant 16 : index
    %swap3A_523 = tpu.vector_load %arg21[%swap3A_521, %swap3A_522] {strides = array<i32>} : memref<16x128xf32, #tpu.memory_space<vmem>>, vector<1x16xf32>,
    %swap3A_524 = vector.shape_cast %swap3A_523 : vector<1x16xf32> to vector<16xf32>
    %swap3A_525 = vector.shape_cast %broadcast_in_dim3A_34 : vector<16xf32> to vector<1x16xf32>
    tpu.vector_store %arg21[%swap3A_521, %swap3A_522], %swap3A_525 {strides = array<i32>} : memref<16x128xf32, #tpu.memory_space<vmem>>, vector<1x16xf32>,
    %swap3A_526 = arith.constant 10 : i32
    %swap3A_527 = arith.index_cast %swap3A_526 : i32 to index
    %swap3A_528 = arith.constant 32 : index
    %swap3A_529 = tpu.vector_load %arg21[%swap3A_527, %swap3A_528] {strides = array<i32>} : memref<16x128xf32, #tpu.memory_space<vmem>>, vector<1x16xf32>,
    %swap3A_530 = vector.shape_cast %swap3A_529 : vector<1x16xf32> to vector<16xf32>
    %swap3A_531 = vector.shape_cast %broadcast_in_dim3A_34 : vector<16xf32> to vector<1x16xf32>
    tpu.vector_store %arg21[%swap3A_527, %swap3A_528], %swap3A_531 {strides = array<i32>} : memref<16x128xf32, #tpu.memory_space<vmem>>, vector<1x16xf32>,
    %swap3A_532 = arith.constant 10 : i32
    %swap3A_533 = arith.index_cast %swap3A_532 : i32 to index
    %swap3A_534 = arith.constant 48 : index
    %swap3A_535 = tpu.vector_load %arg21[%swap3A_533, %swap3A_534] {strides = array<i32>} : memref<16x128xf32, #tpu.memory_space<vmem>>, vector<1x16xf32>,
    %swap3A_536 = vector.shape_cast %swap3A_535 : vector<1x16xf32> to vector<16xf32>
    %swap3A_537 = vector.shape_cast %broadcast_in_dim3A_34 : vector<16xf32> to vector<1x16xf32>
    tpu.vector_store %arg21[%swap3A_533, %swap3A_534], %swap3A_537 {strides = array<i32>} : memref<16x128xf32, #tpu.memory_space<vmem>>, vector<1x16xf32>,
    %swap3A_538 = arith.constant 10 : i32
    %swap3A_539 = arith.index_cast %swap3A_538 : i32 to index
    %swap3A_540 = arith.constant 64 : index
    %swap3A_541 = tpu.vector_load %arg21[%swap3A_539, %swap3A_540] {strides = array<i32>} : memref<16x128xf32, #tpu.memory_space<vmem>>, vector<1x16xf32>,
    %swap3A_542 = vector.shape_cast %swap3A_541 : vector<1x16xf32> to vector<16xf32>
    %swap3A_543 = vector.shape_cast %broadcast_in_dim3A_34 : vector<16xf32> to vector<1x16xf32>
    tpu.vector_store %arg21[%swap3A_539, %swap3A_540], %swap3A_543 {strides = array<i32>} : memref<16x128xf32, #tpu.memory_space<vmem>>, vector<1x16xf32>,
    %swap3A_544 = arith.constant 10 : i32
    %swap3A_545 = arith.index_cast %swap3A_544 : i32 to index
    %swap3A_546 = arith.constant 80 : index
    %swap3A_547 = tpu.vector_load %arg21[%swap3A_545, %swap3A_546] {strides = array<i32>} : memref<16x128xf32, #tpu.memory_space<vmem>>, vector<1x16xf32>,
    %swap3A_548 = vector.shape_cast %swap3A_547 : vector<1x16xf32> to vector<16xf32>
    %swap3A_549 = vector.shape_cast %broadcast_in_dim3A_34 : vector<16xf32> to vector<1x16xf32>
    tpu.vector_store %arg21[%swap3A_545, %swap3A_546], %swap3A_549 {strides = array<i32>} : memref<16x128xf32, #tpu.memory_space<vmem>>, vector<1x16xf32>,
    %swap3A_550 = arith.constant 10 : i32
    %swap3A_551 = arith.index_cast %swap3A_550 : i32 to index
    %swap3A_552 = arith.constant 96 : index
    %swap3A_553 = tpu.vector_load %arg21[%swap3A_551, %swap3A_552] {strides = array<i32>} : memref<16x128xf32, #tpu.memory_space<vmem>>, vector<1x16xf32>,
    %swap3A_554 = vector.shape_cast %swap3A_553 : vector<1x16xf32> to vector<16xf32>
    %swap3A_555 = vector.shape_cast %broadcast_in_dim3A_34 : vector<16xf32> to vector<1x16xf32>
    tpu.vector_store %arg21[%swap3A_551, %swap3A_552], %swap3A_555 {strides = array<i32>} : memref<16x128xf32, #tpu.memory_space<vmem>>, vector<1x16xf32>,
    %swap3A_556 = arith.constant 10 : i32
    %swap3A_557 = arith.index_cast %swap3A_556 : i32 to index
    %swap3A_558 = arith.constant 112 : index
    %swap3A_559 = tpu.vector_load %arg21[%swap3A_557, %swap3A_558] {strides = array<i32>} : memref<16x128xf32, #tpu.memory_space<vmem>>, vector<1x16xf32>,
    %swap3A_560 = vector.shape_cast %swap3A_559 : vector<1x16xf32> to vector<16xf32>
    %swap3A_561 = vector.shape_cast %broadcast_in_dim3A_34 : vector<16xf32> to vector<1x16xf32>
    tpu.vector_store %arg21[%swap3A_557, %swap3A_558], %swap3A_561 {strides = array<i32>} : memref<16x128xf32, #tpu.memory_space<vmem>>, vector<1x16xf32>,
    %swap3A_562 = arith.constant 11 : i32
    %swap3A_563 = arith.index_cast %swap3A_562 : i32 to index
    %swap3A_564 = arith.constant 0 : index
    %swap3A_565 = tpu.vector_load %arg21[%swap3A_563, %swap3A_564] {strides = array<i32>} : memref<16x128xf32, #tpu.memory_space<vmem>>, vector<1x16xf32>,
    %swap3A_566 = vector.shape_cast %swap3A_565 : vector<1x16xf32> to vector<16xf32>
    %swap3A_567 = vector.shape_cast %broadcast_in_dim3A_34 : vector<16xf32> to vector<1x16xf32>
    tpu.vector_store %arg21[%swap3A_563, %swap3A_564], %swap3A_567 {strides = array<i32>} : memref<16x128xf32, #tpu.memory_space<vmem>>, vector<1x16xf32>,
    %swap3A_568 = arith.constant 11 : i32
    %swap3A_569 = arith.index_cast %swap3A_568 : i32 to index
    %swap3A_570 = arith.constant 16 : index
    %swap3A_571 = tpu.vector_load %arg21[%swap3A_569, %swap3A_570] {strides = array<i32>} : memref<16x128xf32, #tpu.memory_space<vmem>>, vector<1x16xf32>,
    %swap3A_572 = vector.shape_cast %swap3A_571 : vector<1x16xf32> to vector<16xf32>
    %swap3A_573 = vector.shape_cast %broadcast_in_dim3A_34 : vector<16xf32> to vector<1x16xf32>
    tpu.vector_store %arg21[%swap3A_569, %swap3A_570], %swap3A_573 {strides = array<i32>} : memref<16x128xf32, #tpu.memory_space<vmem>>, vector<1x16xf32>,
    %swap3A_574 = arith.constant 11 : i32
    %swap3A_575 = arith.index_cast %swap3A_574 : i32 to index
    %swap3A_576 = arith.constant 32 : index
    %swap3A_577 = tpu.vector_load %arg21[%swap3A_575, %swap3A_576] {strides = array<i32>} : memref<16x128xf32, #tpu.memory_space<vmem>>, vector<1x16xf32>,
    %swap3A_578 = vector.shape_cast %swap3A_577 : vector<1x16xf32> to vector<16xf32>
    %swap3A_579 = vector.shape_cast %broadcast_in_dim3A_34 : vector<16xf32> to vector<1x16xf32>
    tpu.vector_store %arg21[%swap3A_575, %swap3A_576], %swap3A_579 {strides = array<i32>} : memref<16x128xf32, #tpu.memory_space<vmem>>, vector<1x16xf32>,
    %swap3A_580 = arith.constant 11 : i32
    %swap3A_581 = arith.index_cast %swap3A_580 : i32 to index
    %swap3A_582 = arith.constant 48 : index
    %swap3A_583 = tpu.vector_load %arg21[%swap3A_581, %swap3A_582] {strides = array<i32>} : memref<16x128xf32, #tpu.memory_space<vmem>>, vector<1x16xf32>,
    %swap3A_584 = vector.shape_cast %swap3A_583 : vector<1x16xf32> to vector<16xf32>
    %swap3A_585 = vector.shape_cast %broadcast_in_dim3A_34 : vector<16xf32> to vector<1x16xf32>
    tpu.vector_store %arg21[%swap3A_581, %swap3A_582], %swap3A_585 {strides = array<i32>} : memref<16x128xf32, #tpu.memory_space<vmem>>, vector<1x16xf32>,
    %swap3A_586 = arith.constant 11 : i32
    %swap3A_587 = arith.index_cast %swap3A_586 : i32 to index
    %swap3A_588 = arith.constant 64 : index
    %swap3A_589 = tpu.vector_load %arg21[%swap3A_587, %swap3A_588] {strides = array<i32>} : memref<16x128xf32, #tpu.memory_space<vmem>>, vector<1x16xf32>,
    %swap3A_590 = vector.shape_cast %swap3A_589 : vector<1x16xf32> to vector<16xf32>
    %swap3A_591 = vector.shape_cast %broadcast_in_dim3A_34 : vector<16xf32> to vector<1x16xf32>
    tpu.vector_store %arg21[%swap3A_587, %swap3A_588], %swap3A_591 {strides = array<i32>} : memref<16x128xf32, #tpu.memory_space<vmem>>, vector<1x16xf32>,
    %swap3A_592 = arith.constant 11 : i32
    %swap3A_593 = arith.index_cast %swap3A_592 : i32 to index
    %swap3A_594 = arith.constant 80 : index
    %swap3A_595 = tpu.vector_load %arg21[%swap3A_593, %swap3A_594] {strides = array<i32>} : memref<16x128xf32, #tpu.memory_space<vmem>>, vector<1x16xf32>,
    %swap3A_596 = vector.shape_cast %swap3A_595 : vector<1x16xf32> to vector<16xf32>
    %swap3A_597 = vector.shape_cast %broadcast_in_dim3A_34 : vector<16xf32> to vector<1x16xf32>
    tpu.vector_store %arg21[%swap3A_593, %swap3A_594], %swap3A_597 {strides = array<i32>} : memref<16x128xf32, #tpu.memory_space<vmem>>, vector<1x16xf32>,
    %swap3A_598 = arith.constant 11 : i32
    %swap3A_599 = arith.index_cast %swap3A_598 : i32 to index
    %swap3A_600 = arith.constant 96 : index
    %swap3A_601 = tpu.vector_load %arg21[%swap3A_599, %swap3A_600] {strides = array<i32>} : memref<16x128xf32, #tpu.memory_space<vmem>>, vector<1x16xf32>,
    %swap3A_602 = vector.shape_cast %swap3A_601 : vector<1x16xf32> to vector<16xf32>
    %swap3A_603 = vector.shape_cast %broadcast_in_dim3A_34 : vector<16xf32> to vector<1x16xf32>
    tpu.vector_store %arg21[%swap3A_599, %swap3A_600], %swap3A_603 {strides = array<i32>} : memref<16x128xf32, #tpu.memory_space<vmem>>, vector<1x16xf32>,
    %swap3A_604 = arith.constant 11 : i32
    %swap3A_605 = arith.index_cast %swap3A_604 : i32 to index
    %swap3A_606 = arith.constant 112 : index
    %swap3A_607 = tpu.vector_load %arg21[%swap3A_605, %swap3A_606] {strides = array<i32>} : memref<16x128xf32, #tpu.memory_space<vmem>>, vector<1x16xf32>,
    %swap3A_608 = vector.shape_cast %swap3A_607 : vector<1x16xf32> to vector<16xf32>
    %swap3A_609 = vector.shape_cast %broadcast_in_dim3A_34 : vector<16xf32> to vector<1x16xf32>
    tpu.vector_store %arg21[%swap3A_605, %swap3A_606], %swap3A_609 {strides = array<i32>} : memref<16x128xf32, #tpu.memory_space<vmem>>, vector<1x16xf32>,
    %swap3A_610 = arith.constant 12 : i32
    %swap3A_611 = arith.index_cast %swap3A_610 : i32 to index
    %swap3A_612 = arith.constant 0 : index
    %swap3A_613 = tpu.vector_load %arg21[%swap3A_611, %swap3A_612] {strides = array<i32>} : memref<16x128xf32, #tpu.memory_space<vmem>>, vector<1x16xf32>,
    %swap3A_614 = vector.shape_cast %swap3A_613 : vector<1x16xf32> to vector<16xf32>
    %swap3A_615 = vector.shape_cast %broadcast_in_dim3A_34 : vector<16xf32> to vector<1x16xf32>
    tpu.vector_store %arg21[%swap3A_611, %swap3A_612], %swap3A_615 {strides = array<i32>} : memref<16x128xf32, #tpu.memory_space<vmem>>, vector<1x16xf32>,
    %swap3A_616 = arith.constant 12 : i32
    %swap3A_617 = arith.index_cast %swap3A_616 : i32 to index
    %swap3A_618 = arith.constant 16 : index
    %swap3A_619 = tpu.vector_load %arg21[%swap3A_617, %swap3A_618] {strides = array<i32>} : memref<16x128xf32, #tpu.memory_space<vmem>>, vector<1x16xf32>,
    %swap3A_620 = vector.shape_cast %swap3A_619 : vector<1x16xf32> to vector<16xf32>
    %swap3A_621 = vector.shape_cast %broadcast_in_dim3A_34 : vector<16xf32> to vector<1x16xf32>
    tpu.vector_store %arg21[%swap3A_617, %swap3A_618], %swap3A_621 {strides = array<i32>} : memref<16x128xf32, #tpu.memory_space<vmem>>, vector<1x16xf32>,
    %swap3A_622 = arith.constant 12 : i32
    %swap3A_623 = arith.index_cast %swap3A_622 : i32 to index
    %swap3A_624 = arith.constant 32 : index
    %swap3A_625 = tpu.vector_load %arg21[%swap3A_623, %swap3A_624] {strides = array<i32>} : memref<16x128xf32, #tpu.memory_space<vmem>>, vector<1x16xf32>,
    %swap3A_626 = vector.shape_cast %swap3A_625 : vector<1x16xf32> to vector<16xf32>
    %swap3A_627 = vector.shape_cast %broadcast_in_dim3A_34 : vector<16xf32> to vector<1x16xf32>
    tpu.vector_store %arg21[%swap3A_623, %swap3A_624], %swap3A_627 {strides = array<i32>} : memref<16x128xf32, #tpu.memory_space<vmem>>, vector<1x16xf32>,
    %swap3A_628 = arith.constant 12 : i32
    %swap3A_629 = arith.index_cast %swap3A_628 : i32 to index
    %swap3A_630 = arith.constant 48 : index
    %swap3A_631 = tpu.vector_load %arg21[%swap3A_629, %swap3A_630] {strides = array<i32>} : memref<16x128xf32, #tpu.memory_space<vmem>>, vector<1x16xf32>,
    %swap3A_632 = vector.shape_cast %swap3A_631 : vector<1x16xf32> to vector<16xf32>
    %swap3A_633 = vector.shape_cast %broadcast_in_dim3A_34 : vector<16xf32> to vector<1x16xf32>
    tpu.vector_store %arg21[%swap3A_629, %swap3A_630], %swap3A_633 {strides = array<i32>} : memref<16x128xf32, #tpu.memory_space<vmem>>, vector<1x16xf32>,
    %swap3A_634 = arith.constant 12 : i32
    %swap3A_635 = arith.index_cast %swap3A_634 : i32 to index
    %swap3A_636 = arith.constant 64 : index
    %swap3A_637 = tpu.vector_load %arg21[%swap3A_635, %swap3A_636] {strides = array<i32>} : memref<16x128xf32, #tpu.memory_space<vmem>>, vector<1x16xf32>,
    %swap3A_638 = vector.shape_cast %swap3A_637 : vector<1x16xf32> to vector<16xf32>
    %swap3A_639 = vector.shape_cast %broadcast_in_dim3A_34 : vector<16xf32> to vector<1x16xf32>
    tpu.vector_store %arg21[%swap3A_635, %swap3A_636], %swap3A_639 {strides = array<i32>} : memref<16x128xf32, #tpu.memory_space<vmem>>, vector<1x16xf32>,
    %swap3A_640 = arith.constant 12 : i32
    %swap3A_641 = arith.index_cast %swap3A_640 : i32 to index
    %swap3A_642 = arith.constant 80 : index
    %swap3A_643 = tpu.vector_load %arg21[%swap3A_641, %swap3A_642] {strides = array<i32>} : memref<16x128xf32, #tpu.memory_space<vmem>>, vector<1x16xf32>,
    %swap3A_644 = vector.shape_cast %swap3A_643 : vector<1x16xf32> to vector<16xf32>
    %swap3A_645 = vector.shape_cast %broadcast_in_dim3A_34 : vector<16xf32> to vector<1x16xf32>
    tpu.vector_store %arg21[%swap3A_641, %swap3A_642], %swap3A_645 {strides = array<i32>} : memref<16x128xf32, #tpu.memory_space<vmem>>, vector<1x16xf32>,
    %swap3A_646 = arith.constant 12 : i32
    %swap3A_647 = arith.index_cast %swap3A_646 : i32 to index
    %swap3A_648 = arith.constant 96 : index
    %swap3A_649 = tpu.vector_load %arg21[%swap3A_647, %swap3A_648] {strides = array<i32>} : memref<16x128xf32, #tpu.memory_space<vmem>>, vector<1x16xf32>,
    %swap3A_650 = vector.shape_cast %swap3A_649 : vector<1x16xf32> to vector<16xf32>
    %swap3A_651 = vector.shape_cast %broadcast_in_dim3A_34 : vector<16xf32> to vector<1x16xf32>
    tpu.vector_store %arg21[%swap3A_647, %swap3A_648], %swap3A_651 {strides = array<i32>} : memref<16x128xf32, #tpu.memory_space<vmem>>, vector<1x16xf32>,
    %swap3A_652 = arith.constant 12 : i32
    %swap3A_653 = arith.index_cast %swap3A_652 : i32 to index
    %swap3A_654 = arith.constant 112 : index
    %swap3A_655 = tpu.vector_load %arg21[%swap3A_653, %swap3A_654] {strides = array<i32>} : memref<16x128xf32, #tpu.memory_space<vmem>>, vector<1x16xf32>,
    %swap3A_656 = vector.shape_cast %swap3A_655 : vector<1x16xf32> to vector<16xf32>
    %swap3A_657 = vector.shape_cast %broadcast_in_dim3A_34 : vector<16xf32> to vector<1x16xf32>
    tpu.vector_store %arg21[%swap3A_653, %swap3A_654], %swap3A_657 {strides = array<i32>} : memref<16x128xf32, #tpu.memory_space<vmem>>, vector<1x16xf32>,
    %swap3A_658 = arith.constant 13 : i32
    %swap3A_659 = arith.index_cast %swap3A_658 : i32 to index
    %swap3A_660 = arith.constant 0 : index
    %swap3A_661 = tpu.vector_load %arg21[%swap3A_659, %swap3A_660] {strides = array<i32>} : memref<16x128xf32, #tpu.memory_space<vmem>>, vector<1x16xf32>,
    %swap3A_662 = vector.shape_cast %swap3A_661 : vector<1x16xf32> to vector<16xf32>
    %swap3A_663 = vector.shape_cast %broadcast_in_dim3A_34 : vector<16xf32> to vector<1x16xf32>
    tpu.vector_store %arg21[%swap3A_659, %swap3A_660], %swap3A_663 {strides = array<i32>} : memref<16x128xf32, #tpu.memory_space<vmem>>, vector<1x16xf32>,
    %swap3A_664 = arith.constant 13 : i32
    %swap3A_665 = arith.index_cast %swap3A_664 : i32 to index
    %swap3A_666 = arith.constant 16 : index
    %swap3A_667 = tpu.vector_load %arg21[%swap3A_665, %swap3A_666] {strides = array<i32>} : memref<16x128xf32, #tpu.memory_space<vmem>>, vector<1x16xf32>,
    %swap3A_668 = vector.shape_cast %swap3A_667 : vector<1x16xf32> to vector<16xf32>
    %swap3A_669 = vector.shape_cast %broadcast_in_dim3A_34 : vector<16xf32> to vector<1x16xf32>
    tpu.vector_store %arg21[%swap3A_665, %swap3A_666], %swap3A_669 {strides = array<i32>} : memref<16x128xf32, #tpu.memory_space<vmem>>, vector<1x16xf32>,
    %swap3A_670 = arith.constant 13 : i32
    %swap3A_671 = arith.index_cast %swap3A_670 : i32 to index
    %swap3A_672 = arith.constant 32 : index
    %swap3A_673 = tpu.vector_load %arg21[%swap3A_671, %swap3A_672] {strides = array<i32>} : memref<16x128xf32, #tpu.memory_space<vmem>>, vector<1x16xf32>,
    %swap3A_674 = vector.shape_cast %swap3A_673 : vector<1x16xf32> to vector<16xf32>
    %swap3A_675 = vector.shape_cast %broadcast_in_dim3A_34 : vector<16xf32> to vector<1x16xf32>
    tpu.vector_store %arg21[%swap3A_671, %swap3A_672], %swap3A_675 {strides = array<i32>} : memref<16x128xf32, #tpu.memory_space<vmem>>, vector<1x16xf32>,
    %swap3A_676 = arith.constant 13 : i32
    %swap3A_677 = arith.index_cast %swap3A_676 : i32 to index
    %swap3A_678 = arith.constant 48 : index
    %swap3A_679 = tpu.vector_load %arg21[%swap3A_677, %swap3A_678] {strides = array<i32>} : memref<16x128xf32, #tpu.memory_space<vmem>>, vector<1x16xf32>,
    %swap3A_680 = vector.shape_cast %swap3A_679 : vector<1x16xf32> to vector<16xf32>
    %swap3A_681 = vector.shape_cast %broadcast_in_dim3A_34 : vector<16xf32> to vector<1x16xf32>
    tpu.vector_store %arg21[%swap3A_677, %swap3A_678], %swap3A_681 {strides = array<i32>} : memref<16x128xf32, #tpu.memory_space<vmem>>, vector<1x16xf32>,
    %swap3A_682 = arith.constant 13 : i32
    %swap3A_683 = arith.index_cast %swap3A_682 : i32 to index
    %swap3A_684 = arith.constant 64 : index
    %swap3A_685 = tpu.vector_load %arg21[%swap3A_683, %swap3A_684] {strides = array<i32>} : memref<16x128xf32, #tpu.memory_space<vmem>>, vector<1x16xf32>,
    %swap3A_686 = vector.shape_cast %swap3A_685 : vector<1x16xf32> to vector<16xf32>
    %swap3A_687 = vector.shape_cast %broadcast_in_dim3A_34 : vector<16xf32> to vector<1x16xf32>
    tpu.vector_store %arg21[%swap3A_683, %swap3A_684], %swap3A_687 {strides = array<i32>} : memref<16x128xf32, #tpu.memory_space<vmem>>, vector<1x16xf32>,
    %swap3A_688 = arith.constant 13 : i32
    %swap3A_689 = arith.index_cast %swap3A_688 : i32 to index
    %swap3A_690 = arith.constant 80 : index
    %swap3A_691 = tpu.vector_load %arg21[%swap3A_689, %swap3A_690] {strides = array<i32>} : memref<16x128xf32, #tpu.memory_space<vmem>>, vector<1x16xf32>,
    %swap3A_692 = vector.shape_cast %swap3A_691 : vector<1x16xf32> to vector<16xf32>
    %swap3A_693 = vector.shape_cast %broadcast_in_dim3A_34 : vector<16xf32> to vector<1x16xf32>
    tpu.vector_store %arg21[%swap3A_689, %swap3A_690], %swap3A_693 {strides = array<i32>} : memref<16x128xf32, #tpu.memory_space<vmem>>, vector<1x16xf32>,
    %swap3A_694 = arith.constant 13 : i32
    %swap3A_695 = arith.index_cast %swap3A_694 : i32 to index
    %swap3A_696 = arith.constant 96 : index
    %swap3A_697 = tpu.vector_load %arg21[%swap3A_695, %swap3A_696] {strides = array<i32>} : memref<16x128xf32, #tpu.memory_space<vmem>>, vector<1x16xf32>,
    %swap3A_698 = vector.shape_cast %swap3A_697 : vector<1x16xf32> to vector<16xf32>
    %swap3A_699 = vector.shape_cast %broadcast_in_dim3A_34 : vector<16xf32> to vector<1x16xf32>
    tpu.vector_store %arg21[%swap3A_695, %swap3A_696], %swap3A_699 {strides = array<i32>} : memref<16x128xf32, #tpu.memory_space<vmem>>, vector<1x16xf32>,
    %swap3A_700 = arith.constant 13 : i32
    %swap3A_701 = arith.index_cast %swap3A_700 : i32 to index
    %swap3A_702 = arith.constant 112 : index
    %swap3A_703 = tpu.vector_load %arg21[%swap3A_701, %swap3A_702] {strides = array<i32>} : memref<16x128xf32, #tpu.memory_space<vmem>>, vector<1x16xf32>,
    %swap3A_704 = vector.shape_cast %swap3A_703 : vector<1x16xf32> to vector<16xf32>
    %swap3A_705 = vector.shape_cast %broadcast_in_dim3A_34 : vector<16xf32> to vector<1x16xf32>
    tpu.vector_store %arg21[%swap3A_701, %swap3A_702], %swap3A_705 {strides = array<i32>} : memref<16x128xf32, #tpu.memory_space<vmem>>, vector<1x16xf32>,
    %swap3A_706 = arith.constant 14 : i32
    %swap3A_707 = arith.index_cast %swap3A_706 : i32 to index
    %swap3A_708 = arith.constant 0 : index
    %swap3A_709 = tpu.vector_load %arg21[%swap3A_707, %swap3A_708] {strides = array<i32>} : memref<16x128xf32, #tpu.memory_space<vmem>>, vector<1x16xf32>,
    %swap3A_710 = vector.shape_cast %swap3A_709 : vector<1x16xf32> to vector<16xf32>
    %swap3A_711 = vector.shape_cast %broadcast_in_dim3A_34 : vector<16xf32> to vector<1x16xf32>
    tpu.vector_store %arg21[%swap3A_707, %swap3A_708], %swap3A_711 {strides = array<i32>} : memref<16x128xf32, #tpu.memory_space<vmem>>, vector<1x16xf32>,
    %swap3A_712 = arith.constant 14 : i32
    %swap3A_713 = arith.index_cast %swap3A_712 : i32 to index
    %swap3A_714 = arith.constant 16 : index
    %swap3A_715 = tpu.vector_load %arg21[%swap3A_713, %swap3A_714] {strides = array<i32>} : memref<16x128xf32, #tpu.memory_space<vmem>>, vector<1x16xf32>,
    %swap3A_716 = vector.shape_cast %swap3A_715 : vector<1x16xf32> to vector<16xf32>
    %swap3A_717 = vector.shape_cast %broadcast_in_dim3A_34 : vector<16xf32> to vector<1x16xf32>
    tpu.vector_store %arg21[%swap3A_713, %swap3A_714], %swap3A_717 {strides = array<i32>} : memref<16x128xf32, #tpu.memory_space<vmem>>, vector<1x16xf32>,
    %swap3A_718 = arith.constant 14 : i32
    %swap3A_719 = arith.index_cast %swap3A_718 : i32 to index
    %swap3A_720 = arith.constant 32 : index
    %swap3A_721 = tpu.vector_load %arg21[%swap3A_719, %swap3A_720] {strides = array<i32>} : memref<16x128xf32, #tpu.memory_space<vmem>>, vector<1x16xf32>,
    %swap3A_722 = vector.shape_cast %swap3A_721 : vector<1x16xf32> to vector<16xf32>
    %swap3A_723 = vector.shape_cast %broadcast_in_dim3A_34 : vector<16xf32> to vector<1x16xf32>
    tpu.vector_store %arg21[%swap3A_719, %swap3A_720], %swap3A_723 {strides = array<i32>} : memref<16x128xf32, #tpu.memory_space<vmem>>, vector<1x16xf32>,
    %swap3A_724 = arith.constant 14 : i32
    %swap3A_725 = arith.index_cast %swap3A_724 : i32 to index
    %swap3A_726 = arith.constant 48 : index
    %swap3A_727 = tpu.vector_load %arg21[%swap3A_725, %swap3A_726] {strides = array<i32>} : memref<16x128xf32, #tpu.memory_space<vmem>>, vector<1x16xf32>,
    %swap3A_728 = vector.shape_cast %swap3A_727 : vector<1x16xf32> to vector<16xf32>
    %swap3A_729 = vector.shape_cast %broadcast_in_dim3A_34 : vector<16xf32> to vector<1x16xf32>
    tpu.vector_store %arg21[%swap3A_725, %swap3A_726], %swap3A_729 {strides = array<i32>} : memref<16x128xf32, #tpu.memory_space<vmem>>, vector<1x16xf32>,
    %swap3A_730 = arith.constant 14 : i32
    %swap3A_731 = arith.index_cast %swap3A_730 : i32 to index
    %swap3A_732 = arith.constant 64 : index
    %swap3A_733 = tpu.vector_load %arg21[%swap3A_731, %swap3A_732] {strides = array<i32>} : memref<16x128xf32, #tpu.memory_space<vmem>>, vector<1x16xf32>,
    %swap3A_734 = vector.shape_cast %swap3A_733 : vector<1x16xf32> to vector<16xf32>
    %swap3A_735 = vector.shape_cast %broadcast_in_dim3A_34 : vector<16xf32> to vector<1x16xf32>
    tpu.vector_store %arg21[%swap3A_731, %swap3A_732], %swap3A_735 {strides = array<i32>} : memref<16x128xf32, #tpu.memory_space<vmem>>, vector<1x16xf32>,
    %swap3A_736 = arith.constant 14 : i32
    %swap3A_737 = arith.index_cast %swap3A_736 : i32 to index
    %swap3A_738 = arith.constant 80 : index
    %swap3A_739 = tpu.vector_load %arg21[%swap3A_737, %swap3A_738] {strides = array<i32>} : memref<16x128xf32, #tpu.memory_space<vmem>>, vector<1x16xf32>,
    %swap3A_740 = vector.shape_cast %swap3A_739 : vector<1x16xf32> to vector<16xf32>
    %swap3A_741 = vector.shape_cast %broadcast_in_dim3A_34 : vector<16xf32> to vector<1x16xf32>
    tpu.vector_store %arg21[%swap3A_737, %swap3A_738], %swap3A_741 {strides = array<i32>} : memref<16x128xf32, #tpu.memory_space<vmem>>, vector<1x16xf32>,
    %swap3A_742 = arith.constant 14 : i32
    %swap3A_743 = arith.index_cast %swap3A_742 : i32 to index
    %swap3A_744 = arith.constant 96 : index
    %swap3A_745 = tpu.vector_load %arg21[%swap3A_743, %swap3A_744] {strides = array<i32>} : memref<16x128xf32, #tpu.memory_space<vmem>>, vector<1x16xf32>,
    %swap3A_746 = vector.shape_cast %swap3A_745 : vector<1x16xf32> to vector<16xf32>
    %swap3A_747 = vector.shape_cast %broadcast_in_dim3A_34 : vector<16xf32> to vector<1x16xf32>
    tpu.vector_store %arg21[%swap3A_743, %swap3A_744], %swap3A_747 {strides = array<i32>} : memref<16x128xf32, #tpu.memory_space<vmem>>, vector<1x16xf32>,
    %swap3A_748 = arith.constant 14 : i32
    %swap3A_749 = arith.index_cast %swap3A_748 : i32 to index
    %swap3A_750 = arith.constant 112 : index
    %swap3A_751 = tpu.vector_load %arg21[%swap3A_749, %swap3A_750] {strides = array<i32>} : memref<16x128xf32, #tpu.memory_space<vmem>>, vector<1x16xf32>,
    %swap3A_752 = vector.shape_cast %swap3A_751 : vector<1x16xf32> to vector<16xf32>
    %swap3A_753 = vector.shape_cast %broadcast_in_dim3A_34 : vector<16xf32> to vector<1x16xf32>
    tpu.vector_store %arg21[%swap3A_749, %swap3A_750], %swap3A_753 {strides = array<i32>} : memref<16x128xf32, #tpu.memory_space<vmem>>, vector<1x16xf32>,
    %swap3A_754 = arith.constant 15 : i32
    %swap3A_755 = arith.index_cast %swap3A_754 : i32 to index
    %swap3A_756 = arith.constant 0 : index
    %swap3A_757 = tpu.vector_load %arg21[%swap3A_755, %swap3A_756] {strides = array<i32>} : memref<16x128xf32, #tpu.memory_space<vmem>>, vector<1x16xf32>,
    %swap3A_758 = vector.shape_cast %swap3A_757 : vector<1x16xf32> to vector<16xf32>
    %swap3A_759 = vector.shape_cast %broadcast_in_dim3A_34 : vector<16xf32> to vector<1x16xf32>
    tpu.vector_store %arg21[%swap3A_755, %swap3A_756], %swap3A_759 {strides = array<i32>} : memref<16x128xf32, #tpu.memory_space<vmem>>, vector<1x16xf32>,
    %swap3A_760 = arith.constant 15 : i32
    %swap3A_761 = arith.index_cast %swap3A_760 : i32 to index
    %swap3A_762 = arith.constant 16 : index
    %swap3A_763 = tpu.vector_load %arg21[%swap3A_761, %swap3A_762] {strides = array<i32>} : memref<16x128xf32, #tpu.memory_space<vmem>>, vector<1x16xf32>,
    %swap3A_764 = vector.shape_cast %swap3A_763 : vector<1x16xf32> to vector<16xf32>
    %swap3A_765 = vector.shape_cast %broadcast_in_dim3A_34 : vector<16xf32> to vector<1x16xf32>
    tpu.vector_store %arg21[%swap3A_761, %swap3A_762], %swap3A_765 {strides = array<i32>} : memref<16x128xf32, #tpu.memory_space<vmem>>, vector<1x16xf32>,
    %swap3A_766 = arith.constant 15 : i32
    %swap3A_767 = arith.index_cast %swap3A_766 : i32 to index
    %swap3A_768 = arith.constant 32 : index
    %swap3A_769 = tpu.vector_load %arg21[%swap3A_767, %swap3A_768] {strides = array<i32>} : memref<16x128xf32, #tpu.memory_space<vmem>>, vector<1x16xf32>,
    %swap3A_770 = vector.shape_cast %swap3A_769 : vector<1x16xf32> to vector<16xf32>
    %swap3A_771 = vector.shape_cast %broadcast_in_dim3A_34 : vector<16xf32> to vector<1x16xf32>
    tpu.vector_store %arg21[%swap3A_767, %swap3A_768], %swap3A_771 {strides = array<i32>} : memref<16x128xf32, #tpu.memory_space<vmem>>, vector<1x16xf32>,
    %swap3A_772 = arith.constant 15 : i32
    %swap3A_773 = arith.index_cast %swap3A_772 : i32 to index
    %swap3A_774 = arith.constant 48 : index
    %swap3A_775 = tpu.vector_load %arg21[%swap3A_773, %swap3A_774] {strides = array<i32>} : memref<16x128xf32, #tpu.memory_space<vmem>>, vector<1x16xf32>,
    %swap3A_776 = vector.shape_cast %swap3A_775 : vector<1x16xf32> to vector<16xf32>
    %swap3A_777 = vector.shape_cast %broadcast_in_dim3A_34 : vector<16xf32> to vector<1x16xf32>
    tpu.vector_store %arg21[%swap3A_773, %swap3A_774], %swap3A_777 {strides = array<i32>} : memref<16x128xf32, #tpu.memory_space<vmem>>, vector<1x16xf32>,
    %swap3A_778 = arith.constant 15 : i32
    %swap3A_779 = arith.index_cast %swap3A_778 : i32 to index
    %swap3A_780 = arith.constant 64 : index
    %swap3A_781 = tpu.vector_load %arg21[%swap3A_779, %swap3A_780] {strides = array<i32>} : memref<16x128xf32, #tpu.memory_space<vmem>>, vector<1x16xf32>,
    %swap3A_782 = vector.shape_cast %swap3A_781 : vector<1x16xf32> to vector<16xf32>
    %swap3A_783 = vector.shape_cast %broadcast_in_dim3A_34 : vector<16xf32> to vector<1x16xf32>
    tpu.vector_store %arg21[%swap3A_779, %swap3A_780], %swap3A_783 {strides = array<i32>} : memref<16x128xf32, #tpu.memory_space<vmem>>, vector<1x16xf32>,
    %swap3A_784 = arith.constant 15 : i32
    %swap3A_785 = arith.index_cast %swap3A_784 : i32 to index
    %swap3A_786 = arith.constant 80 : index
    %swap3A_787 = tpu.vector_load %arg21[%swap3A_785, %swap3A_786] {strides = array<i32>} : memref<16x128xf32, #tpu.memory_space<vmem>>, vector<1x16xf32>,
    %swap3A_788 = vector.shape_cast %swap3A_787 : vector<1x16xf32> to vector<16xf32>
    %swap3A_789 = vector.shape_cast %broadcast_in_dim3A_34 : vector<16xf32> to vector<1x16xf32>
    tpu.vector_store %arg21[%swap3A_785, %swap3A_786], %swap3A_789 {strides = array<i32>} : memref<16x128xf32, #tpu.memory_space<vmem>>, vector<1x16xf32>,
    %swap3A_790 = arith.constant 15 : i32
    %swap3A_791 = arith.index_cast %swap3A_790 : i32 to index
    %swap3A_792 = arith.constant 96 : index
    %swap3A_793 = tpu.vector_load %arg21[%swap3A_791, %swap3A_792] {strides = array<i32>} : memref<16x128xf32, #tpu.memory_space<vmem>>, vector<1x16xf32>,
    %swap3A_794 = vector.shape_cast %swap3A_793 : vector<1x16xf32> to vector<16xf32>
    %swap3A_795 = vector.shape_cast %broadcast_in_dim3A_34 : vector<16xf32> to vector<1x16xf32>
    tpu.vector_store %arg21[%swap3A_791, %swap3A_792], %swap3A_795 {strides = array<i32>} : memref<16x128xf32, #tpu.memory_space<vmem>>, vector<1x16xf32>,
    %swap3A_796 = arith.constant 15 : i32
    %swap3A_797 = arith.index_cast %swap3A_796 : i32 to index
    %swap3A_798 = arith.constant 112 : index
    %swap3A_799 = tpu.vector_load %arg21[%swap3A_797, %swap3A_798] {strides = array<i32>} : memref<16x128xf32, #tpu.memory_space<vmem>>, vector<1x16xf32>,
    %swap3A_800 = vector.shape_cast %swap3A_799 : vector<1x16xf32> to vector<16xf32>
    %swap3A_801 = vector.shape_cast %broadcast_in_dim3A_34 : vector<16xf32> to vector<1x16xf32>
    tpu.vector_store %arg21[%swap3A_797, %swap3A_798], %swap3A_801 {strides = array<i32>} : memref<16x128xf32, #tpu.memory_space<vmem>>, vector<1x16xf32>,
    %scan3A = arith.constant 0 : i32
    %scan3A_802 = arith.constant 0 : i32
    %scan3A_803 = arith.constant 39 : i32
    %scan3A_804 = arith.addi %scan3A_802, %scan3A_803 : i32
    %scan3A_805 = arith.constant 1 : i32
    scf.for %scan3A_1224 = %scan3A_802 to %scan3A_804 step %scan3A_805  : i32 {
      %mul3A_1225 = arith.constant 624 : i32
      %mul3A_1226 = arith.muli %arg1, %mul3A_1225 : i32
      %mul3A_1227 = arith.constant 16 : i32
      %mul3A_1228 = arith.muli %scan3A_1224, %mul3A_1227 : i32
      %add3A_1229 = arith.addi %mul3A_1226, %mul3A_1228 : i32
      "tpu.region"() ({
        %run_scoped3A = tpu.sem_alloc : memref<!tpu.dma_semaphore, #tpu.memory_space<semaphore_mem>>
        %dma_start3A_1230 = arith.constant 0 : i32
        %dma_start3A_1231 = tpu.memref_slice %arg22[%add3A_1229, %dma_start3A_1230] : memref<10000x128xf32, #tpu.memory_space<vmem_shared>> -> memref<16x128xf32, #tpu.memory_space<vmem_shared>>
        %dma_start3A_1232 = arith.constant 0 : i32
        %dma_start3A_1233 = tpu.memref_slice %arg22[%add3A_1229, %dma_start3A_1232] : memref<10000x128xf32, #tpu.memory_space<vmem_shared>> -> memref<16x128xf32, #tpu.memory_space<vmem_shared>>
        tpu.enqueue_dma source(%arg21 : memref<16x128xf32, #tpu.memory_space<vmem>>) target(%dma_start3A_1233 : memref<16x128xf32, #tpu.memory_space<vmem_shared>>) target_semaphore(%run_scoped3A : memref<!tpu.dma_semaphore, #tpu.memory_space<semaphore_mem>>)
        %dma_wait3A_1234 = arith.constant 0 : i32
        %dma_wait3A_1235 = tpu.memref_slice %arg22[%add3A_1229, %dma_wait3A_1234] : memref<10000x128xf32, #tpu.memory_space<vmem_shared>> -> memref<16x128xf32, #tpu.memory_space<vmem_shared>>
        %dma_wait3A_1236 = arith.constant 0 : i32
        %dma_wait3A_1237 = tpu.memref_slice %arg22[%add3A_1229, %dma_wait3A_1236] : memref<10000x128xf32, #tpu.memory_space<vmem_shared>> -> memref<16x128xf32, #tpu.memory_space<vmem_shared>>
        tpu.wait_dma2 semaphore(%run_scoped3A : memref<!tpu.dma_semaphore, #tpu.memory_space<semaphore_mem>>) src(%arg21 : memref<16x128xf32, #tpu.memory_space<vmem>>) dst(%dma_wait3A_1237 : memref<16x128xf32, #tpu.memory_space<vmem_shared>>)
        tpu.yield
      }) : () -> ()
    }
    %scan3A_806 = arith.constant 39 : i32
    %eq3A = arith.constant 15 : i32
    %eq3A_807 = arith.cmpi eq, %arg1, %eq3A : i32
    %convert_element_type3A = arith.extui %eq3A_807 : i1 to i32
    %cond3A = arith.constant 0 : i32
    %cond3A_808 = arith.cmpi ne, %convert_element_type3A, %cond3A : i32
    scf.if %cond3A_808 {
      "tpu.region"() ({
        %run_scoped3A = tpu.sem_alloc : memref<!tpu.dma_semaphore, #tpu.memory_space<semaphore_mem>>
        %dma_start3A_1224 = arith.constant 9984 : i32
        %dma_start3A_1225 = arith.constant 0 : i32
        %dma_start3A_1226 = tpu.memref_slice %arg22[%dma_start3A_1224, %dma_start3A_1225] : memref<10000x128xf32, #tpu.memory_space<vmem_shared>> -> memref<16x128xf32, #tpu.memory_space<vmem_shared>>
        %dma_start3A_1227 = arith.constant 9984 : i32
        %dma_start3A_1228 = arith.constant 0 : i32
        %dma_start3A_1229 = tpu.memref_slice %arg22[%dma_start3A_1227, %dma_start3A_1228] : memref<10000x128xf32, #tpu.memory_space<vmem_shared>> -> memref<16x128xf32, #tpu.memory_space<vmem_shared>>
        tpu.enqueue_dma source(%arg21 : memref<16x128xf32, #tpu.memory_space<vmem>>) target(%dma_start3A_1229 : memref<16x128xf32, #tpu.memory_space<vmem_shared>>) target_semaphore(%run_scoped3A : memref<!tpu.dma_semaphore, #tpu.memory_space<semaphore_mem>>)
        %dma_wait3A_1230 = arith.constant 9984 : i32
        %dma_wait3A_1231 = arith.constant 0 : i32
        %dma_wait3A_1232 = tpu.memref_slice %arg22[%dma_wait3A_1230, %dma_wait3A_1231] : memref<10000x128xf32, #tpu.memory_space<vmem_shared>> -> memref<16x128xf32, #tpu.memory_space<vmem_shared>>
        %dma_wait3A_1233 = arith.constant 9984 : i32
        %dma_wait3A_1234 = arith.constant 0 : i32
        %dma_wait3A_1235 = tpu.memref_slice %arg22[%dma_wait3A_1233, %dma_wait3A_1234] : memref<10000x128xf32, #tpu.memory_space<vmem_shared>> -> memref<16x128xf32, #tpu.memory_space<vmem_shared>>
        tpu.wait_dma2 semaphore(%run_scoped3A : memref<!tpu.dma_semaphore, #tpu.memory_space<semaphore_mem>>) src(%arg21 : memref<16x128xf32, #tpu.memory_space<vmem>>) dst(%dma_wait3A_1235 : memref<16x128xf32, #tpu.memory_space<vmem_shared>>)
        tpu.yield
      }) : () -> ()
    } else {
    }
    %barrier3A = arith.constant 0 : index
    tpu.barrier barrier_id(%barrier3A)
    %dma_wait3A = arith.constant 0 : i32
    %dma_wait3A_809 = tpu.memref_slice %arg3[%dma_wait3A] : memref<320000xi32, #tpu.memory_space<hbm>> -> memref<40xi32, #tpu.memory_space<hbm>>
    %dma_wait3A_810 = arith.constant 0 : i32
    %dma_wait3A_811 = tpu.memref_slice %arg3[%dma_wait3A_810] : memref<320000xi32, #tpu.memory_space<hbm>> -> memref<40xi32, #tpu.memory_space<hbm>>
    tpu.wait_dma2 semaphore(%arg23 : memref<!tpu.dma_semaphore, #tpu.memory_space<semaphore_mem>>) src(%dma_wait3A_811 : memref<40xi32, #tpu.memory_space<hbm>>) dst(%arg5 : memref<40xi32, #tpu.memory_space<vmem>>)
    %dma_wait3A_812 = arith.constant 0 : i32
    %dma_wait3A_813 = arith.constant 0 : i32
    %dma_wait3A_814 = tpu.memref_slice %arg2[%dma_wait3A_812, %dma_wait3A_813] : memref<320000x128xf32, #tpu.memory_space<hbm>> -> memref<40x128xf32, #tpu.memory_space<hbm>>
    %dma_wait3A_815 = arith.constant 0 : i32
    %dma_wait3A_816 = arith.constant 0 : i32
    %dma_wait3A_817 = tpu.memref_slice %arg2[%dma_wait3A_815, %dma_wait3A_816] : memref<320000x128xf32, #tpu.memory_space<hbm>> -> memref<40x128xf32, #tpu.memory_space<hbm>>
    tpu.wait_dma2 semaphore(%arg31 : memref<!tpu.dma_semaphore, #tpu.memory_space<semaphore_mem>>) src(%dma_wait3A_817 : memref<40x128xf32, #tpu.memory_space<hbm>>) dst(%arg13 : memref<40x128xf32, #tpu.memory_space<vmem>>)
    %dma_start3A_818 = arith.constant 0 : i32
    %dma_start3A_819 = arith.constant 0 : i32
    %dma_start3A_820 = tpu.memref_slice %arg22[%dma_start3A_818, %dma_start3A_819] : memref<10000x128xf32, #tpu.memory_space<vmem_shared>> -> memref<10000x128xf32, #tpu.memory_space<vmem_shared>>
    tpu.enqueue_indirect_dma source(%arg13 : memref<40x128xf32, #tpu.memory_space<vmem>>) target(%dma_start3A_820 : memref<10000x128xf32, #tpu.memory_space<vmem_shared>>) offsets(%arg5 : memref<40xi32, #tpu.memory_space<vmem>>) semaphore(%arg39 : memref<!tpu.dma_semaphore, #tpu.memory_space<semaphore_mem>>) {add = true}
    %add3A_821 = arith.constant 160 : i32
    %add3A_822 = arith.addi %mul3A_2, %add3A_821 : i32
    %dma_start3A_823 = tpu.memref_slice %arg3[%add3A_822] : memref<320000xi32, #tpu.memory_space<hbm>> -> memref<40xi32, #tpu.memory_space<hbm>>
    %dma_start3A_824 = tpu.memref_slice %arg3[%add3A_822] : memref<320000xi32, #tpu.memory_space<hbm>> -> memref<40xi32, #tpu.memory_space<hbm>>
    tpu.enqueue_dma source(%dma_start3A_824 : memref<40xi32, #tpu.memory_space<hbm>>) target(%arg9 : memref<40xi32, #tpu.memory_space<vmem>>) target_semaphore(%arg27 : memref<!tpu.dma_semaphore, #tpu.memory_space<semaphore_mem>>)
    %dma_start3A_825 = arith.constant 0 : i32
    %dma_start3A_826 = tpu.memref_slice %arg2[%add3A_822, %dma_start3A_825] : memref<320000x128xf32, #tpu.memory_space<hbm>> -> memref<40x128xf32, #tpu.memory_space<hbm>>
    %dma_start3A_827 = arith.constant 0 : i32
    %dma_start3A_828 = tpu.memref_slice %arg2[%add3A_822, %dma_start3A_827] : memref<320000x128xf32, #tpu.memory_space<hbm>> -> memref<40x128xf32, #tpu.memory_space<hbm>>
    tpu.enqueue_dma source(%dma_start3A_828 : memref<40x128xf32, #tpu.memory_space<hbm>>) target(%arg17 : memref<40x128xf32, #tpu.memory_space<vmem>>) target_semaphore(%arg35 : memref<!tpu.dma_semaphore, #tpu.memory_space<semaphore_mem>>)
    %dma_wait3A_829 = arith.constant 0 : i32
    %dma_wait3A_830 = tpu.memref_slice %arg3[%dma_wait3A_829] : memref<320000xi32, #tpu.memory_space<hbm>> -> memref<40xi32, #tpu.memory_space<hbm>>
    %dma_wait3A_831 = arith.constant 0 : i32
    %dma_wait3A_832 = tpu.memref_slice %arg3[%dma_wait3A_831] : memref<320000xi32, #tpu.memory_space<hbm>> -> memref<40xi32, #tpu.memory_space<hbm>>
    tpu.wait_dma2 semaphore(%arg24 : memref<!tpu.dma_semaphore, #tpu.memory_space<semaphore_mem>>) src(%dma_wait3A_832 : memref<40xi32, #tpu.memory_space<hbm>>) dst(%arg6 : memref<40xi32, #tpu.memory_space<vmem>>)
    %dma_wait3A_833 = arith.constant 0 : i32
    %dma_wait3A_834 = arith.constant 0 : i32
    %dma_wait3A_835 = tpu.memref_slice %arg2[%dma_wait3A_833, %dma_wait3A_834] : memref<320000x128xf32, #tpu.memory_space<hbm>> -> memref<40x128xf32, #tpu.memory_space<hbm>>
    %dma_wait3A_836 = arith.constant 0 : i32
    %dma_wait3A_837 = arith.constant 0 : i32
    %dma_wait3A_838 = tpu.memref_slice %arg2[%dma_wait3A_836, %dma_wait3A_837] : memref<320000x128xf32, #tpu.memory_space<hbm>> -> memref<40x128xf32, #tpu.memory_space<hbm>>
    tpu.wait_dma2 semaphore(%arg32 : memref<!tpu.dma_semaphore, #tpu.memory_space<semaphore_mem>>) src(%dma_wait3A_838 : memref<40x128xf32, #tpu.memory_space<hbm>>) dst(%arg14 : memref<40x128xf32, #tpu.memory_space<vmem>>)
    %dma_start3A_839 = arith.constant 0 : i32
    %dma_start3A_840 = arith.constant 0 : i32
    %dma_start3A_841 = tpu.memref_slice %arg22[%dma_start3A_839, %dma_start3A_840] : memref<10000x128xf32, #tpu.memory_space<vmem_shared>> -> memref<10000x128xf32, #tpu.memory_space<vmem_shared>>
    tpu.enqueue_indirect_dma source(%arg14 : memref<40x128xf32, #tpu.memory_space<vmem>>) target(%dma_start3A_841 : memref<10000x128xf32, #tpu.memory_space<vmem_shared>>) offsets(%arg6 : memref<40xi32, #tpu.memory_space<vmem>>) semaphore(%arg40 : memref<!tpu.dma_semaphore, #tpu.memory_space<semaphore_mem>>) {add = true}
    %add3A_842 = arith.constant 200 : i32
    %add3A_843 = arith.addi %mul3A_2, %add3A_842 : i32
    %dma_start3A_844 = tpu.memref_slice %arg3[%add3A_843] : memref<320000xi32, #tpu.memory_space<hbm>> -> memref<40xi32, #tpu.memory_space<hbm>>
    %dma_start3A_845 = tpu.memref_slice %arg3[%add3A_843] : memref<320000xi32, #tpu.memory_space<hbm>> -> memref<40xi32, #tpu.memory_space<hbm>>
    tpu.enqueue_dma source(%dma_start3A_845 : memref<40xi32, #tpu.memory_space<hbm>>) target(%arg10 : memref<40xi32, #tpu.memory_space<vmem>>) target_semaphore(%arg28 : memref<!tpu.dma_semaphore, #tpu.memory_space<semaphore_mem>>)
    %dma_start3A_846 = arith.constant 0 : i32
    %dma_start3A_847 = tpu.memref_slice %arg2[%add3A_843, %dma_start3A_846] : memref<320000x128xf32, #tpu.memory_space<hbm>> -> memref<40x128xf32, #tpu.memory_space<hbm>>
    %dma_start3A_848 = arith.constant 0 : i32
    %dma_start3A_849 = tpu.memref_slice %arg2[%add3A_843, %dma_start3A_848] : memref<320000x128xf32, #tpu.memory_space<hbm>> -> memref<40x128xf32, #tpu.memory_space<hbm>>
    tpu.enqueue_dma source(%dma_start3A_849 : memref<40x128xf32, #tpu.memory_space<hbm>>) target(%arg18 : memref<40x128xf32, #tpu.memory_space<vmem>>) target_semaphore(%arg36 : memref<!tpu.dma_semaphore, #tpu.memory_space<semaphore_mem>>)
    %dma_wait3A_850 = arith.constant 0 : i32
    %dma_wait3A_851 = tpu.memref_slice %arg3[%dma_wait3A_850] : memref<320000xi32, #tpu.memory_space<hbm>> -> memref<40xi32, #tpu.memory_space<hbm>>
    %dma_wait3A_852 = arith.constant 0 : i32
    %dma_wait3A_853 = tpu.memref_slice %arg3[%dma_wait3A_852] : memref<320000xi32, #tpu.memory_space<hbm>> -> memref<40xi32, #tpu.memory_space<hbm>>
    tpu.wait_dma2 semaphore(%arg25 : memref<!tpu.dma_semaphore, #tpu.memory_space<semaphore_mem>>) src(%dma_wait3A_853 : memref<40xi32, #tpu.memory_space<hbm>>) dst(%arg7 : memref<40xi32, #tpu.memory_space<vmem>>)
    %dma_wait3A_854 = arith.constant 0 : i32
    %dma_wait3A_855 = arith.constant 0 : i32
    %dma_wait3A_856 = tpu.memref_slice %arg2[%dma_wait3A_854, %dma_wait3A_855] : memref<320000x128xf32, #tpu.memory_space<hbm>> -> memref<40x128xf32, #tpu.memory_space<hbm>>
    %dma_wait3A_857 = arith.constant 0 : i32
    %dma_wait3A_858 = arith.constant 0 : i32
    %dma_wait3A_859 = tpu.memref_slice %arg2[%dma_wait3A_857, %dma_wait3A_858] : memref<320000x128xf32, #tpu.memory_space<hbm>> -> memref<40x128xf32, #tpu.memory_space<hbm>>
    tpu.wait_dma2 semaphore(%arg33 : memref<!tpu.dma_semaphore, #tpu.memory_space<semaphore_mem>>) src(%dma_wait3A_859 : memref<40x128xf32, #tpu.memory_space<hbm>>) dst(%arg15 : memref<40x128xf32, #tpu.memory_space<vmem>>)
    %dma_start3A_860 = arith.constant 0 : i32
    %dma_start3A_861 = arith.constant 0 : i32
    %dma_start3A_862 = tpu.memref_slice %arg22[%dma_start3A_860, %dma_start3A_861] : memref<10000x128xf32, #tpu.memory_space<vmem_shared>> -> memref<10000x128xf32, #tpu.memory_space<vmem_shared>>
    tpu.enqueue_indirect_dma source(%arg15 : memref<40x128xf32, #tpu.memory_space<vmem>>) target(%dma_start3A_862 : memref<10000x128xf32, #tpu.memory_space<vmem_shared>>) offsets(%arg7 : memref<40xi32, #tpu.memory_space<vmem>>) semaphore(%arg41 : memref<!tpu.dma_semaphore, #tpu.memory_space<semaphore_mem>>) {add = true}
    %add3A_863 = arith.constant 240 : i32
    %add3A_864 = arith.addi %mul3A_2, %add3A_863 : i32
    %dma_start3A_865 = tpu.memref_slice %arg3[%add3A_864] : memref<320000xi32, #tpu.memory_space<hbm>> -> memref<40xi32, #tpu.memory_space<hbm>>
    %dma_start3A_866 = tpu.memref_slice %arg3[%add3A_864] : memref<320000xi32, #tpu.memory_space<hbm>> -> memref<40xi32, #tpu.memory_space<hbm>>
    tpu.enqueue_dma source(%dma_start3A_866 : memref<40xi32, #tpu.memory_space<hbm>>) target(%arg11 : memref<40xi32, #tpu.memory_space<vmem>>) target_semaphore(%arg29 : memref<!tpu.dma_semaphore, #tpu.memory_space<semaphore_mem>>)
    %dma_start3A_867 = arith.constant 0 : i32
    %dma_start3A_868 = tpu.memref_slice %arg2[%add3A_864, %dma_start3A_867] : memref<320000x128xf32, #tpu.memory_space<hbm>> -> memref<40x128xf32, #tpu.memory_space<hbm>>
    %dma_start3A_869 = arith.constant 0 : i32
    %dma_start3A_870 = tpu.memref_slice %arg2[%add3A_864, %dma_start3A_869] : memref<320000x128xf32, #tpu.memory_space<hbm>> -> memref<40x128xf32, #tpu.memory_space<hbm>>
    tpu.enqueue_dma source(%dma_start3A_870 : memref<40x128xf32, #tpu.memory_space<hbm>>) target(%arg19 : memref<40x128xf32, #tpu.memory_space<vmem>>) target_semaphore(%arg37 : memref<!tpu.dma_semaphore, #tpu.memory_space<semaphore_mem>>)
    %dma_wait3A_871 = arith.constant 0 : i32
    %dma_wait3A_872 = tpu.memref_slice %arg3[%dma_wait3A_871] : memref<320000xi32, #tpu.memory_space<hbm>> -> memref<40xi32, #tpu.memory_space<hbm>>
    %dma_wait3A_873 = arith.constant 0 : i32
    %dma_wait3A_874 = tpu.memref_slice %arg3[%dma_wait3A_873] : memref<320000xi32, #tpu.memory_space<hbm>> -> memref<40xi32, #tpu.memory_space<hbm>>
    tpu.wait_dma2 semaphore(%arg26 : memref<!tpu.dma_semaphore, #tpu.memory_space<semaphore_mem>>) src(%dma_wait3A_874 : memref<40xi32, #tpu.memory_space<hbm>>) dst(%arg8 : memref<40xi32, #tpu.memory_space<vmem>>)
    %dma_wait3A_875 = arith.constant 0 : i32
    %dma_wait3A_876 = arith.constant 0 : i32
    %dma_wait3A_877 = tpu.memref_slice %arg2[%dma_wait3A_875, %dma_wait3A_876] : memref<320000x128xf32, #tpu.memory_space<hbm>> -> memref<40x128xf32, #tpu.memory_space<hbm>>
    %dma_wait3A_878 = arith.constant 0 : i32
    %dma_wait3A_879 = arith.constant 0 : i32
    %dma_wait3A_880 = tpu.memref_slice %arg2[%dma_wait3A_878, %dma_wait3A_879] : memref<320000x128xf32, #tpu.memory_space<hbm>> -> memref<40x128xf32, #tpu.memory_space<hbm>>
    tpu.wait_dma2 semaphore(%arg34 : memref<!tpu.dma_semaphore, #tpu.memory_space<semaphore_mem>>) src(%dma_wait3A_880 : memref<40x128xf32, #tpu.memory_space<hbm>>) dst(%arg16 : memref<40x128xf32, #tpu.memory_space<vmem>>)
    %dma_start3A_881 = arith.constant 0 : i32
    %dma_start3A_882 = arith.constant 0 : i32
    %dma_start3A_883 = tpu.memref_slice %arg22[%dma_start3A_881, %dma_start3A_882] : memref<10000x128xf32, #tpu.memory_space<vmem_shared>> -> memref<10000x128xf32, #tpu.memory_space<vmem_shared>>
    tpu.enqueue_indirect_dma source(%arg16 : memref<40x128xf32, #tpu.memory_space<vmem>>) target(%dma_start3A_883 : memref<10000x128xf32, #tpu.memory_space<vmem_shared>>) offsets(%arg8 : memref<40xi32, #tpu.memory_space<vmem>>) semaphore(%arg42 : memref<!tpu.dma_semaphore, #tpu.memory_space<semaphore_mem>>) {add = true}
    %add3A_884 = arith.constant 280 : i32
    %add3A_885 = arith.addi %mul3A_2, %add3A_884 : i32
    %dma_start3A_886 = tpu.memref_slice %arg3[%add3A_885] : memref<320000xi32, #tpu.memory_space<hbm>> -> memref<40xi32, #tpu.memory_space<hbm>>
    %dma_start3A_887 = tpu.memref_slice %arg3[%add3A_885] : memref<320000xi32, #tpu.memory_space<hbm>> -> memref<40xi32, #tpu.memory_space<hbm>>
    tpu.enqueue_dma source(%dma_start3A_887 : memref<40xi32, #tpu.memory_space<hbm>>) target(%arg12 : memref<40xi32, #tpu.memory_space<vmem>>) target_semaphore(%arg30 : memref<!tpu.dma_semaphore, #tpu.memory_space<semaphore_mem>>)
    %dma_start3A_888 = arith.constant 0 : i32
    %dma_start3A_889 = tpu.memref_slice %arg2[%add3A_885, %dma_start3A_888] : memref<320000x128xf32, #tpu.memory_space<hbm>> -> memref<40x128xf32, #tpu.memory_space<hbm>>
    %dma_start3A_890 = arith.constant 0 : i32
    %dma_start3A_891 = tpu.memref_slice %arg2[%add3A_885, %dma_start3A_890] : memref<320000x128xf32, #tpu.memory_space<hbm>> -> memref<40x128xf32, #tpu.memory_space<hbm>>
    tpu.enqueue_dma source(%dma_start3A_891 : memref<40x128xf32, #tpu.memory_space<hbm>>) target(%arg20 : memref<40x128xf32, #tpu.memory_space<vmem>>) target_semaphore(%arg38 : memref<!tpu.dma_semaphore, #tpu.memory_space<semaphore_mem>>)
    %dma_wait3A_892 = arith.constant 0 : i32
    %dma_wait3A_893 = tpu.memref_slice %arg3[%dma_wait3A_892] : memref<320000xi32, #tpu.memory_space<hbm>> -> memref<40xi32, #tpu.memory_space<hbm>>
    %dma_wait3A_894 = arith.constant 0 : i32
    %dma_wait3A_895 = tpu.memref_slice %arg3[%dma_wait3A_894] : memref<320000xi32, #tpu.memory_space<hbm>> -> memref<40xi32, #tpu.memory_space<hbm>>
    tpu.wait_dma2 semaphore(%arg27 : memref<!tpu.dma_semaphore, #tpu.memory_space<semaphore_mem>>) src(%dma_wait3A_895 : memref<40xi32, #tpu.memory_space<hbm>>) dst(%arg9 : memref<40xi32, #tpu.memory_space<vmem>>)
    %dma_wait3A_896 = arith.constant 0 : i32
    %dma_wait3A_897 = arith.constant 0 : i32
    %dma_wait3A_898 = tpu.memref_slice %arg2[%dma_wait3A_896, %dma_wait3A_897] : memref<320000x128xf32, #tpu.memory_space<hbm>> -> memref<40x128xf32, #tpu.memory_space<hbm>>
    %dma_wait3A_899 = arith.constant 0 : i32
    %dma_wait3A_900 = arith.constant 0 : i32
    %dma_wait3A_901 = tpu.memref_slice %arg2[%dma_wait3A_899, %dma_wait3A_900] : memref<320000x128xf32, #tpu.memory_space<hbm>> -> memref<40x128xf32, #tpu.memory_space<hbm>>
    tpu.wait_dma2 semaphore(%arg35 : memref<!tpu.dma_semaphore, #tpu.memory_space<semaphore_mem>>) src(%dma_wait3A_901 : memref<40x128xf32, #tpu.memory_space<hbm>>) dst(%arg17 : memref<40x128xf32, #tpu.memory_space<vmem>>)
    %dma_start3A_902 = arith.constant 0 : i32
    %dma_start3A_903 = arith.constant 0 : i32
    %dma_start3A_904 = tpu.memref_slice %arg22[%dma_start3A_902, %dma_start3A_903] : memref<10000x128xf32, #tpu.memory_space<vmem_shared>> -> memref<10000x128xf32, #tpu.memory_space<vmem_shared>>
    tpu.enqueue_indirect_dma source(%arg17 : memref<40x128xf32, #tpu.memory_space<vmem>>) target(%dma_start3A_904 : memref<10000x128xf32, #tpu.memory_space<vmem_shared>>) offsets(%arg9 : memref<40xi32, #tpu.memory_space<vmem>>) semaphore(%arg43 : memref<!tpu.dma_semaphore, #tpu.memory_space<semaphore_mem>>) {add = true}
    %dma_wait3A_905 = arith.constant 0 : i32
    %dma_wait3A_906 = arith.constant 0 : i32
    %dma_wait3A_907 = tpu.memref_slice %arg22[%dma_wait3A_905, %dma_wait3A_906] : memref<10000x128xf32, #tpu.memory_space<vmem_shared>> -> memref<10000x128xf32, #tpu.memory_space<vmem_shared>>
    tpu.wait_indirect_dma semaphore(%arg39 : memref<!tpu.dma_semaphore, #tpu.memory_space<semaphore_mem>>) src(%arg13 : memref<40x128xf32, #tpu.memory_space<vmem>>) dst(%dma_wait3A_907 : memref<10000x128xf32, #tpu.memory_space<vmem_shared>>)
    %add3A_908 = arith.constant 320 : i32
    %add3A_909 = arith.addi %mul3A_2, %add3A_908 : i32
    %dma_start3A_910 = tpu.memref_slice %arg3[%add3A_909] : memref<320000xi32, #tpu.memory_space<hbm>> -> memref<40xi32, #tpu.memory_space<hbm>>
    %dma_start3A_911 = tpu.memref_slice %arg3[%add3A_909] : memref<320000xi32, #tpu.memory_space<hbm>> -> memref<40xi32, #tpu.memory_space<hbm>>
    tpu.enqueue_dma source(%dma_start3A_911 : memref<40xi32, #tpu.memory_space<hbm>>) target(%arg5 : memref<40xi32, #tpu.memory_space<vmem>>) target_semaphore(%arg23 : memref<!tpu.dma_semaphore, #tpu.memory_space<semaphore_mem>>)
    %dma_start3A_912 = arith.constant 0 : i32
    %dma_start3A_913 = tpu.memref_slice %arg2[%add3A_909, %dma_start3A_912] : memref<320000x128xf32, #tpu.memory_space<hbm>> -> memref<40x128xf32, #tpu.memory_space<hbm>>
    %dma_start3A_914 = arith.constant 0 : i32
    %dma_start3A_915 = tpu.memref_slice %arg2[%add3A_909, %dma_start3A_914] : memref<320000x128xf32, #tpu.memory_space<hbm>> -> memref<40x128xf32, #tpu.memory_space<hbm>>
    tpu.enqueue_dma source(%dma_start3A_915 : memref<40x128xf32, #tpu.memory_space<hbm>>) target(%arg13 : memref<40x128xf32, #tpu.memory_space<vmem>>) target_semaphore(%arg31 : memref<!tpu.dma_semaphore, #tpu.memory_space<semaphore_mem>>)
    %dma_wait3A_916 = arith.constant 0 : i32
    %dma_wait3A_917 = tpu.memref_slice %arg3[%dma_wait3A_916] : memref<320000xi32, #tpu.memory_space<hbm>> -> memref<40xi32, #tpu.memory_space<hbm>>
    %dma_wait3A_918 = arith.constant 0 : i32
    %dma_wait3A_919 = tpu.memref_slice %arg3[%dma_wait3A_918] : memref<320000xi32, #tpu.memory_space<hbm>> -> memref<40xi32, #tpu.memory_space<hbm>>
    tpu.wait_dma2 semaphore(%arg28 : memref<!tpu.dma_semaphore, #tpu.memory_space<semaphore_mem>>) src(%dma_wait3A_919 : memref<40xi32, #tpu.memory_space<hbm>>) dst(%arg10 : memref<40xi32, #tpu.memory_space<vmem>>)
    %dma_wait3A_920 = arith.constant 0 : i32
    %dma_wait3A_921 = arith.constant 0 : i32
    %dma_wait3A_922 = tpu.memref_slice %arg2[%dma_wait3A_920, %dma_wait3A_921] : memref<320000x128xf32, #tpu.memory_space<hbm>> -> memref<40x128xf32, #tpu.memory_space<hbm>>
    %dma_wait3A_923 = arith.constant 0 : i32
    %dma_wait3A_924 = arith.constant 0 : i32
    %dma_wait3A_925 = tpu.memref_slice %arg2[%dma_wait3A_923, %dma_wait3A_924] : memref<320000x128xf32, #tpu.memory_space<hbm>> -> memref<40x128xf32, #tpu.memory_space<hbm>>
    tpu.wait_dma2 semaphore(%arg36 : memref<!tpu.dma_semaphore, #tpu.memory_space<semaphore_mem>>) src(%dma_wait3A_925 : memref<40x128xf32, #tpu.memory_space<hbm>>) dst(%arg18 : memref<40x128xf32, #tpu.memory_space<vmem>>)
    %dma_start3A_926 = arith.constant 0 : i32
    %dma_start3A_927 = arith.constant 0 : i32
    %dma_start3A_928 = tpu.memref_slice %arg22[%dma_start3A_926, %dma_start3A_927] : memref<10000x128xf32, #tpu.memory_space<vmem_shared>> -> memref<10000x128xf32, #tpu.memory_space<vmem_shared>>
    tpu.enqueue_indirect_dma source(%arg18 : memref<40x128xf32, #tpu.memory_space<vmem>>) target(%dma_start3A_928 : memref<10000x128xf32, #tpu.memory_space<vmem_shared>>) offsets(%arg10 : memref<40xi32, #tpu.memory_space<vmem>>) semaphore(%arg44 : memref<!tpu.dma_semaphore, #tpu.memory_space<semaphore_mem>>) {add = true}
    %dma_wait3A_929 = arith.constant 0 : i32
    %dma_wait3A_930 = arith.constant 0 : i32
    %dma_wait3A_931 = tpu.memref_slice %arg22[%dma_wait3A_929, %dma_wait3A_930] : memref<10000x128xf32, #tpu.memory_space<vmem_shared>> -> memref<10000x128xf32, #tpu.memory_space<vmem_shared>>
    tpu.wait_indirect_dma semaphore(%arg40 : memref<!tpu.dma_semaphore, #tpu.memory_space<semaphore_mem>>) src(%arg14 : memref<40x128xf32, #tpu.memory_space<vmem>>) dst(%dma_wait3A_931 : memref<10000x128xf32, #tpu.memory_space<vmem_shared>>)
    %add3A_932 = arith.constant 360 : i32
    %add3A_933 = arith.addi %mul3A_2, %add3A_932 : i32
    %dma_start3A_934 = tpu.memref_slice %arg3[%add3A_933] : memref<320000xi32, #tpu.memory_space<hbm>> -> memref<40xi32, #tpu.memory_space<hbm>>
    %dma_start3A_935 = tpu.memref_slice %arg3[%add3A_933] : memref<320000xi32, #tpu.memory_space<hbm>> -> memref<40xi32, #tpu.memory_space<hbm>>
    tpu.enqueue_dma source(%dma_start3A_935 : memref<40xi32, #tpu.memory_space<hbm>>) target(%arg6 : memref<40xi32, #tpu.memory_space<vmem>>) target_semaphore(%arg24 : memref<!tpu.dma_semaphore, #tpu.memory_space<semaphore_mem>>)
    %dma_start3A_936 = arith.constant 0 : i32
    %dma_start3A_937 = tpu.memref_slice %arg2[%add3A_933, %dma_start3A_936] : memref<320000x128xf32, #tpu.memory_space<hbm>> -> memref<40x128xf32, #tpu.memory_space<hbm>>
    %dma_start3A_938 = arith.constant 0 : i32
    %dma_start3A_939 = tpu.memref_slice %arg2[%add3A_933, %dma_start3A_938] : memref<320000x128xf32, #tpu.memory_space<hbm>> -> memref<40x128xf32, #tpu.memory_space<hbm>>
    tpu.enqueue_dma source(%dma_start3A_939 : memref<40x128xf32, #tpu.memory_space<hbm>>) target(%arg14 : memref<40x128xf32, #tpu.memory_space<vmem>>) target_semaphore(%arg32 : memref<!tpu.dma_semaphore, #tpu.memory_space<semaphore_mem>>)
    %dma_wait3A_940 = arith.constant 0 : i32
    %dma_wait3A_941 = tpu.memref_slice %arg3[%dma_wait3A_940] : memref<320000xi32, #tpu.memory_space<hbm>> -> memref<40xi32, #tpu.memory_space<hbm>>
    %dma_wait3A_942 = arith.constant 0 : i32
    %dma_wait3A_943 = tpu.memref_slice %arg3[%dma_wait3A_942] : memref<320000xi32, #tpu.memory_space<hbm>> -> memref<40xi32, #tpu.memory_space<hbm>>
    tpu.wait_dma2 semaphore(%arg29 : memref<!tpu.dma_semaphore, #tpu.memory_space<semaphore_mem>>) src(%dma_wait3A_943 : memref<40xi32, #tpu.memory_space<hbm>>) dst(%arg11 : memref<40xi32, #tpu.memory_space<vmem>>)
    %dma_wait3A_944 = arith.constant 0 : i32
    %dma_wait3A_945 = arith.constant 0 : i32
    %dma_wait3A_946 = tpu.memref_slice %arg2[%dma_wait3A_944, %dma_wait3A_945] : memref<320000x128xf32, #tpu.memory_space<hbm>> -> memref<40x128xf32, #tpu.memory_space<hbm>>
    %dma_wait3A_947 = arith.constant 0 : i32
    %dma_wait3A_948 = arith.constant 0 : i32
    %dma_wait3A_949 = tpu.memref_slice %arg2[%dma_wait3A_947, %dma_wait3A_948] : memref<320000x128xf32, #tpu.memory_space<hbm>> -> memref<40x128xf32, #tpu.memory_space<hbm>>
    tpu.wait_dma2 semaphore(%arg37 : memref<!tpu.dma_semaphore, #tpu.memory_space<semaphore_mem>>) src(%dma_wait3A_949 : memref<40x128xf32, #tpu.memory_space<hbm>>) dst(%arg19 : memref<40x128xf32, #tpu.memory_space<vmem>>)
    %dma_start3A_950 = arith.constant 0 : i32
    %dma_start3A_951 = arith.constant 0 : i32
    %dma_start3A_952 = tpu.memref_slice %arg22[%dma_start3A_950, %dma_start3A_951] : memref<10000x128xf32, #tpu.memory_space<vmem_shared>> -> memref<10000x128xf32, #tpu.memory_space<vmem_shared>>
    tpu.enqueue_indirect_dma source(%arg19 : memref<40x128xf32, #tpu.memory_space<vmem>>) target(%dma_start3A_952 : memref<10000x128xf32, #tpu.memory_space<vmem_shared>>) offsets(%arg11 : memref<40xi32, #tpu.memory_space<vmem>>) semaphore(%arg45 : memref<!tpu.dma_semaphore, #tpu.memory_space<semaphore_mem>>) {add = true}
    %dma_wait3A_953 = arith.constant 0 : i32
    %dma_wait3A_954 = arith.constant 0 : i32
    %dma_wait3A_955 = tpu.memref_slice %arg22[%dma_wait3A_953, %dma_wait3A_954] : memref<10000x128xf32, #tpu.memory_space<vmem_shared>> -> memref<10000x128xf32, #tpu.memory_space<vmem_shared>>
    tpu.wait_indirect_dma semaphore(%arg41 : memref<!tpu.dma_semaphore, #tpu.memory_space<semaphore_mem>>) src(%arg15 : memref<40x128xf32, #tpu.memory_space<vmem>>) dst(%dma_wait3A_955 : memref<10000x128xf32, #tpu.memory_space<vmem_shared>>)
    %add3A_956 = arith.constant 400 : i32
    %add3A_957 = arith.addi %mul3A_2, %add3A_956 : i32
    %dma_start3A_958 = tpu.memref_slice %arg3[%add3A_957] : memref<320000xi32, #tpu.memory_space<hbm>> -> memref<40xi32, #tpu.memory_space<hbm>>
    %dma_start3A_959 = tpu.memref_slice %arg3[%add3A_957] : memref<320000xi32, #tpu.memory_space<hbm>> -> memref<40xi32, #tpu.memory_space<hbm>>
    tpu.enqueue_dma source(%dma_start3A_959 : memref<40xi32, #tpu.memory_space<hbm>>) target(%arg7 : memref<40xi32, #tpu.memory_space<vmem>>) target_semaphore(%arg25 : memref<!tpu.dma_semaphore, #tpu.memory_space<semaphore_mem>>)
    %dma_start3A_960 = arith.constant 0 : i32
    %dma_start3A_961 = tpu.memref_slice %arg2[%add3A_957, %dma_start3A_960] : memref<320000x128xf32, #tpu.memory_space<hbm>> -> memref<40x128xf32, #tpu.memory_space<hbm>>
    %dma_start3A_962 = arith.constant 0 : i32
    %dma_start3A_963 = tpu.memref_slice %arg2[%add3A_957, %dma_start3A_962] : memref<320000x128xf32, #tpu.memory_space<hbm>> -> memref<40x128xf32, #tpu.memory_space<hbm>>
    tpu.enqueue_dma source(%dma_start3A_963 : memref<40x128xf32, #tpu.memory_space<hbm>>) target(%arg15 : memref<40x128xf32, #tpu.memory_space<vmem>>) target_semaphore(%arg33 : memref<!tpu.dma_semaphore, #tpu.memory_space<semaphore_mem>>)
    %dma_wait3A_964 = arith.constant 0 : i32
    %dma_wait3A_965 = tpu.memref_slice %arg3[%dma_wait3A_964] : memref<320000xi32, #tpu.memory_space<hbm>> -> memref<40xi32, #tpu.memory_space<hbm>>
    %dma_wait3A_966 = arith.constant 0 : i32
    %dma_wait3A_967 = tpu.memref_slice %arg3[%dma_wait3A_966] : memref<320000xi32, #tpu.memory_space<hbm>> -> memref<40xi32, #tpu.memory_space<hbm>>
    tpu.wait_dma2 semaphore(%arg30 : memref<!tpu.dma_semaphore, #tpu.memory_space<semaphore_mem>>) src(%dma_wait3A_967 : memref<40xi32, #tpu.memory_space<hbm>>) dst(%arg12 : memref<40xi32, #tpu.memory_space<vmem>>)
    %dma_wait3A_968 = arith.constant 0 : i32
    %dma_wait3A_969 = arith.constant 0 : i32
    %dma_wait3A_970 = tpu.memref_slice %arg2[%dma_wait3A_968, %dma_wait3A_969] : memref<320000x128xf32, #tpu.memory_space<hbm>> -> memref<40x128xf32, #tpu.memory_space<hbm>>
    %dma_wait3A_971 = arith.constant 0 : i32
    %dma_wait3A_972 = arith.constant 0 : i32
    %dma_wait3A_973 = tpu.memref_slice %arg2[%dma_wait3A_971, %dma_wait3A_972] : memref<320000x128xf32, #tpu.memory_space<hbm>> -> memref<40x128xf32, #tpu.memory_space<hbm>>
    tpu.wait_dma2 semaphore(%arg38 : memref<!tpu.dma_semaphore, #tpu.memory_space<semaphore_mem>>) src(%dma_wait3A_973 : memref<40x128xf32, #tpu.memory_space<hbm>>) dst(%arg20 : memref<40x128xf32, #tpu.memory_space<vmem>>)
    %dma_start3A_974 = arith.constant 0 : i32
    %dma_start3A_975 = arith.constant 0 : i32
    %dma_start3A_976 = tpu.memref_slice %arg22[%dma_start3A_974, %dma_start3A_975] : memref<10000x128xf32, #tpu.memory_space<vmem_shared>> -> memref<10000x128xf32, #tpu.memory_space<vmem_shared>>
    tpu.enqueue_indirect_dma source(%arg20 : memref<40x128xf32, #tpu.memory_space<vmem>>) target(%dma_start3A_976 : memref<10000x128xf32, #tpu.memory_space<vmem_shared>>) offsets(%arg12 : memref<40xi32, #tpu.memory_space<vmem>>) semaphore(%arg46 : memref<!tpu.dma_semaphore, #tpu.memory_space<semaphore_mem>>) {add = true}
    %dma_wait3A_977 = arith.constant 0 : i32
    %dma_wait3A_978 = arith.constant 0 : i32
    %dma_wait3A_979 = tpu.memref_slice %arg22[%dma_wait3A_977, %dma_wait3A_978] : memref<10000x128xf32, #tpu.memory_space<vmem_shared>> -> memref<10000x128xf32, #tpu.memory_space<vmem_shared>>
    tpu.wait_indirect_dma semaphore(%arg42 : memref<!tpu.dma_semaphore, #tpu.memory_space<semaphore_mem>>) src(%arg16 : memref<40x128xf32, #tpu.memory_space<vmem>>) dst(%dma_wait3A_979 : memref<10000x128xf32, #tpu.memory_space<vmem_shared>>)
    %add3A_980 = arith.constant 440 : i32
    %add3A_981 = arith.addi %mul3A_2, %add3A_980 : i32
    %dma_start3A_982 = tpu.memref_slice %arg3[%add3A_981] : memref<320000xi32, #tpu.memory_space<hbm>> -> memref<40xi32, #tpu.memory_space<hbm>>
    %dma_start3A_983 = tpu.memref_slice %arg3[%add3A_981] : memref<320000xi32, #tpu.memory_space<hbm>> -> memref<40xi32, #tpu.memory_space<hbm>>
    tpu.enqueue_dma source(%dma_start3A_983 : memref<40xi32, #tpu.memory_space<hbm>>) target(%arg8 : memref<40xi32, #tpu.memory_space<vmem>>) target_semaphore(%arg26 : memref<!tpu.dma_semaphore, #tpu.memory_space<semaphore_mem>>)
    %dma_start3A_984 = arith.constant 0 : i32
    %dma_start3A_985 = tpu.memref_slice %arg2[%add3A_981, %dma_start3A_984] : memref<320000x128xf32, #tpu.memory_space<hbm>> -> memref<40x128xf32, #tpu.memory_space<hbm>>
    %dma_start3A_986 = arith.constant 0 : i32
    %dma_start3A_987 = tpu.memref_slice %arg2[%add3A_981, %dma_start3A_986] : memref<320000x128xf32, #tpu.memory_space<hbm>> -> memref<40x128xf32, #tpu.memory_space<hbm>>
    tpu.enqueue_dma source(%dma_start3A_987 : memref<40x128xf32, #tpu.memory_space<hbm>>) target(%arg16 : memref<40x128xf32, #tpu.memory_space<vmem>>) target_semaphore(%arg34 : memref<!tpu.dma_semaphore, #tpu.memory_space<semaphore_mem>>)
    %scan3A_988 = arith.constant 0 : i32
    %scan3A_989 = arith.constant 0 : i32
    %scan3A_990 = arith.constant 29 : i32
    %scan3A_991 = arith.addi %scan3A_989, %scan3A_990 : i32
    %scan3A_992 = arith.constant 1 : i32
    scf.for %scan3A_1224 = %scan3A_989 to %scan3A_991 step %scan3A_992  : i32 {
      %mul3A_1225 = arith.constant 8 : i32
      %mul3A_1226 = arith.muli %scan3A_1224, %mul3A_1225 : i32
      %add3A_1227 = arith.constant 8 : i32
      %add3A_1228 = arith.addi %add3A_1227, %mul3A_1226 : i32
      %add3A_1229 = arith.constant 0 : i32
      %add3A_1230 = arith.addi %add3A_1228, %add3A_1229 : i32
      %dma_wait3A_1231 = arith.constant 0 : i32
      %dma_wait3A_1232 = tpu.memref_slice %arg3[%dma_wait3A_1231] : memref<320000xi32, #tpu.memory_space<hbm>> -> memref<40xi32, #tpu.memory_space<hbm>>
      %dma_wait3A_1233 = arith.constant 0 : i32
      %dma_wait3A_1234 = tpu.memref_slice %arg3[%dma_wait3A_1233] : memref<320000xi32, #tpu.memory_space<hbm>> -> memref<40xi32, #tpu.memory_space<hbm>>
      tpu.wait_dma2 semaphore(%arg23 : memref<!tpu.dma_semaphore, #tpu.memory_space<semaphore_mem>>) src(%dma_wait3A_1234 : memref<40xi32, #tpu.memory_space<hbm>>) dst(%arg5 : memref<40xi32, #tpu.memory_space<vmem>>)
      %dma_wait3A_1235 = arith.constant 0 : i32
      %dma_wait3A_1236 = arith.constant 0 : i32
      %dma_wait3A_1237 = tpu.memref_slice %arg2[%dma_wait3A_1235, %dma_wait3A_1236] : memref<320000x128xf32, #tpu.memory_space<hbm>> -> memref<40x128xf32, #tpu.memory_space<hbm>>
      %dma_wait3A_1238 = arith.constant 0 : i32
      %dma_wait3A_1239 = arith.constant 0 : i32
      %dma_wait3A_1240 = tpu.memref_slice %arg2[%dma_wait3A_1238, %dma_wait3A_1239] : memref<320000x128xf32, #tpu.memory_space<hbm>> -> memref<40x128xf32, #tpu.memory_space<hbm>>
      tpu.wait_dma2 semaphore(%arg31 : memref<!tpu.dma_semaphore, #tpu.memory_space<semaphore_mem>>) src(%dma_wait3A_1240 : memref<40x128xf32, #tpu.memory_space<hbm>>) dst(%arg13 : memref<40x128xf32, #tpu.memory_space<vmem>>)
      %dma_start3A_1241 = arith.constant 0 : i32
      %dma_start3A_1242 = arith.constant 0 : i32
      %dma_start3A_1243 = tpu.memref_slice %arg22[%dma_start3A_1241, %dma_start3A_1242] : memref<10000x128xf32, #tpu.memory_space<vmem_shared>> -> memref<10000x128xf32, #tpu.memory_space<vmem_shared>>
      tpu.enqueue_indirect_dma source(%arg13 : memref<40x128xf32, #tpu.memory_space<vmem>>) target(%dma_start3A_1243 : memref<10000x128xf32, #tpu.memory_space<vmem_shared>>) offsets(%arg5 : memref<40xi32, #tpu.memory_space<vmem>>) semaphore(%arg39 : memref<!tpu.dma_semaphore, #tpu.memory_space<semaphore_mem>>) {add = true}
      %dma_wait3A_1244 = arith.constant 0 : i32
      %dma_wait3A_1245 = arith.constant 0 : i32
      %dma_wait3A_1246 = tpu.memref_slice %arg22[%dma_wait3A_1244, %dma_wait3A_1245] : memref<10000x128xf32, #tpu.memory_space<vmem_shared>> -> memref<10000x128xf32, #tpu.memory_space<vmem_shared>>
      tpu.wait_indirect_dma semaphore(%arg43 : memref<!tpu.dma_semaphore, #tpu.memory_space<semaphore_mem>>) src(%arg17 : memref<40x128xf32, #tpu.memory_space<vmem>>) dst(%dma_wait3A_1246 : memref<10000x128xf32, #tpu.memory_space<vmem_shared>>)
      %add3A_1247 = arith.constant 4 : i32
      %add3A_1248 = arith.addi %add3A_1230, %add3A_1247 : i32
      %mul3A_1249 = arith.constant 40 : i32
      %mul3A_1250 = arith.muli %add3A_1248, %mul3A_1249 : i32
      %add3A_1251 = arith.addi %mul3A_2, %mul3A_1250 : i32
      %dma_start3A_1252 = tpu.memref_slice %arg3[%add3A_1251] : memref<320000xi32, #tpu.memory_space<hbm>> -> memref<40xi32, #tpu.memory_space<hbm>>
      %dma_start3A_1253 = tpu.memref_slice %arg3[%add3A_1251] : memref<320000xi32, #tpu.memory_space<hbm>> -> memref<40xi32, #tpu.memory_space<hbm>>
      tpu.enqueue_dma source(%dma_start3A_1253 : memref<40xi32, #tpu.memory_space<hbm>>) target(%arg9 : memref<40xi32, #tpu.memory_space<vmem>>) target_semaphore(%arg27 : memref<!tpu.dma_semaphore, #tpu.memory_space<semaphore_mem>>)
      %dma_start3A_1254 = arith.constant 0 : i32
      %dma_start3A_1255 = tpu.memref_slice %arg2[%add3A_1251, %dma_start3A_1254] : memref<320000x128xf32, #tpu.memory_space<hbm>> -> memref<40x128xf32, #tpu.memory_space<hbm>>
      %dma_start3A_1256 = arith.constant 0 : i32
      %dma_start3A_1257 = tpu.memref_slice %arg2[%add3A_1251, %dma_start3A_1256] : memref<320000x128xf32, #tpu.memory_space<hbm>> -> memref<40x128xf32, #tpu.memory_space<hbm>>
      tpu.enqueue_dma source(%dma_start3A_1257 : memref<40x128xf32, #tpu.memory_space<hbm>>) target(%arg17 : memref<40x128xf32, #tpu.memory_space<vmem>>) target_semaphore(%arg35 : memref<!tpu.dma_semaphore, #tpu.memory_space<semaphore_mem>>)
      %add3A_1258 = arith.constant 1 : i32
      %add3A_1259 = arith.addi %add3A_1228, %add3A_1258 : i32
      %dma_wait3A_1260 = arith.constant 0 : i32
      %dma_wait3A_1261 = tpu.memref_slice %arg3[%dma_wait3A_1260] : memref<320000xi32, #tpu.memory_space<hbm>> -> memref<40xi32, #tpu.memory_space<hbm>>
      %dma_wait3A_1262 = arith.constant 0 : i32
      %dma_wait3A_1263 = tpu.memref_slice %arg3[%dma_wait3A_1262] : memref<320000xi32, #tpu.memory_space<hbm>> -> memref<40xi32, #tpu.memory_space<hbm>>
      tpu.wait_dma2 semaphore(%arg24 : memref<!tpu.dma_semaphore, #tpu.memory_space<semaphore_mem>>) src(%dma_wait3A_1263 : memref<40xi32, #tpu.memory_space<hbm>>) dst(%arg6 : memref<40xi32, #tpu.memory_space<vmem>>)
      %dma_wait3A_1264 = arith.constant 0 : i32
      %dma_wait3A_1265 = arith.constant 0 : i32
      %dma_wait3A_1266 = tpu.memref_slice %arg2[%dma_wait3A_1264, %dma_wait3A_1265] : memref<320000x128xf32, #tpu.memory_space<hbm>> -> memref<40x128xf32, #tpu.memory_space<hbm>>
      %dma_wait3A_1267 = arith.constant 0 : i32
      %dma_wait3A_1268 = arith.constant 0 : i32
      %dma_wait3A_1269 = tpu.memref_slice %arg2[%dma_wait3A_1267, %dma_wait3A_1268] : memref<320000x128xf32, #tpu.memory_space<hbm>> -> memref<40x128xf32, #tpu.memory_space<hbm>>
      tpu.wait_dma2 semaphore(%arg32 : memref<!tpu.dma_semaphore, #tpu.memory_space<semaphore_mem>>) src(%dma_wait3A_1269 : memref<40x128xf32, #tpu.memory_space<hbm>>) dst(%arg14 : memref<40x128xf32, #tpu.memory_space<vmem>>)
      %dma_start3A_1270 = arith.constant 0 : i32
      %dma_start3A_1271 = arith.constant 0 : i32
      %dma_start3A_1272 = tpu.memref_slice %arg22[%dma_start3A_1270, %dma_start3A_1271] : memref<10000x128xf32, #tpu.memory_space<vmem_shared>> -> memref<10000x128xf32, #tpu.memory_space<vmem_shared>>
      tpu.enqueue_indirect_dma source(%arg14 : memref<40x128xf32, #tpu.memory_space<vmem>>) target(%dma_start3A_1272 : memref<10000x128xf32, #tpu.memory_space<vmem_shared>>) offsets(%arg6 : memref<40xi32, #tpu.memory_space<vmem>>) semaphore(%arg40 : memref<!tpu.dma_semaphore, #tpu.memory_space<semaphore_mem>>) {add = true}
      %dma_wait3A_1273 = arith.constant 0 : i32
      %dma_wait3A_1274 = arith.constant 0 : i32
      %dma_wait3A_1275 = tpu.memref_slice %arg22[%dma_wait3A_1273, %dma_wait3A_1274] : memref<10000x128xf32, #tpu.memory_space<vmem_shared>> -> memref<10000x128xf32, #tpu.memory_space<vmem_shared>>
      tpu.wait_indirect_dma semaphore(%arg44 : memref<!tpu.dma_semaphore, #tpu.memory_space<semaphore_mem>>) src(%arg18 : memref<40x128xf32, #tpu.memory_space<vmem>>) dst(%dma_wait3A_1275 : memref<10000x128xf32, #tpu.memory_space<vmem_shared>>)
      %add3A_1276 = arith.constant 4 : i32
      %add3A_1277 = arith.addi %add3A_1259, %add3A_1276 : i32
      %mul3A_1278 = arith.constant 40 : i32
      %mul3A_1279 = arith.muli %add3A_1277, %mul3A_1278 : i32
      %add3A_1280 = arith.addi %mul3A_2, %mul3A_1279 : i32
      %dma_start3A_1281 = tpu.memref_slice %arg3[%add3A_1280] : memref<320000xi32, #tpu.memory_space<hbm>> -> memref<40xi32, #tpu.memory_space<hbm>>
      %dma_start3A_1282 = tpu.memref_slice %arg3[%add3A_1280] : memref<320000xi32, #tpu.memory_space<hbm>> -> memref<40xi32, #tpu.memory_space<hbm>>
      tpu.enqueue_dma source(%dma_start3A_1282 : memref<40xi32, #tpu.memory_space<hbm>>) target(%arg10 : memref<40xi32, #tpu.memory_space<vmem>>) target_semaphore(%arg28 : memref<!tpu.dma_semaphore, #tpu.memory_space<semaphore_mem>>)
      %dma_start3A_1283 = arith.constant 0 : i32
      %dma_start3A_1284 = tpu.memref_slice %arg2[%add3A_1280, %dma_start3A_1283] : memref<320000x128xf32, #tpu.memory_space<hbm>> -> memref<40x128xf32, #tpu.memory_space<hbm>>
      %dma_start3A_1285 = arith.constant 0 : i32
      %dma_start3A_1286 = tpu.memref_slice %arg2[%add3A_1280, %dma_start3A_1285] : memref<320000x128xf32, #tpu.memory_space<hbm>> -> memref<40x128xf32, #tpu.memory_space<hbm>>
      tpu.enqueue_dma source(%dma_start3A_1286 : memref<40x128xf32, #tpu.memory_space<hbm>>) target(%arg18 : memref<40x128xf32, #tpu.memory_space<vmem>>) target_semaphore(%arg36 : memref<!tpu.dma_semaphore, #tpu.memory_space<semaphore_mem>>)
      %add3A_1287 = arith.constant 2 : i32
      %add3A_1288 = arith.addi %add3A_1228, %add3A_1287 : i32
      %dma_wait3A_1289 = arith.constant 0 : i32
      %dma_wait3A_1290 = tpu.memref_slice %arg3[%dma_wait3A_1289] : memref<320000xi32, #tpu.memory_space<hbm>> -> memref<40xi32, #tpu.memory_space<hbm>>
      %dma_wait3A_1291 = arith.constant 0 : i32
      %dma_wait3A_1292 = tpu.memref_slice %arg3[%dma_wait3A_1291] : memref<320000xi32, #tpu.memory_space<hbm>> -> memref<40xi32, #tpu.memory_space<hbm>>
      tpu.wait_dma2 semaphore(%arg25 : memref<!tpu.dma_semaphore, #tpu.memory_space<semaphore_mem>>) src(%dma_wait3A_1292 : memref<40xi32, #tpu.memory_space<hbm>>) dst(%arg7 : memref<40xi32, #tpu.memory_space<vmem>>)
      %dma_wait3A_1293 = arith.constant 0 : i32
      %dma_wait3A_1294 = arith.constant 0 : i32
      %dma_wait3A_1295 = tpu.memref_slice %arg2[%dma_wait3A_1293, %dma_wait3A_1294] : memref<320000x128xf32, #tpu.memory_space<hbm>> -> memref<40x128xf32, #tpu.memory_space<hbm>>
      %dma_wait3A_1296 = arith.constant 0 : i32
      %dma_wait3A_1297 = arith.constant 0 : i32
      %dma_wait3A_1298 = tpu.memref_slice %arg2[%dma_wait3A_1296, %dma_wait3A_1297] : memref<320000x128xf32, #tpu.memory_space<hbm>> -> memref<40x128xf32, #tpu.memory_space<hbm>>
      tpu.wait_dma2 semaphore(%arg33 : memref<!tpu.dma_semaphore, #tpu.memory_space<semaphore_mem>>) src(%dma_wait3A_1298 : memref<40x128xf32, #tpu.memory_space<hbm>>) dst(%arg15 : memref<40x128xf32, #tpu.memory_space<vmem>>)
      %dma_start3A_1299 = arith.constant 0 : i32
      %dma_start3A_1300 = arith.constant 0 : i32
      %dma_start3A_1301 = tpu.memref_slice %arg22[%dma_start3A_1299, %dma_start3A_1300] : memref<10000x128xf32, #tpu.memory_space<vmem_shared>> -> memref<10000x128xf32, #tpu.memory_space<vmem_shared>>
      tpu.enqueue_indirect_dma source(%arg15 : memref<40x128xf32, #tpu.memory_space<vmem>>) target(%dma_start3A_1301 : memref<10000x128xf32, #tpu.memory_space<vmem_shared>>) offsets(%arg7 : memref<40xi32, #tpu.memory_space<vmem>>) semaphore(%arg41 : memref<!tpu.dma_semaphore, #tpu.memory_space<semaphore_mem>>) {add = true}
      %dma_wait3A_1302 = arith.constant 0 : i32
      %dma_wait3A_1303 = arith.constant 0 : i32
      %dma_wait3A_1304 = tpu.memref_slice %arg22[%dma_wait3A_1302, %dma_wait3A_1303] : memref<10000x128xf32, #tpu.memory_space<vmem_shared>> -> memref<10000x128xf32, #tpu.memory_space<vmem_shared>>
      tpu.wait_indirect_dma semaphore(%arg45 : memref<!tpu.dma_semaphore, #tpu.memory_space<semaphore_mem>>) src(%arg19 : memref<40x128xf32, #tpu.memory_space<vmem>>) dst(%dma_wait3A_1304 : memref<10000x128xf32, #tpu.memory_space<vmem_shared>>)
      %add3A_1305 = arith.constant 4 : i32
      %add3A_1306 = arith.addi %add3A_1288, %add3A_1305 : i32
      %mul3A_1307 = arith.constant 40 : i32
      %mul3A_1308 = arith.muli %add3A_1306, %mul3A_1307 : i32
      %add3A_1309 = arith.addi %mul3A_2, %mul3A_1308 : i32
      %dma_start3A_1310 = tpu.memref_slice %arg3[%add3A_1309] : memref<320000xi32, #tpu.memory_space<hbm>> -> memref<40xi32, #tpu.memory_space<hbm>>
      %dma_start3A_1311 = tpu.memref_slice %arg3[%add3A_1309] : memref<320000xi32, #tpu.memory_space<hbm>> -> memref<40xi32, #tpu.memory_space<hbm>>
      tpu.enqueue_dma source(%dma_start3A_1311 : memref<40xi32, #tpu.memory_space<hbm>>) target(%arg11 : memref<40xi32, #tpu.memory_space<vmem>>) target_semaphore(%arg29 : memref<!tpu.dma_semaphore, #tpu.memory_space<semaphore_mem>>)
      %dma_start3A_1312 = arith.constant 0 : i32
      %dma_start3A_1313 = tpu.memref_slice %arg2[%add3A_1309, %dma_start3A_1312] : memref<320000x128xf32, #tpu.memory_space<hbm>> -> memref<40x128xf32, #tpu.memory_space<hbm>>
      %dma_start3A_1314 = arith.constant 0 : i32
      %dma_start3A_1315 = tpu.memref_slice %arg2[%add3A_1309, %dma_start3A_1314] : memref<320000x128xf32, #tpu.memory_space<hbm>> -> memref<40x128xf32, #tpu.memory_space<hbm>>
      tpu.enqueue_dma source(%dma_start3A_1315 : memref<40x128xf32, #tpu.memory_space<hbm>>) target(%arg19 : memref<40x128xf32, #tpu.memory_space<vmem>>) target_semaphore(%arg37 : memref<!tpu.dma_semaphore, #tpu.memory_space<semaphore_mem>>)
      %add3A_1316 = arith.constant 3 : i32
      %add3A_1317 = arith.addi %add3A_1228, %add3A_1316 : i32
      %dma_wait3A_1318 = arith.constant 0 : i32
      %dma_wait3A_1319 = tpu.memref_slice %arg3[%dma_wait3A_1318] : memref<320000xi32, #tpu.memory_space<hbm>> -> memref<40xi32, #tpu.memory_space<hbm>>
      %dma_wait3A_1320 = arith.constant 0 : i32
      %dma_wait3A_1321 = tpu.memref_slice %arg3[%dma_wait3A_1320] : memref<320000xi32, #tpu.memory_space<hbm>> -> memref<40xi32, #tpu.memory_space<hbm>>
      tpu.wait_dma2 semaphore(%arg26 : memref<!tpu.dma_semaphore, #tpu.memory_space<semaphore_mem>>) src(%dma_wait3A_1321 : memref<40xi32, #tpu.memory_space<hbm>>) dst(%arg8 : memref<40xi32, #tpu.memory_space<vmem>>)
      %dma_wait3A_1322 = arith.constant 0 : i32
      %dma_wait3A_1323 = arith.constant 0 : i32
      %dma_wait3A_1324 = tpu.memref_slice %arg2[%dma_wait3A_1322, %dma_wait3A_1323] : memref<320000x128xf32, #tpu.memory_space<hbm>> -> memref<40x128xf32, #tpu.memory_space<hbm>>
      %dma_wait3A_1325 = arith.constant 0 : i32
      %dma_wait3A_1326 = arith.constant 0 : i32
      %dma_wait3A_1327 = tpu.memref_slice %arg2[%dma_wait3A_1325, %dma_wait3A_1326] : memref<320000x128xf32, #tpu.memory_space<hbm>> -> memref<40x128xf32, #tpu.memory_space<hbm>>
      tpu.wait_dma2 semaphore(%arg34 : memref<!tpu.dma_semaphore, #tpu.memory_space<semaphore_mem>>) src(%dma_wait3A_1327 : memref<40x128xf32, #tpu.memory_space<hbm>>) dst(%arg16 : memref<40x128xf32, #tpu.memory_space<vmem>>)
      %dma_start3A_1328 = arith.constant 0 : i32
      %dma_start3A_1329 = arith.constant 0 : i32
      %dma_start3A_1330 = tpu.memref_slice %arg22[%dma_start3A_1328, %dma_start3A_1329] : memref<10000x128xf32, #tpu.memory_space<vmem_shared>> -> memref<10000x128xf32, #tpu.memory_space<vmem_shared>>
      tpu.enqueue_indirect_dma source(%arg16 : memref<40x128xf32, #tpu.memory_space<vmem>>) target(%dma_start3A_1330 : memref<10000x128xf32, #tpu.memory_space<vmem_shared>>) offsets(%arg8 : memref<40xi32, #tpu.memory_space<vmem>>) semaphore(%arg42 : memref<!tpu.dma_semaphore, #tpu.memory_space<semaphore_mem>>) {add = true}
      %dma_wait3A_1331 = arith.constant 0 : i32
      %dma_wait3A_1332 = arith.constant 0 : i32
      %dma_wait3A_1333 = tpu.memref_slice %arg22[%dma_wait3A_1331, %dma_wait3A_1332] : memref<10000x128xf32, #tpu.memory_space<vmem_shared>> -> memref<10000x128xf32, #tpu.memory_space<vmem_shared>>
      tpu.wait_indirect_dma semaphore(%arg46 : memref<!tpu.dma_semaphore, #tpu.memory_space<semaphore_mem>>) src(%arg20 : memref<40x128xf32, #tpu.memory_space<vmem>>) dst(%dma_wait3A_1333 : memref<10000x128xf32, #tpu.memory_space<vmem_shared>>)
      %add3A_1334 = arith.constant 4 : i32
      %add3A_1335 = arith.addi %add3A_1317, %add3A_1334 : i32
      %mul3A_1336 = arith.constant 40 : i32
      %mul3A_1337 = arith.muli %add3A_1335, %mul3A_1336 : i32
      %add3A_1338 = arith.addi %mul3A_2, %mul3A_1337 : i32
      %dma_start3A_1339 = tpu.memref_slice %arg3[%add3A_1338] : memref<320000xi32, #tpu.memory_space<hbm>> -> memref<40xi32, #tpu.memory_space<hbm>>
      %dma_start3A_1340 = tpu.memref_slice %arg3[%add3A_1338] : memref<320000xi32, #tpu.memory_space<hbm>> -> memref<40xi32, #tpu.memory_space<hbm>>
      tpu.enqueue_dma source(%dma_start3A_1340 : memref<40xi32, #tpu.memory_space<hbm>>) target(%arg12 : memref<40xi32, #tpu.memory_space<vmem>>) target_semaphore(%arg30 : memref<!tpu.dma_semaphore, #tpu.memory_space<semaphore_mem>>)
      %dma_start3A_1341 = arith.constant 0 : i32
      %dma_start3A_1342 = tpu.memref_slice %arg2[%add3A_1338, %dma_start3A_1341] : memref<320000x128xf32, #tpu.memory_space<hbm>> -> memref<40x128xf32, #tpu.memory_space<hbm>>
      %dma_start3A_1343 = arith.constant 0 : i32
      %dma_start3A_1344 = tpu.memref_slice %arg2[%add3A_1338, %dma_start3A_1343] : memref<320000x128xf32, #tpu.memory_space<hbm>> -> memref<40x128xf32, #tpu.memory_space<hbm>>
      tpu.enqueue_dma source(%dma_start3A_1344 : memref<40x128xf32, #tpu.memory_space<hbm>>) target(%arg20 : memref<40x128xf32, #tpu.memory_space<vmem>>) target_semaphore(%arg38 : memref<!tpu.dma_semaphore, #tpu.memory_space<semaphore_mem>>)
      %add3A_1345 = arith.constant 4 : i32
      %add3A_1346 = arith.addi %add3A_1228, %add3A_1345 : i32
      %dma_wait3A_1347 = arith.constant 0 : i32
      %dma_wait3A_1348 = tpu.memref_slice %arg3[%dma_wait3A_1347] : memref<320000xi32, #tpu.memory_space<hbm>> -> memref<40xi32, #tpu.memory_space<hbm>>
      %dma_wait3A_1349 = arith.constant 0 : i32
      %dma_wait3A_1350 = tpu.memref_slice %arg3[%dma_wait3A_1349] : memref<320000xi32, #tpu.memory_space<hbm>> -> memref<40xi32, #tpu.memory_space<hbm>>
      tpu.wait_dma2 semaphore(%arg27 : memref<!tpu.dma_semaphore, #tpu.memory_space<semaphore_mem>>) src(%dma_wait3A_1350 : memref<40xi32, #tpu.memory_space<hbm>>) dst(%arg9 : memref<40xi32, #tpu.memory_space<vmem>>)
      %dma_wait3A_1351 = arith.constant 0 : i32
      %dma_wait3A_1352 = arith.constant 0 : i32
      %dma_wait3A_1353 = tpu.memref_slice %arg2[%dma_wait3A_1351, %dma_wait3A_1352] : memref<320000x128xf32, #tpu.memory_space<hbm>> -> memref<40x128xf32, #tpu.memory_space<hbm>>
      %dma_wait3A_1354 = arith.constant 0 : i32
      %dma_wait3A_1355 = arith.constant 0 : i32
      %dma_wait3A_1356 = tpu.memref_slice %arg2[%dma_wait3A_1354, %dma_wait3A_1355] : memref<320000x128xf32, #tpu.memory_space<hbm>> -> memref<40x128xf32, #tpu.memory_space<hbm>>
      tpu.wait_dma2 semaphore(%arg35 : memref<!tpu.dma_semaphore, #tpu.memory_space<semaphore_mem>>) src(%dma_wait3A_1356 : memref<40x128xf32, #tpu.memory_space<hbm>>) dst(%arg17 : memref<40x128xf32, #tpu.memory_space<vmem>>)
      %dma_start3A_1357 = arith.constant 0 : i32
      %dma_start3A_1358 = arith.constant 0 : i32
      %dma_start3A_1359 = tpu.memref_slice %arg22[%dma_start3A_1357, %dma_start3A_1358] : memref<10000x128xf32, #tpu.memory_space<vmem_shared>> -> memref<10000x128xf32, #tpu.memory_space<vmem_shared>>
      tpu.enqueue_indirect_dma source(%arg17 : memref<40x128xf32, #tpu.memory_space<vmem>>) target(%dma_start3A_1359 : memref<10000x128xf32, #tpu.memory_space<vmem_shared>>) offsets(%arg9 : memref<40xi32, #tpu.memory_space<vmem>>) semaphore(%arg43 : memref<!tpu.dma_semaphore, #tpu.memory_space<semaphore_mem>>) {add = true}
      %dma_wait3A_1360 = arith.constant 0 : i32
      %dma_wait3A_1361 = arith.constant 0 : i32
      %dma_wait3A_1362 = tpu.memref_slice %arg22[%dma_wait3A_1360, %dma_wait3A_1361] : memref<10000x128xf32, #tpu.memory_space<vmem_shared>> -> memref<10000x128xf32, #tpu.memory_space<vmem_shared>>
      tpu.wait_indirect_dma semaphore(%arg39 : memref<!tpu.dma_semaphore, #tpu.memory_space<semaphore_mem>>) src(%arg13 : memref<40x128xf32, #tpu.memory_space<vmem>>) dst(%dma_wait3A_1362 : memref<10000x128xf32, #tpu.memory_space<vmem_shared>>)
      %add3A_1363 = arith.constant 4 : i32
      %add3A_1364 = arith.addi %add3A_1346, %add3A_1363 : i32
      %mul3A_1365 = arith.constant 40 : i32
      %mul3A_1366 = arith.muli %add3A_1364, %mul3A_1365 : i32
      %add3A_1367 = arith.addi %mul3A_2, %mul3A_1366 : i32
      %dma_start3A_1368 = tpu.memref_slice %arg3[%add3A_1367] : memref<320000xi32, #tpu.memory_space<hbm>> -> memref<40xi32, #tpu.memory_space<hbm>>
      %dma_start3A_1369 = tpu.memref_slice %arg3[%add3A_1367] : memref<320000xi32, #tpu.memory_space<hbm>> -> memref<40xi32, #tpu.memory_space<hbm>>
      tpu.enqueue_dma source(%dma_start3A_1369 : memref<40xi32, #tpu.memory_space<hbm>>) target(%arg5 : memref<40xi32, #tpu.memory_space<vmem>>) target_semaphore(%arg23 : memref<!tpu.dma_semaphore, #tpu.memory_space<semaphore_mem>>)
      %dma_start3A_1370 = arith.constant 0 : i32
      %dma_start3A_1371 = tpu.memref_slice %arg2[%add3A_1367, %dma_start3A_1370] : memref<320000x128xf32, #tpu.memory_space<hbm>> -> memref<40x128xf32, #tpu.memory_space<hbm>>
      %dma_start3A_1372 = arith.constant 0 : i32
      %dma_start3A_1373 = tpu.memref_slice %arg2[%add3A_1367, %dma_start3A_1372] : memref<320000x128xf32, #tpu.memory_space<hbm>> -> memref<40x128xf32, #tpu.memory_space<hbm>>
      tpu.enqueue_dma source(%dma_start3A_1373 : memref<40x128xf32, #tpu.memory_space<hbm>>) target(%arg13 : memref<40x128xf32, #tpu.memory_space<vmem>>) target_semaphore(%arg31 : memref<!tpu.dma_semaphore, #tpu.memory_space<semaphore_mem>>)
      %add3A_1374 = arith.constant 5 : i32
      %add3A_1375 = arith.addi %add3A_1228, %add3A_1374 : i32
      %dma_wait3A_1376 = arith.constant 0 : i32
      %dma_wait3A_1377 = tpu.memref_slice %arg3[%dma_wait3A_1376] : memref<320000xi32, #tpu.memory_space<hbm>> -> memref<40xi32, #tpu.memory_space<hbm>>
      %dma_wait3A_1378 = arith.constant 0 : i32
      %dma_wait3A_1379 = tpu.memref_slice %arg3[%dma_wait3A_1378] : memref<320000xi32, #tpu.memory_space<hbm>> -> memref<40xi32, #tpu.memory_space<hbm>>
      tpu.wait_dma2 semaphore(%arg28 : memref<!tpu.dma_semaphore, #tpu.memory_space<semaphore_mem>>) src(%dma_wait3A_1379 : memref<40xi32, #tpu.memory_space<hbm>>) dst(%arg10 : memref<40xi32, #tpu.memory_space<vmem>>)
      %dma_wait3A_1380 = arith.constant 0 : i32
      %dma_wait3A_1381 = arith.constant 0 : i32
      %dma_wait3A_1382 = tpu.memref_slice %arg2[%dma_wait3A_1380, %dma_wait3A_1381] : memref<320000x128xf32, #tpu.memory_space<hbm>> -> memref<40x128xf32, #tpu.memory_space<hbm>>
      %dma_wait3A_1383 = arith.constant 0 : i32
      %dma_wait3A_1384 = arith.constant 0 : i32
      %dma_wait3A_1385 = tpu.memref_slice %arg2[%dma_wait3A_1383, %dma_wait3A_1384] : memref<320000x128xf32, #tpu.memory_space<hbm>> -> memref<40x128xf32, #tpu.memory_space<hbm>>
      tpu.wait_dma2 semaphore(%arg36 : memref<!tpu.dma_semaphore, #tpu.memory_space<semaphore_mem>>) src(%dma_wait3A_1385 : memref<40x128xf32, #tpu.memory_space<hbm>>) dst(%arg18 : memref<40x128xf32, #tpu.memory_space<vmem>>)
      %dma_start3A_1386 = arith.constant 0 : i32
      %dma_start3A_1387 = arith.constant 0 : i32
      %dma_start3A_1388 = tpu.memref_slice %arg22[%dma_start3A_1386, %dma_start3A_1387] : memref<10000x128xf32, #tpu.memory_space<vmem_shared>> -> memref<10000x128xf32, #tpu.memory_space<vmem_shared>>
      tpu.enqueue_indirect_dma source(%arg18 : memref<40x128xf32, #tpu.memory_space<vmem>>) target(%dma_start3A_1388 : memref<10000x128xf32, #tpu.memory_space<vmem_shared>>) offsets(%arg10 : memref<40xi32, #tpu.memory_space<vmem>>) semaphore(%arg44 : memref<!tpu.dma_semaphore, #tpu.memory_space<semaphore_mem>>) {add = true}
      %dma_wait3A_1389 = arith.constant 0 : i32
      %dma_wait3A_1390 = arith.constant 0 : i32
      %dma_wait3A_1391 = tpu.memref_slice %arg22[%dma_wait3A_1389, %dma_wait3A_1390] : memref<10000x128xf32, #tpu.memory_space<vmem_shared>> -> memref<10000x128xf32, #tpu.memory_space<vmem_shared>>
      tpu.wait_indirect_dma semaphore(%arg40 : memref<!tpu.dma_semaphore, #tpu.memory_space<semaphore_mem>>) src(%arg14 : memref<40x128xf32, #tpu.memory_space<vmem>>) dst(%dma_wait3A_1391 : memref<10000x128xf32, #tpu.memory_space<vmem_shared>>)
      %add3A_1392 = arith.constant 4 : i32
      %add3A_1393 = arith.addi %add3A_1375, %add3A_1392 : i32
      %mul3A_1394 = arith.constant 40 : i32
      %mul3A_1395 = arith.muli %add3A_1393, %mul3A_1394 : i32
      %add3A_1396 = arith.addi %mul3A_2, %mul3A_1395 : i32
      %dma_start3A_1397 = tpu.memref_slice %arg3[%add3A_1396] : memref<320000xi32, #tpu.memory_space<hbm>> -> memref<40xi32, #tpu.memory_space<hbm>>
      %dma_start3A_1398 = tpu.memref_slice %arg3[%add3A_1396] : memref<320000xi32, #tpu.memory_space<hbm>> -> memref<40xi32, #tpu.memory_space<hbm>>
      tpu.enqueue_dma source(%dma_start3A_1398 : memref<40xi32, #tpu.memory_space<hbm>>) target(%arg6 : memref<40xi32, #tpu.memory_space<vmem>>) target_semaphore(%arg24 : memref<!tpu.dma_semaphore, #tpu.memory_space<semaphore_mem>>)
      %dma_start3A_1399 = arith.constant 0 : i32
      %dma_start3A_1400 = tpu.memref_slice %arg2[%add3A_1396, %dma_start3A_1399] : memref<320000x128xf32, #tpu.memory_space<hbm>> -> memref<40x128xf32, #tpu.memory_space<hbm>>
      %dma_start3A_1401 = arith.constant 0 : i32
      %dma_start3A_1402 = tpu.memref_slice %arg2[%add3A_1396, %dma_start3A_1401] : memref<320000x128xf32, #tpu.memory_space<hbm>> -> memref<40x128xf32, #tpu.memory_space<hbm>>
      tpu.enqueue_dma source(%dma_start3A_1402 : memref<40x128xf32, #tpu.memory_space<hbm>>) target(%arg14 : memref<40x128xf32, #tpu.memory_space<vmem>>) target_semaphore(%arg32 : memref<!tpu.dma_semaphore, #tpu.memory_space<semaphore_mem>>)
      %add3A_1403 = arith.constant 6 : i32
      %add3A_1404 = arith.addi %add3A_1228, %add3A_1403 : i32
      %dma_wait3A_1405 = arith.constant 0 : i32
      %dma_wait3A_1406 = tpu.memref_slice %arg3[%dma_wait3A_1405] : memref<320000xi32, #tpu.memory_space<hbm>> -> memref<40xi32, #tpu.memory_space<hbm>>
      %dma_wait3A_1407 = arith.constant 0 : i32
      %dma_wait3A_1408 = tpu.memref_slice %arg3[%dma_wait3A_1407] : memref<320000xi32, #tpu.memory_space<hbm>> -> memref<40xi32, #tpu.memory_space<hbm>>
      tpu.wait_dma2 semaphore(%arg29 : memref<!tpu.dma_semaphore, #tpu.memory_space<semaphore_mem>>) src(%dma_wait3A_1408 : memref<40xi32, #tpu.memory_space<hbm>>) dst(%arg11 : memref<40xi32, #tpu.memory_space<vmem>>)
      %dma_wait3A_1409 = arith.constant 0 : i32
      %dma_wait3A_1410 = arith.constant 0 : i32
      %dma_wait3A_1411 = tpu.memref_slice %arg2[%dma_wait3A_1409, %dma_wait3A_1410] : memref<320000x128xf32, #tpu.memory_space<hbm>> -> memref<40x128xf32, #tpu.memory_space<hbm>>
      %dma_wait3A_1412 = arith.constant 0 : i32
      %dma_wait3A_1413 = arith.constant 0 : i32
      %dma_wait3A_1414 = tpu.memref_slice %arg2[%dma_wait3A_1412, %dma_wait3A_1413] : memref<320000x128xf32, #tpu.memory_space<hbm>> -> memref<40x128xf32, #tpu.memory_space<hbm>>
      tpu.wait_dma2 semaphore(%arg37 : memref<!tpu.dma_semaphore, #tpu.memory_space<semaphore_mem>>) src(%dma_wait3A_1414 : memref<40x128xf32, #tpu.memory_space<hbm>>) dst(%arg19 : memref<40x128xf32, #tpu.memory_space<vmem>>)
      %dma_start3A_1415 = arith.constant 0 : i32
      %dma_start3A_1416 = arith.constant 0 : i32
      %dma_start3A_1417 = tpu.memref_slice %arg22[%dma_start3A_1415, %dma_start3A_1416] : memref<10000x128xf32, #tpu.memory_space<vmem_shared>> -> memref<10000x128xf32, #tpu.memory_space<vmem_shared>>
      tpu.enqueue_indirect_dma source(%arg19 : memref<40x128xf32, #tpu.memory_space<vmem>>) target(%dma_start3A_1417 : memref<10000x128xf32, #tpu.memory_space<vmem_shared>>) offsets(%arg11 : memref<40xi32, #tpu.memory_space<vmem>>) semaphore(%arg45 : memref<!tpu.dma_semaphore, #tpu.memory_space<semaphore_mem>>) {add = true}
      %dma_wait3A_1418 = arith.constant 0 : i32
      %dma_wait3A_1419 = arith.constant 0 : i32
      %dma_wait3A_1420 = tpu.memref_slice %arg22[%dma_wait3A_1418, %dma_wait3A_1419] : memref<10000x128xf32, #tpu.memory_space<vmem_shared>> -> memref<10000x128xf32, #tpu.memory_space<vmem_shared>>
      tpu.wait_indirect_dma semaphore(%arg41 : memref<!tpu.dma_semaphore, #tpu.memory_space<semaphore_mem>>) src(%arg15 : memref<40x128xf32, #tpu.memory_space<vmem>>) dst(%dma_wait3A_1420 : memref<10000x128xf32, #tpu.memory_space<vmem_shared>>)
      %add3A_1421 = arith.constant 4 : i32
      %add3A_1422 = arith.addi %add3A_1404, %add3A_1421 : i32
      %mul3A_1423 = arith.constant 40 : i32
      %mul3A_1424 = arith.muli %add3A_1422, %mul3A_1423 : i32
      %add3A_1425 = arith.addi %mul3A_2, %mul3A_1424 : i32
      %dma_start3A_1426 = tpu.memref_slice %arg3[%add3A_1425] : memref<320000xi32, #tpu.memory_space<hbm>> -> memref<40xi32, #tpu.memory_space<hbm>>
      %dma_start3A_1427 = tpu.memref_slice %arg3[%add3A_1425] : memref<320000xi32, #tpu.memory_space<hbm>> -> memref<40xi32, #tpu.memory_space<hbm>>
      tpu.enqueue_dma source(%dma_start3A_1427 : memref<40xi32, #tpu.memory_space<hbm>>) target(%arg7 : memref<40xi32, #tpu.memory_space<vmem>>) target_semaphore(%arg25 : memref<!tpu.dma_semaphore, #tpu.memory_space<semaphore_mem>>)
      %dma_start3A_1428 = arith.constant 0 : i32
      %dma_start3A_1429 = tpu.memref_slice %arg2[%add3A_1425, %dma_start3A_1428] : memref<320000x128xf32, #tpu.memory_space<hbm>> -> memref<40x128xf32, #tpu.memory_space<hbm>>
      %dma_start3A_1430 = arith.constant 0 : i32
      %dma_start3A_1431 = tpu.memref_slice %arg2[%add3A_1425, %dma_start3A_1430] : memref<320000x128xf32, #tpu.memory_space<hbm>> -> memref<40x128xf32, #tpu.memory_space<hbm>>
      tpu.enqueue_dma source(%dma_start3A_1431 : memref<40x128xf32, #tpu.memory_space<hbm>>) target(%arg15 : memref<40x128xf32, #tpu.memory_space<vmem>>) target_semaphore(%arg33 : memref<!tpu.dma_semaphore, #tpu.memory_space<semaphore_mem>>)
      %add3A_1432 = arith.constant 7 : i32
      %add3A_1433 = arith.addi %add3A_1228, %add3A_1432 : i32
      %dma_wait3A_1434 = arith.constant 0 : i32
      %dma_wait3A_1435 = tpu.memref_slice %arg3[%dma_wait3A_1434] : memref<320000xi32, #tpu.memory_space<hbm>> -> memref<40xi32, #tpu.memory_space<hbm>>
      %dma_wait3A_1436 = arith.constant 0 : i32
      %dma_wait3A_1437 = tpu.memref_slice %arg3[%dma_wait3A_1436] : memref<320000xi32, #tpu.memory_space<hbm>> -> memref<40xi32, #tpu.memory_space<hbm>>
      tpu.wait_dma2 semaphore(%arg30 : memref<!tpu.dma_semaphore, #tpu.memory_space<semaphore_mem>>) src(%dma_wait3A_1437 : memref<40xi32, #tpu.memory_space<hbm>>) dst(%arg12 : memref<40xi32, #tpu.memory_space<vmem>>)
      %dma_wait3A_1438 = arith.constant 0 : i32
      %dma_wait3A_1439 = arith.constant 0 : i32
      %dma_wait3A_1440 = tpu.memref_slice %arg2[%dma_wait3A_1438, %dma_wait3A_1439] : memref<320000x128xf32, #tpu.memory_space<hbm>> -> memref<40x128xf32, #tpu.memory_space<hbm>>
      %dma_wait3A_1441 = arith.constant 0 : i32
      %dma_wait3A_1442 = arith.constant 0 : i32
      %dma_wait3A_1443 = tpu.memref_slice %arg2[%dma_wait3A_1441, %dma_wait3A_1442] : memref<320000x128xf32, #tpu.memory_space<hbm>> -> memref<40x128xf32, #tpu.memory_space<hbm>>
      tpu.wait_dma2 semaphore(%arg38 : memref<!tpu.dma_semaphore, #tpu.memory_space<semaphore_mem>>) src(%dma_wait3A_1443 : memref<40x128xf32, #tpu.memory_space<hbm>>) dst(%arg20 : memref<40x128xf32, #tpu.memory_space<vmem>>)
      %dma_start3A_1444 = arith.constant 0 : i32
      %dma_start3A_1445 = arith.constant 0 : i32
      %dma_start3A_1446 = tpu.memref_slice %arg22[%dma_start3A_1444, %dma_start3A_1445] : memref<10000x128xf32, #tpu.memory_space<vmem_shared>> -> memref<10000x128xf32, #tpu.memory_space<vmem_shared>>
      tpu.enqueue_indirect_dma source(%arg20 : memref<40x128xf32, #tpu.memory_space<vmem>>) target(%dma_start3A_1446 : memref<10000x128xf32, #tpu.memory_space<vmem_shared>>) offsets(%arg12 : memref<40xi32, #tpu.memory_space<vmem>>) semaphore(%arg46 : memref<!tpu.dma_semaphore, #tpu.memory_space<semaphore_mem>>) {add = true}
      %dma_wait3A_1447 = arith.constant 0 : i32
      %dma_wait3A_1448 = arith.constant 0 : i32
      %dma_wait3A_1449 = tpu.memref_slice %arg22[%dma_wait3A_1447, %dma_wait3A_1448] : memref<10000x128xf32, #tpu.memory_space<vmem_shared>> -> memref<10000x128xf32, #tpu.memory_space<vmem_shared>>
      tpu.wait_indirect_dma semaphore(%arg42 : memref<!tpu.dma_semaphore, #tpu.memory_space<semaphore_mem>>) src(%arg16 : memref<40x128xf32, #tpu.memory_space<vmem>>) dst(%dma_wait3A_1449 : memref<10000x128xf32, #tpu.memory_space<vmem_shared>>)
      %add3A_1450 = arith.constant 4 : i32
      %add3A_1451 = arith.addi %add3A_1433, %add3A_1450 : i32
      %mul3A_1452 = arith.constant 40 : i32
      %mul3A_1453 = arith.muli %add3A_1451, %mul3A_1452 : i32
      %add3A_1454 = arith.addi %mul3A_2, %mul3A_1453 : i32
      %dma_start3A_1455 = tpu.memref_slice %arg3[%add3A_1454] : memref<320000xi32, #tpu.memory_space<hbm>> -> memref<40xi32, #tpu.memory_space<hbm>>
      %dma_start3A_1456 = tpu.memref_slice %arg3[%add3A_1454] : memref<320000xi32, #tpu.memory_space<hbm>> -> memref<40xi32, #tpu.memory_space<hbm>>
      tpu.enqueue_dma source(%dma_start3A_1456 : memref<40xi32, #tpu.memory_space<hbm>>) target(%arg8 : memref<40xi32, #tpu.memory_space<vmem>>) target_semaphore(%arg26 : memref<!tpu.dma_semaphore, #tpu.memory_space<semaphore_mem>>)
      %dma_start3A_1457 = arith.constant 0 : i32
      %dma_start3A_1458 = tpu.memref_slice %arg2[%add3A_1454, %dma_start3A_1457] : memref<320000x128xf32, #tpu.memory_space<hbm>> -> memref<40x128xf32, #tpu.memory_space<hbm>>
      %dma_start3A_1459 = arith.constant 0 : i32
      %dma_start3A_1460 = tpu.memref_slice %arg2[%add3A_1454, %dma_start3A_1459] : memref<320000x128xf32, #tpu.memory_space<hbm>> -> memref<40x128xf32, #tpu.memory_space<hbm>>
      tpu.enqueue_dma source(%dma_start3A_1460 : memref<40x128xf32, #tpu.memory_space<hbm>>) target(%arg16 : memref<40x128xf32, #tpu.memory_space<vmem>>) target_semaphore(%arg34 : memref<!tpu.dma_semaphore, #tpu.memory_space<semaphore_mem>>)
    }
    %scan3A_993 = arith.constant 29 : i32
    %dma_wait3A_994 = arith.constant 0 : i32
    %dma_wait3A_995 = tpu.memref_slice %arg3[%dma_wait3A_994] : memref<320000xi32, #tpu.memory_space<hbm>> -> memref<40xi32, #tpu.memory_space<hbm>>
    %dma_wait3A_996 = arith.constant 0 : i32
    %dma_wait3A_997 = tpu.memref_slice %arg3[%dma_wait3A_996] : memref<320000xi32, #tpu.memory_space<hbm>> -> memref<40xi32, #tpu.memory_space<hbm>>
    tpu.wait_dma2 semaphore(%arg23 : memref<!tpu.dma_semaphore, #tpu.memory_space<semaphore_mem>>) src(%dma_wait3A_997 : memref<40xi32, #tpu.memory_space<hbm>>) dst(%arg5 : memref<40xi32, #tpu.memory_space<vmem>>)
    %dma_wait3A_998 = arith.constant 0 : i32
    %dma_wait3A_999 = arith.constant 0 : i32
    %dma_wait3A_1000 = tpu.memref_slice %arg2[%dma_wait3A_998, %dma_wait3A_999] : memref<320000x128xf32, #tpu.memory_space<hbm>> -> memref<40x128xf32, #tpu.memory_space<hbm>>
    %dma_wait3A_1001 = arith.constant 0 : i32
    %dma_wait3A_1002 = arith.constant 0 : i32
    %dma_wait3A_1003 = tpu.memref_slice %arg2[%dma_wait3A_1001, %dma_wait3A_1002] : memref<320000x128xf32, #tpu.memory_space<hbm>> -> memref<40x128xf32, #tpu.memory_space<hbm>>
    tpu.wait_dma2 semaphore(%arg31 : memref<!tpu.dma_semaphore, #tpu.memory_space<semaphore_mem>>) src(%dma_wait3A_1003 : memref<40x128xf32, #tpu.memory_space<hbm>>) dst(%arg13 : memref<40x128xf32, #tpu.memory_space<vmem>>)
    %dma_start3A_1004 = arith.constant 0 : i32
    %dma_start3A_1005 = arith.constant 0 : i32
    %dma_start3A_1006 = tpu.memref_slice %arg22[%dma_start3A_1004, %dma_start3A_1005] : memref<10000x128xf32, #tpu.memory_space<vmem_shared>> -> memref<10000x128xf32, #tpu.memory_space<vmem_shared>>
    tpu.enqueue_indirect_dma source(%arg13 : memref<40x128xf32, #tpu.memory_space<vmem>>) target(%dma_start3A_1006 : memref<10000x128xf32, #tpu.memory_space<vmem_shared>>) offsets(%arg5 : memref<40xi32, #tpu.memory_space<vmem>>) semaphore(%arg39 : memref<!tpu.dma_semaphore, #tpu.memory_space<semaphore_mem>>) {add = true}
    %dma_wait3A_1007 = arith.constant 0 : i32
    %dma_wait3A_1008 = arith.constant 0 : i32
    %dma_wait3A_1009 = tpu.memref_slice %arg22[%dma_wait3A_1007, %dma_wait3A_1008] : memref<10000x128xf32, #tpu.memory_space<vmem_shared>> -> memref<10000x128xf32, #tpu.memory_space<vmem_shared>>
    tpu.wait_indirect_dma semaphore(%arg43 : memref<!tpu.dma_semaphore, #tpu.memory_space<semaphore_mem>>) src(%arg17 : memref<40x128xf32, #tpu.memory_space<vmem>>) dst(%dma_wait3A_1009 : memref<10000x128xf32, #tpu.memory_space<vmem_shared>>)
    %add3A_1010 = arith.constant 9760 : i32
    %add3A_1011 = arith.addi %mul3A_2, %add3A_1010 : i32
    %dma_start3A_1012 = tpu.memref_slice %arg3[%add3A_1011] : memref<320000xi32, #tpu.memory_space<hbm>> -> memref<40xi32, #tpu.memory_space<hbm>>
    %dma_start3A_1013 = tpu.memref_slice %arg3[%add3A_1011] : memref<320000xi32, #tpu.memory_space<hbm>> -> memref<40xi32, #tpu.memory_space<hbm>>
    tpu.enqueue_dma source(%dma_start3A_1013 : memref<40xi32, #tpu.memory_space<hbm>>) target(%arg9 : memref<40xi32, #tpu.memory_space<vmem>>) target_semaphore(%arg27 : memref<!tpu.dma_semaphore, #tpu.memory_space<semaphore_mem>>)
    %dma_start3A_1014 = arith.constant 0 : i32
    %dma_start3A_1015 = tpu.memref_slice %arg2[%add3A_1011, %dma_start3A_1014] : memref<320000x128xf32, #tpu.memory_space<hbm>> -> memref<40x128xf32, #tpu.memory_space<hbm>>
    %dma_start3A_1016 = arith.constant 0 : i32
    %dma_start3A_1017 = tpu.memref_slice %arg2[%add3A_1011, %dma_start3A_1016] : memref<320000x128xf32, #tpu.memory_space<hbm>> -> memref<40x128xf32, #tpu.memory_space<hbm>>
    tpu.enqueue_dma source(%dma_start3A_1017 : memref<40x128xf32, #tpu.memory_space<hbm>>) target(%arg17 : memref<40x128xf32, #tpu.memory_space<vmem>>) target_semaphore(%arg35 : memref<!tpu.dma_semaphore, #tpu.memory_space<semaphore_mem>>)
    %dma_wait3A_1018 = arith.constant 0 : i32
    %dma_wait3A_1019 = tpu.memref_slice %arg3[%dma_wait3A_1018] : memref<320000xi32, #tpu.memory_space<hbm>> -> memref<40xi32, #tpu.memory_space<hbm>>
    %dma_wait3A_1020 = arith.constant 0 : i32
    %dma_wait3A_1021 = tpu.memref_slice %arg3[%dma_wait3A_1020] : memref<320000xi32, #tpu.memory_space<hbm>> -> memref<40xi32, #tpu.memory_space<hbm>>
    tpu.wait_dma2 semaphore(%arg24 : memref<!tpu.dma_semaphore, #tpu.memory_space<semaphore_mem>>) src(%dma_wait3A_1021 : memref<40xi32, #tpu.memory_space<hbm>>) dst(%arg6 : memref<40xi32, #tpu.memory_space<vmem>>)
    %dma_wait3A_1022 = arith.constant 0 : i32
    %dma_wait3A_1023 = arith.constant 0 : i32
    %dma_wait3A_1024 = tpu.memref_slice %arg2[%dma_wait3A_1022, %dma_wait3A_1023] : memref<320000x128xf32, #tpu.memory_space<hbm>> -> memref<40x128xf32, #tpu.memory_space<hbm>>
    %dma_wait3A_1025 = arith.constant 0 : i32
    %dma_wait3A_1026 = arith.constant 0 : i32
    %dma_wait3A_1027 = tpu.memref_slice %arg2[%dma_wait3A_1025, %dma_wait3A_1026] : memref<320000x128xf32, #tpu.memory_space<hbm>> -> memref<40x128xf32, #tpu.memory_space<hbm>>
    tpu.wait_dma2 semaphore(%arg32 : memref<!tpu.dma_semaphore, #tpu.memory_space<semaphore_mem>>) src(%dma_wait3A_1027 : memref<40x128xf32, #tpu.memory_space<hbm>>) dst(%arg14 : memref<40x128xf32, #tpu.memory_space<vmem>>)
    %dma_start3A_1028 = arith.constant 0 : i32
    %dma_start3A_1029 = arith.constant 0 : i32
    %dma_start3A_1030 = tpu.memref_slice %arg22[%dma_start3A_1028, %dma_start3A_1029] : memref<10000x128xf32, #tpu.memory_space<vmem_shared>> -> memref<10000x128xf32, #tpu.memory_space<vmem_shared>>
    tpu.enqueue_indirect_dma source(%arg14 : memref<40x128xf32, #tpu.memory_space<vmem>>) target(%dma_start3A_1030 : memref<10000x128xf32, #tpu.memory_space<vmem_shared>>) offsets(%arg6 : memref<40xi32, #tpu.memory_space<vmem>>) semaphore(%arg40 : memref<!tpu.dma_semaphore, #tpu.memory_space<semaphore_mem>>) {add = true}
    %dma_wait3A_1031 = arith.constant 0 : i32
    %dma_wait3A_1032 = arith.constant 0 : i32
    %dma_wait3A_1033 = tpu.memref_slice %arg22[%dma_wait3A_1031, %dma_wait3A_1032] : memref<10000x128xf32, #tpu.memory_space<vmem_shared>> -> memref<10000x128xf32, #tpu.memory_space<vmem_shared>>
    tpu.wait_indirect_dma semaphore(%arg44 : memref<!tpu.dma_semaphore, #tpu.memory_space<semaphore_mem>>) src(%arg18 : memref<40x128xf32, #tpu.memory_space<vmem>>) dst(%dma_wait3A_1033 : memref<10000x128xf32, #tpu.memory_space<vmem_shared>>)
    %add3A_1034 = arith.constant 9800 : i32
    %add3A_1035 = arith.addi %mul3A_2, %add3A_1034 : i32
    %dma_start3A_1036 = tpu.memref_slice %arg3[%add3A_1035] : memref<320000xi32, #tpu.memory_space<hbm>> -> memref<40xi32, #tpu.memory_space<hbm>>
    %dma_start3A_1037 = tpu.memref_slice %arg3[%add3A_1035] : memref<320000xi32, #tpu.memory_space<hbm>> -> memref<40xi32, #tpu.memory_space<hbm>>
    tpu.enqueue_dma source(%dma_start3A_1037 : memref<40xi32, #tpu.memory_space<hbm>>) target(%arg10 : memref<40xi32, #tpu.memory_space<vmem>>) target_semaphore(%arg28 : memref<!tpu.dma_semaphore, #tpu.memory_space<semaphore_mem>>)
    %dma_start3A_1038 = arith.constant 0 : i32
    %dma_start3A_1039 = tpu.memref_slice %arg2[%add3A_1035, %dma_start3A_1038] : memref<320000x128xf32, #tpu.memory_space<hbm>> -> memref<40x128xf32, #tpu.memory_space<hbm>>
    %dma_start3A_1040 = arith.constant 0 : i32
    %dma_start3A_1041 = tpu.memref_slice %arg2[%add3A_1035, %dma_start3A_1040] : memref<320000x128xf32, #tpu.memory_space<hbm>> -> memref<40x128xf32, #tpu.memory_space<hbm>>
    tpu.enqueue_dma source(%dma_start3A_1041 : memref<40x128xf32, #tpu.memory_space<hbm>>) target(%arg18 : memref<40x128xf32, #tpu.memory_space<vmem>>) target_semaphore(%arg36 : memref<!tpu.dma_semaphore, #tpu.memory_space<semaphore_mem>>)
    %dma_wait3A_1042 = arith.constant 0 : i32
    %dma_wait3A_1043 = tpu.memref_slice %arg3[%dma_wait3A_1042] : memref<320000xi32, #tpu.memory_space<hbm>> -> memref<40xi32, #tpu.memory_space<hbm>>
    %dma_wait3A_1044 = arith.constant 0 : i32
    %dma_wait3A_1045 = tpu.memref_slice %arg3[%dma_wait3A_1044] : memref<320000xi32, #tpu.memory_space<hbm>> -> memref<40xi32, #tpu.memory_space<hbm>>
    tpu.wait_dma2 semaphore(%arg25 : memref<!tpu.dma_semaphore, #tpu.memory_space<semaphore_mem>>) src(%dma_wait3A_1045 : memref<40xi32, #tpu.memory_space<hbm>>) dst(%arg7 : memref<40xi32, #tpu.memory_space<vmem>>)
    %dma_wait3A_1046 = arith.constant 0 : i32
    %dma_wait3A_1047 = arith.constant 0 : i32
    %dma_wait3A_1048 = tpu.memref_slice %arg2[%dma_wait3A_1046, %dma_wait3A_1047] : memref<320000x128xf32, #tpu.memory_space<hbm>> -> memref<40x128xf32, #tpu.memory_space<hbm>>
    %dma_wait3A_1049 = arith.constant 0 : i32
    %dma_wait3A_1050 = arith.constant 0 : i32
    %dma_wait3A_1051 = tpu.memref_slice %arg2[%dma_wait3A_1049, %dma_wait3A_1050] : memref<320000x128xf32, #tpu.memory_space<hbm>> -> memref<40x128xf32, #tpu.memory_space<hbm>>
    tpu.wait_dma2 semaphore(%arg33 : memref<!tpu.dma_semaphore, #tpu.memory_space<semaphore_mem>>) src(%dma_wait3A_1051 : memref<40x128xf32, #tpu.memory_space<hbm>>) dst(%arg15 : memref<40x128xf32, #tpu.memory_space<vmem>>)
    %dma_start3A_1052 = arith.constant 0 : i32
    %dma_start3A_1053 = arith.constant 0 : i32
    %dma_start3A_1054 = tpu.memref_slice %arg22[%dma_start3A_1052, %dma_start3A_1053] : memref<10000x128xf32, #tpu.memory_space<vmem_shared>> -> memref<10000x128xf32, #tpu.memory_space<vmem_shared>>
    tpu.enqueue_indirect_dma source(%arg15 : memref<40x128xf32, #tpu.memory_space<vmem>>) target(%dma_start3A_1054 : memref<10000x128xf32, #tpu.memory_space<vmem_shared>>) offsets(%arg7 : memref<40xi32, #tpu.memory_space<vmem>>) semaphore(%arg41 : memref<!tpu.dma_semaphore, #tpu.memory_space<semaphore_mem>>) {add = true}
    %dma_wait3A_1055 = arith.constant 0 : i32
    %dma_wait3A_1056 = arith.constant 0 : i32
    %dma_wait3A_1057 = tpu.memref_slice %arg22[%dma_wait3A_1055, %dma_wait3A_1056] : memref<10000x128xf32, #tpu.memory_space<vmem_shared>> -> memref<10000x128xf32, #tpu.memory_space<vmem_shared>>
    tpu.wait_indirect_dma semaphore(%arg45 : memref<!tpu.dma_semaphore, #tpu.memory_space<semaphore_mem>>) src(%arg19 : memref<40x128xf32, #tpu.memory_space<vmem>>) dst(%dma_wait3A_1057 : memref<10000x128xf32, #tpu.memory_space<vmem_shared>>)
    %add3A_1058 = arith.constant 9840 : i32
    %add3A_1059 = arith.addi %mul3A_2, %add3A_1058 : i32
    %dma_start3A_1060 = tpu.memref_slice %arg3[%add3A_1059] : memref<320000xi32, #tpu.memory_space<hbm>> -> memref<40xi32, #tpu.memory_space<hbm>>
    %dma_start3A_1061 = tpu.memref_slice %arg3[%add3A_1059] : memref<320000xi32, #tpu.memory_space<hbm>> -> memref<40xi32, #tpu.memory_space<hbm>>
    tpu.enqueue_dma source(%dma_start3A_1061 : memref<40xi32, #tpu.memory_space<hbm>>) target(%arg11 : memref<40xi32, #tpu.memory_space<vmem>>) target_semaphore(%arg29 : memref<!tpu.dma_semaphore, #tpu.memory_space<semaphore_mem>>)
    %dma_start3A_1062 = arith.constant 0 : i32
    %dma_start3A_1063 = tpu.memref_slice %arg2[%add3A_1059, %dma_start3A_1062] : memref<320000x128xf32, #tpu.memory_space<hbm>> -> memref<40x128xf32, #tpu.memory_space<hbm>>
    %dma_start3A_1064 = arith.constant 0 : i32
    %dma_start3A_1065 = tpu.memref_slice %arg2[%add3A_1059, %dma_start3A_1064] : memref<320000x128xf32, #tpu.memory_space<hbm>> -> memref<40x128xf32, #tpu.memory_space<hbm>>
    tpu.enqueue_dma source(%dma_start3A_1065 : memref<40x128xf32, #tpu.memory_space<hbm>>) target(%arg19 : memref<40x128xf32, #tpu.memory_space<vmem>>) target_semaphore(%arg37 : memref<!tpu.dma_semaphore, #tpu.memory_space<semaphore_mem>>)
    %dma_wait3A_1066 = arith.constant 0 : i32
    %dma_wait3A_1067 = tpu.memref_slice %arg3[%dma_wait3A_1066] : memref<320000xi32, #tpu.memory_space<hbm>> -> memref<40xi32, #tpu.memory_space<hbm>>
    %dma_wait3A_1068 = arith.constant 0 : i32
    %dma_wait3A_1069 = tpu.memref_slice %arg3[%dma_wait3A_1068] : memref<320000xi32, #tpu.memory_space<hbm>> -> memref<40xi32, #tpu.memory_space<hbm>>
    tpu.wait_dma2 semaphore(%arg26 : memref<!tpu.dma_semaphore, #tpu.memory_space<semaphore_mem>>) src(%dma_wait3A_1069 : memref<40xi32, #tpu.memory_space<hbm>>) dst(%arg8 : memref<40xi32, #tpu.memory_space<vmem>>)
    %dma_wait3A_1070 = arith.constant 0 : i32
    %dma_wait3A_1071 = arith.constant 0 : i32
    %dma_wait3A_1072 = tpu.memref_slice %arg2[%dma_wait3A_1070, %dma_wait3A_1071] : memref<320000x128xf32, #tpu.memory_space<hbm>> -> memref<40x128xf32, #tpu.memory_space<hbm>>
    %dma_wait3A_1073 = arith.constant 0 : i32
    %dma_wait3A_1074 = arith.constant 0 : i32
    %dma_wait3A_1075 = tpu.memref_slice %arg2[%dma_wait3A_1073, %dma_wait3A_1074] : memref<320000x128xf32, #tpu.memory_space<hbm>> -> memref<40x128xf32, #tpu.memory_space<hbm>>
    tpu.wait_dma2 semaphore(%arg34 : memref<!tpu.dma_semaphore, #tpu.memory_space<semaphore_mem>>) src(%dma_wait3A_1075 : memref<40x128xf32, #tpu.memory_space<hbm>>) dst(%arg16 : memref<40x128xf32, #tpu.memory_space<vmem>>)
    %dma_start3A_1076 = arith.constant 0 : i32
    %dma_start3A_1077 = arith.constant 0 : i32
    %dma_start3A_1078 = tpu.memref_slice %arg22[%dma_start3A_1076, %dma_start3A_1077] : memref<10000x128xf32, #tpu.memory_space<vmem_shared>> -> memref<10000x128xf32, #tpu.memory_space<vmem_shared>>
    tpu.enqueue_indirect_dma source(%arg16 : memref<40x128xf32, #tpu.memory_space<vmem>>) target(%dma_start3A_1078 : memref<10000x128xf32, #tpu.memory_space<vmem_shared>>) offsets(%arg8 : memref<40xi32, #tpu.memory_space<vmem>>) semaphore(%arg42 : memref<!tpu.dma_semaphore, #tpu.memory_space<semaphore_mem>>) {add = true}
    %dma_wait3A_1079 = arith.constant 0 : i32
    %dma_wait3A_1080 = arith.constant 0 : i32
    %dma_wait3A_1081 = tpu.memref_slice %arg22[%dma_wait3A_1079, %dma_wait3A_1080] : memref<10000x128xf32, #tpu.memory_space<vmem_shared>> -> memref<10000x128xf32, #tpu.memory_space<vmem_shared>>
    tpu.wait_indirect_dma semaphore(%arg46 : memref<!tpu.dma_semaphore, #tpu.memory_space<semaphore_mem>>) src(%arg20 : memref<40x128xf32, #tpu.memory_space<vmem>>) dst(%dma_wait3A_1081 : memref<10000x128xf32, #tpu.memory_space<vmem_shared>>)
    %add3A_1082 = arith.constant 9880 : i32
    %add3A_1083 = arith.addi %mul3A_2, %add3A_1082 : i32
    %dma_start3A_1084 = tpu.memref_slice %arg3[%add3A_1083] : memref<320000xi32, #tpu.memory_space<hbm>> -> memref<40xi32, #tpu.memory_space<hbm>>
    %dma_start3A_1085 = tpu.memref_slice %arg3[%add3A_1083] : memref<320000xi32, #tpu.memory_space<hbm>> -> memref<40xi32, #tpu.memory_space<hbm>>
    tpu.enqueue_dma source(%dma_start3A_1085 : memref<40xi32, #tpu.memory_space<hbm>>) target(%arg12 : memref<40xi32, #tpu.memory_space<vmem>>) target_semaphore(%arg30 : memref<!tpu.dma_semaphore, #tpu.memory_space<semaphore_mem>>)
    %dma_start3A_1086 = arith.constant 0 : i32
    %dma_start3A_1087 = tpu.memref_slice %arg2[%add3A_1083, %dma_start3A_1086] : memref<320000x128xf32, #tpu.memory_space<hbm>> -> memref<40x128xf32, #tpu.memory_space<hbm>>
    %dma_start3A_1088 = arith.constant 0 : i32
    %dma_start3A_1089 = tpu.memref_slice %arg2[%add3A_1083, %dma_start3A_1088] : memref<320000x128xf32, #tpu.memory_space<hbm>> -> memref<40x128xf32, #tpu.memory_space<hbm>>
    tpu.enqueue_dma source(%dma_start3A_1089 : memref<40x128xf32, #tpu.memory_space<hbm>>) target(%arg20 : memref<40x128xf32, #tpu.memory_space<vmem>>) target_semaphore(%arg38 : memref<!tpu.dma_semaphore, #tpu.memory_space<semaphore_mem>>)
    %dma_wait3A_1090 = arith.constant 0 : i32
    %dma_wait3A_1091 = tpu.memref_slice %arg3[%dma_wait3A_1090] : memref<320000xi32, #tpu.memory_space<hbm>> -> memref<40xi32, #tpu.memory_space<hbm>>
    %dma_wait3A_1092 = arith.constant 0 : i32
    %dma_wait3A_1093 = tpu.memref_slice %arg3[%dma_wait3A_1092] : memref<320000xi32, #tpu.memory_space<hbm>> -> memref<40xi32, #tpu.memory_space<hbm>>
    tpu.wait_dma2 semaphore(%arg27 : memref<!tpu.dma_semaphore, #tpu.memory_space<semaphore_mem>>) src(%dma_wait3A_1093 : memref<40xi32, #tpu.memory_space<hbm>>) dst(%arg9 : memref<40xi32, #tpu.memory_space<vmem>>)
    %dma_wait3A_1094 = arith.constant 0 : i32
    %dma_wait3A_1095 = arith.constant 0 : i32
    %dma_wait3A_1096 = tpu.memref_slice %arg2[%dma_wait3A_1094, %dma_wait3A_1095] : memref<320000x128xf32, #tpu.memory_space<hbm>> -> memref<40x128xf32, #tpu.memory_space<hbm>>
    %dma_wait3A_1097 = arith.constant 0 : i32
    %dma_wait3A_1098 = arith.constant 0 : i32
    %dma_wait3A_1099 = tpu.memref_slice %arg2[%dma_wait3A_1097, %dma_wait3A_1098] : memref<320000x128xf32, #tpu.memory_space<hbm>> -> memref<40x128xf32, #tpu.memory_space<hbm>>
    tpu.wait_dma2 semaphore(%arg35 : memref<!tpu.dma_semaphore, #tpu.memory_space<semaphore_mem>>) src(%dma_wait3A_1099 : memref<40x128xf32, #tpu.memory_space<hbm>>) dst(%arg17 : memref<40x128xf32, #tpu.memory_space<vmem>>)
    %dma_start3A_1100 = arith.constant 0 : i32
    %dma_start3A_1101 = arith.constant 0 : i32
    %dma_start3A_1102 = tpu.memref_slice %arg22[%dma_start3A_1100, %dma_start3A_1101] : memref<10000x128xf32, #tpu.memory_space<vmem_shared>> -> memref<10000x128xf32, #tpu.memory_space<vmem_shared>>
    tpu.enqueue_indirect_dma source(%arg17 : memref<40x128xf32, #tpu.memory_space<vmem>>) target(%dma_start3A_1102 : memref<10000x128xf32, #tpu.memory_space<vmem_shared>>) offsets(%arg9 : memref<40xi32, #tpu.memory_space<vmem>>) semaphore(%arg43 : memref<!tpu.dma_semaphore, #tpu.memory_space<semaphore_mem>>) {add = true}
    %dma_wait3A_1103 = arith.constant 0 : i32
    %dma_wait3A_1104 = arith.constant 0 : i32
    %dma_wait3A_1105 = tpu.memref_slice %arg22[%dma_wait3A_1103, %dma_wait3A_1104] : memref<10000x128xf32, #tpu.memory_space<vmem_shared>> -> memref<10000x128xf32, #tpu.memory_space<vmem_shared>>
    tpu.wait_indirect_dma semaphore(%arg39 : memref<!tpu.dma_semaphore, #tpu.memory_space<semaphore_mem>>) src(%arg13 : memref<40x128xf32, #tpu.memory_space<vmem>>) dst(%dma_wait3A_1105 : memref<10000x128xf32, #tpu.memory_space<vmem_shared>>)
    %add3A_1106 = arith.constant 9920 : i32
    %add3A_1107 = arith.addi %mul3A_2, %add3A_1106 : i32
    %dma_start3A_1108 = tpu.memref_slice %arg3[%add3A_1107] : memref<320000xi32, #tpu.memory_space<hbm>> -> memref<40xi32, #tpu.memory_space<hbm>>
    %dma_start3A_1109 = tpu.memref_slice %arg3[%add3A_1107] : memref<320000xi32, #tpu.memory_space<hbm>> -> memref<40xi32, #tpu.memory_space<hbm>>
    tpu.enqueue_dma source(%dma_start3A_1109 : memref<40xi32, #tpu.memory_space<hbm>>) target(%arg5 : memref<40xi32, #tpu.memory_space<vmem>>) target_semaphore(%arg23 : memref<!tpu.dma_semaphore, #tpu.memory_space<semaphore_mem>>)
    %dma_start3A_1110 = arith.constant 0 : i32
    %dma_start3A_1111 = tpu.memref_slice %arg2[%add3A_1107, %dma_start3A_1110] : memref<320000x128xf32, #tpu.memory_space<hbm>> -> memref<40x128xf32, #tpu.memory_space<hbm>>
    %dma_start3A_1112 = arith.constant 0 : i32
    %dma_start3A_1113 = tpu.memref_slice %arg2[%add3A_1107, %dma_start3A_1112] : memref<320000x128xf32, #tpu.memory_space<hbm>> -> memref<40x128xf32, #tpu.memory_space<hbm>>
    tpu.enqueue_dma source(%dma_start3A_1113 : memref<40x128xf32, #tpu.memory_space<hbm>>) target(%arg13 : memref<40x128xf32, #tpu.memory_space<vmem>>) target_semaphore(%arg31 : memref<!tpu.dma_semaphore, #tpu.memory_space<semaphore_mem>>)
    %dma_wait3A_1114 = arith.constant 0 : i32
    %dma_wait3A_1115 = tpu.memref_slice %arg3[%dma_wait3A_1114] : memref<320000xi32, #tpu.memory_space<hbm>> -> memref<40xi32, #tpu.memory_space<hbm>>
    %dma_wait3A_1116 = arith.constant 0 : i32
    %dma_wait3A_1117 = tpu.memref_slice %arg3[%dma_wait3A_1116] : memref<320000xi32, #tpu.memory_space<hbm>> -> memref<40xi32, #tpu.memory_space<hbm>>
    tpu.wait_dma2 semaphore(%arg28 : memref<!tpu.dma_semaphore, #tpu.memory_space<semaphore_mem>>) src(%dma_wait3A_1117 : memref<40xi32, #tpu.memory_space<hbm>>) dst(%arg10 : memref<40xi32, #tpu.memory_space<vmem>>)
    %dma_wait3A_1118 = arith.constant 0 : i32
    %dma_wait3A_1119 = arith.constant 0 : i32
    %dma_wait3A_1120 = tpu.memref_slice %arg2[%dma_wait3A_1118, %dma_wait3A_1119] : memref<320000x128xf32, #tpu.memory_space<hbm>> -> memref<40x128xf32, #tpu.memory_space<hbm>>
    %dma_wait3A_1121 = arith.constant 0 : i32
    %dma_wait3A_1122 = arith.constant 0 : i32
    %dma_wait3A_1123 = tpu.memref_slice %arg2[%dma_wait3A_1121, %dma_wait3A_1122] : memref<320000x128xf32, #tpu.memory_space<hbm>> -> memref<40x128xf32, #tpu.memory_space<hbm>>
    tpu.wait_dma2 semaphore(%arg36 : memref<!tpu.dma_semaphore, #tpu.memory_space<semaphore_mem>>) src(%dma_wait3A_1123 : memref<40x128xf32, #tpu.memory_space<hbm>>) dst(%arg18 : memref<40x128xf32, #tpu.memory_space<vmem>>)
    %dma_start3A_1124 = arith.constant 0 : i32
    %dma_start3A_1125 = arith.constant 0 : i32
    %dma_start3A_1126 = tpu.memref_slice %arg22[%dma_start3A_1124, %dma_start3A_1125] : memref<10000x128xf32, #tpu.memory_space<vmem_shared>> -> memref<10000x128xf32, #tpu.memory_space<vmem_shared>>
    tpu.enqueue_indirect_dma source(%arg18 : memref<40x128xf32, #tpu.memory_space<vmem>>) target(%dma_start3A_1126 : memref<10000x128xf32, #tpu.memory_space<vmem_shared>>) offsets(%arg10 : memref<40xi32, #tpu.memory_space<vmem>>) semaphore(%arg44 : memref<!tpu.dma_semaphore, #tpu.memory_space<semaphore_mem>>) {add = true}
    %dma_wait3A_1127 = arith.constant 0 : i32
    %dma_wait3A_1128 = arith.constant 0 : i32
    %dma_wait3A_1129 = tpu.memref_slice %arg22[%dma_wait3A_1127, %dma_wait3A_1128] : memref<10000x128xf32, #tpu.memory_space<vmem_shared>> -> memref<10000x128xf32, #tpu.memory_space<vmem_shared>>
    tpu.wait_indirect_dma semaphore(%arg40 : memref<!tpu.dma_semaphore, #tpu.memory_space<semaphore_mem>>) src(%arg14 : memref<40x128xf32, #tpu.memory_space<vmem>>) dst(%dma_wait3A_1129 : memref<10000x128xf32, #tpu.memory_space<vmem_shared>>)
    %add3A_1130 = arith.constant 9960 : i32
    %add3A_1131 = arith.addi %mul3A_2, %add3A_1130 : i32
    %dma_start3A_1132 = tpu.memref_slice %arg3[%add3A_1131] : memref<320000xi32, #tpu.memory_space<hbm>> -> memref<40xi32, #tpu.memory_space<hbm>>
    %dma_start3A_1133 = tpu.memref_slice %arg3[%add3A_1131] : memref<320000xi32, #tpu.memory_space<hbm>> -> memref<40xi32, #tpu.memory_space<hbm>>
    tpu.enqueue_dma source(%dma_start3A_1133 : memref<40xi32, #tpu.memory_space<hbm>>) target(%arg6 : memref<40xi32, #tpu.memory_space<vmem>>) target_semaphore(%arg24 : memref<!tpu.dma_semaphore, #tpu.memory_space<semaphore_mem>>)
    %dma_start3A_1134 = arith.constant 0 : i32
    %dma_start3A_1135 = tpu.memref_slice %arg2[%add3A_1131, %dma_start3A_1134] : memref<320000x128xf32, #tpu.memory_space<hbm>> -> memref<40x128xf32, #tpu.memory_space<hbm>>
    %dma_start3A_1136 = arith.constant 0 : i32
    %dma_start3A_1137 = tpu.memref_slice %arg2[%add3A_1131, %dma_start3A_1136] : memref<320000x128xf32, #tpu.memory_space<hbm>> -> memref<40x128xf32, #tpu.memory_space<hbm>>
    tpu.enqueue_dma source(%dma_start3A_1137 : memref<40x128xf32, #tpu.memory_space<hbm>>) target(%arg14 : memref<40x128xf32, #tpu.memory_space<vmem>>) target_semaphore(%arg32 : memref<!tpu.dma_semaphore, #tpu.memory_space<semaphore_mem>>)
    %dma_wait3A_1138 = arith.constant 0 : i32
    %dma_wait3A_1139 = tpu.memref_slice %arg3[%dma_wait3A_1138] : memref<320000xi32, #tpu.memory_space<hbm>> -> memref<40xi32, #tpu.memory_space<hbm>>
    %dma_wait3A_1140 = arith.constant 0 : i32
    %dma_wait3A_1141 = tpu.memref_slice %arg3[%dma_wait3A_1140] : memref<320000xi32, #tpu.memory_space<hbm>> -> memref<40xi32, #tpu.memory_space<hbm>>
    tpu.wait_dma2 semaphore(%arg29 : memref<!tpu.dma_semaphore, #tpu.memory_space<semaphore_mem>>) src(%dma_wait3A_1141 : memref<40xi32, #tpu.memory_space<hbm>>) dst(%arg11 : memref<40xi32, #tpu.memory_space<vmem>>)
    %dma_wait3A_1142 = arith.constant 0 : i32
    %dma_wait3A_1143 = arith.constant 0 : i32
    %dma_wait3A_1144 = tpu.memref_slice %arg2[%dma_wait3A_1142, %dma_wait3A_1143] : memref<320000x128xf32, #tpu.memory_space<hbm>> -> memref<40x128xf32, #tpu.memory_space<hbm>>
    %dma_wait3A_1145 = arith.constant 0 : i32
    %dma_wait3A_1146 = arith.constant 0 : i32
    %dma_wait3A_1147 = tpu.memref_slice %arg2[%dma_wait3A_1145, %dma_wait3A_1146] : memref<320000x128xf32, #tpu.memory_space<hbm>> -> memref<40x128xf32, #tpu.memory_space<hbm>>
    tpu.wait_dma2 semaphore(%arg37 : memref<!tpu.dma_semaphore, #tpu.memory_space<semaphore_mem>>) src(%dma_wait3A_1147 : memref<40x128xf32, #tpu.memory_space<hbm>>) dst(%arg19 : memref<40x128xf32, #tpu.memory_space<vmem>>)
    %dma_start3A_1148 = arith.constant 0 : i32
    %dma_start3A_1149 = arith.constant 0 : i32
    %dma_start3A_1150 = tpu.memref_slice %arg22[%dma_start3A_1148, %dma_start3A_1149] : memref<10000x128xf32, #tpu.memory_space<vmem_shared>> -> memref<10000x128xf32, #tpu.memory_space<vmem_shared>>
    tpu.enqueue_indirect_dma source(%arg19 : memref<40x128xf32, #tpu.memory_space<vmem>>) target(%dma_start3A_1150 : memref<10000x128xf32, #tpu.memory_space<vmem_shared>>) offsets(%arg11 : memref<40xi32, #tpu.memory_space<vmem>>) semaphore(%arg45 : memref<!tpu.dma_semaphore, #tpu.memory_space<semaphore_mem>>) {add = true}
    %dma_wait3A_1151 = arith.constant 0 : i32
    %dma_wait3A_1152 = arith.constant 0 : i32
    %dma_wait3A_1153 = tpu.memref_slice %arg22[%dma_wait3A_1151, %dma_wait3A_1152] : memref<10000x128xf32, #tpu.memory_space<vmem_shared>> -> memref<10000x128xf32, #tpu.memory_space<vmem_shared>>
    tpu.wait_indirect_dma semaphore(%arg41 : memref<!tpu.dma_semaphore, #tpu.memory_space<semaphore_mem>>) src(%arg15 : memref<40x128xf32, #tpu.memory_space<vmem>>) dst(%dma_wait3A_1153 : memref<10000x128xf32, #tpu.memory_space<vmem_shared>>)
    %dma_wait3A_1154 = arith.constant 0 : i32
    %dma_wait3A_1155 = tpu.memref_slice %arg3[%dma_wait3A_1154] : memref<320000xi32, #tpu.memory_space<hbm>> -> memref<40xi32, #tpu.memory_space<hbm>>
    %dma_wait3A_1156 = arith.constant 0 : i32
    %dma_wait3A_1157 = tpu.memref_slice %arg3[%dma_wait3A_1156] : memref<320000xi32, #tpu.memory_space<hbm>> -> memref<40xi32, #tpu.memory_space<hbm>>
    tpu.wait_dma2 semaphore(%arg30 : memref<!tpu.dma_semaphore, #tpu.memory_space<semaphore_mem>>) src(%dma_wait3A_1157 : memref<40xi32, #tpu.memory_space<hbm>>) dst(%arg12 : memref<40xi32, #tpu.memory_space<vmem>>)
    %dma_wait3A_1158 = arith.constant 0 : i32
    %dma_wait3A_1159 = arith.constant 0 : i32
    %dma_wait3A_1160 = tpu.memref_slice %arg2[%dma_wait3A_1158, %dma_wait3A_1159] : memref<320000x128xf32, #tpu.memory_space<hbm>> -> memref<40x128xf32, #tpu.memory_space<hbm>>
    %dma_wait3A_1161 = arith.constant 0 : i32
    %dma_wait3A_1162 = arith.constant 0 : i32
    %dma_wait3A_1163 = tpu.memref_slice %arg2[%dma_wait3A_1161, %dma_wait3A_1162] : memref<320000x128xf32, #tpu.memory_space<hbm>> -> memref<40x128xf32, #tpu.memory_space<hbm>>
    tpu.wait_dma2 semaphore(%arg38 : memref<!tpu.dma_semaphore, #tpu.memory_space<semaphore_mem>>) src(%dma_wait3A_1163 : memref<40x128xf32, #tpu.memory_space<hbm>>) dst(%arg20 : memref<40x128xf32, #tpu.memory_space<vmem>>)
    %dma_start3A_1164 = arith.constant 0 : i32
    %dma_start3A_1165 = arith.constant 0 : i32
    %dma_start3A_1166 = tpu.memref_slice %arg22[%dma_start3A_1164, %dma_start3A_1165] : memref<10000x128xf32, #tpu.memory_space<vmem_shared>> -> memref<10000x128xf32, #tpu.memory_space<vmem_shared>>
    tpu.enqueue_indirect_dma source(%arg20 : memref<40x128xf32, #tpu.memory_space<vmem>>) target(%dma_start3A_1166 : memref<10000x128xf32, #tpu.memory_space<vmem_shared>>) offsets(%arg12 : memref<40xi32, #tpu.memory_space<vmem>>) semaphore(%arg46 : memref<!tpu.dma_semaphore, #tpu.memory_space<semaphore_mem>>) {add = true}
    %dma_wait3A_1167 = arith.constant 0 : i32
    %dma_wait3A_1168 = arith.constant 0 : i32
    %dma_wait3A_1169 = tpu.memref_slice %arg22[%dma_wait3A_1167, %dma_wait3A_1168] : memref<10000x128xf32, #tpu.memory_space<vmem_shared>> -> memref<10000x128xf32, #tpu.memory_space<vmem_shared>>
    tpu.wait_indirect_dma semaphore(%arg42 : memref<!tpu.dma_semaphore, #tpu.memory_space<semaphore_mem>>) src(%arg16 : memref<40x128xf32, #tpu.memory_space<vmem>>) dst(%dma_wait3A_1169 : memref<10000x128xf32, #tpu.memory_space<vmem_shared>>)
    %dma_wait3A_1170 = arith.constant 0 : i32
    %dma_wait3A_1171 = tpu.memref_slice %arg3[%dma_wait3A_1170] : memref<320000xi32, #tpu.memory_space<hbm>> -> memref<40xi32, #tpu.memory_space<hbm>>
    %dma_wait3A_1172 = arith.constant 0 : i32
    %dma_wait3A_1173 = tpu.memref_slice %arg3[%dma_wait3A_1172] : memref<320000xi32, #tpu.memory_space<hbm>> -> memref<40xi32, #tpu.memory_space<hbm>>
    tpu.wait_dma2 semaphore(%arg23 : memref<!tpu.dma_semaphore, #tpu.memory_space<semaphore_mem>>) src(%dma_wait3A_1173 : memref<40xi32, #tpu.memory_space<hbm>>) dst(%arg5 : memref<40xi32, #tpu.memory_space<vmem>>)
    %dma_wait3A_1174 = arith.constant 0 : i32
    %dma_wait3A_1175 = arith.constant 0 : i32
    %dma_wait3A_1176 = tpu.memref_slice %arg2[%dma_wait3A_1174, %dma_wait3A_1175] : memref<320000x128xf32, #tpu.memory_space<hbm>> -> memref<40x128xf32, #tpu.memory_space<hbm>>
    %dma_wait3A_1177 = arith.constant 0 : i32
    %dma_wait3A_1178 = arith.constant 0 : i32
    %dma_wait3A_1179 = tpu.memref_slice %arg2[%dma_wait3A_1177, %dma_wait3A_1178] : memref<320000x128xf32, #tpu.memory_space<hbm>> -> memref<40x128xf32, #tpu.memory_space<hbm>>
    tpu.wait_dma2 semaphore(%arg31 : memref<!tpu.dma_semaphore, #tpu.memory_space<semaphore_mem>>) src(%dma_wait3A_1179 : memref<40x128xf32, #tpu.memory_space<hbm>>) dst(%arg13 : memref<40x128xf32, #tpu.memory_space<vmem>>)
    %dma_start3A_1180 = arith.constant 0 : i32
    %dma_start3A_1181 = arith.constant 0 : i32
    %dma_start3A_1182 = tpu.memref_slice %arg22[%dma_start3A_1180, %dma_start3A_1181] : memref<10000x128xf32, #tpu.memory_space<vmem_shared>> -> memref<10000x128xf32, #tpu.memory_space<vmem_shared>>
    tpu.enqueue_indirect_dma source(%arg13 : memref<40x128xf32, #tpu.memory_space<vmem>>) target(%dma_start3A_1182 : memref<10000x128xf32, #tpu.memory_space<vmem_shared>>) offsets(%arg5 : memref<40xi32, #tpu.memory_space<vmem>>) semaphore(%arg39 : memref<!tpu.dma_semaphore, #tpu.memory_space<semaphore_mem>>) {add = true}
    %dma_wait3A_1183 = arith.constant 0 : i32
    %dma_wait3A_1184 = arith.constant 0 : i32
    %dma_wait3A_1185 = tpu.memref_slice %arg22[%dma_wait3A_1183, %dma_wait3A_1184] : memref<10000x128xf32, #tpu.memory_space<vmem_shared>> -> memref<10000x128xf32, #tpu.memory_space<vmem_shared>>
    tpu.wait_indirect_dma semaphore(%arg43 : memref<!tpu.dma_semaphore, #tpu.memory_space<semaphore_mem>>) src(%arg17 : memref<40x128xf32, #tpu.memory_space<vmem>>) dst(%dma_wait3A_1185 : memref<10000x128xf32, #tpu.memory_space<vmem_shared>>)
    %dma_wait3A_1186 = arith.constant 0 : i32
    %dma_wait3A_1187 = tpu.memref_slice %arg3[%dma_wait3A_1186] : memref<320000xi32, #tpu.memory_space<hbm>> -> memref<40xi32, #tpu.memory_space<hbm>>
    %dma_wait3A_1188 = arith.constant 0 : i32
    %dma_wait3A_1189 = tpu.memref_slice %arg3[%dma_wait3A_1188] : memref<320000xi32, #tpu.memory_space<hbm>> -> memref<40xi32, #tpu.memory_space<hbm>>
    tpu.wait_dma2 semaphore(%arg24 : memref<!tpu.dma_semaphore, #tpu.memory_space<semaphore_mem>>) src(%dma_wait3A_1189 : memref<40xi32, #tpu.memory_space<hbm>>) dst(%arg6 : memref<40xi32, #tpu.memory_space<vmem>>)
    %dma_wait3A_1190 = arith.constant 0 : i32
    %dma_wait3A_1191 = arith.constant 0 : i32
    %dma_wait3A_1192 = tpu.memref_slice %arg2[%dma_wait3A_1190, %dma_wait3A_1191] : memref<320000x128xf32, #tpu.memory_space<hbm>> -> memref<40x128xf32, #tpu.memory_space<hbm>>
    %dma_wait3A_1193 = arith.constant 0 : i32
    %dma_wait3A_1194 = arith.constant 0 : i32
    %dma_wait3A_1195 = tpu.memref_slice %arg2[%dma_wait3A_1193, %dma_wait3A_1194] : memref<320000x128xf32, #tpu.memory_space<hbm>> -> memref<40x128xf32, #tpu.memory_space<hbm>>
    tpu.wait_dma2 semaphore(%arg32 : memref<!tpu.dma_semaphore, #tpu.memory_space<semaphore_mem>>) src(%dma_wait3A_1195 : memref<40x128xf32, #tpu.memory_space<hbm>>) dst(%arg14 : memref<40x128xf32, #tpu.memory_space<vmem>>)
    %dma_start3A_1196 = arith.constant 0 : i32
    %dma_start3A_1197 = arith.constant 0 : i32
    %dma_start3A_1198 = tpu.memref_slice %arg22[%dma_start3A_1196, %dma_start3A_1197] : memref<10000x128xf32, #tpu.memory_space<vmem_shared>> -> memref<10000x128xf32, #tpu.memory_space<vmem_shared>>
    tpu.enqueue_indirect_dma source(%arg14 : memref<40x128xf32, #tpu.memory_space<vmem>>) target(%dma_start3A_1198 : memref<10000x128xf32, #tpu.memory_space<vmem_shared>>) offsets(%arg6 : memref<40xi32, #tpu.memory_space<vmem>>) semaphore(%arg40 : memref<!tpu.dma_semaphore, #tpu.memory_space<semaphore_mem>>) {add = true}
    %dma_wait3A_1199 = arith.constant 0 : i32
    %dma_wait3A_1200 = arith.constant 0 : i32
    %dma_wait3A_1201 = tpu.memref_slice %arg22[%dma_wait3A_1199, %dma_wait3A_1200] : memref<10000x128xf32, #tpu.memory_space<vmem_shared>> -> memref<10000x128xf32, #tpu.memory_space<vmem_shared>>
    tpu.wait_indirect_dma semaphore(%arg44 : memref<!tpu.dma_semaphore, #tpu.memory_space<semaphore_mem>>) src(%arg18 : memref<40x128xf32, #tpu.memory_space<vmem>>) dst(%dma_wait3A_1201 : memref<10000x128xf32, #tpu.memory_space<vmem_shared>>)
    %dma_wait3A_1202 = arith.constant 0 : i32
    %dma_wait3A_1203 = arith.constant 0 : i32
    %dma_wait3A_1204 = tpu.memref_slice %arg22[%dma_wait3A_1202, %dma_wait3A_1203] : memref<10000x128xf32, #tpu.memory_space<vmem_shared>> -> memref<10000x128xf32, #tpu.memory_space<vmem_shared>>
    tpu.wait_indirect_dma semaphore(%arg45 : memref<!tpu.dma_semaphore, #tpu.memory_space<semaphore_mem>>) src(%arg19 : memref<40x128xf32, #tpu.memory_space<vmem>>) dst(%dma_wait3A_1204 : memref<10000x128xf32, #tpu.memory_space<vmem_shared>>)
    %dma_wait3A_1205 = arith.constant 0 : i32
    %dma_wait3A_1206 = arith.constant 0 : i32
    %dma_wait3A_1207 = tpu.memref_slice %arg22[%dma_wait3A_1205, %dma_wait3A_1206] : memref<10000x128xf32, #tpu.memory_space<vmem_shared>> -> memref<10000x128xf32, #tpu.memory_space<vmem_shared>>
    tpu.wait_indirect_dma semaphore(%arg46 : memref<!tpu.dma_semaphore, #tpu.memory_space<semaphore_mem>>) src(%arg20 : memref<40x128xf32, #tpu.memory_space<vmem>>) dst(%dma_wait3A_1207 : memref<10000x128xf32, #tpu.memory_space<vmem_shared>>)
    %dma_wait3A_1208 = arith.constant 0 : i32
    %dma_wait3A_1209 = arith.constant 0 : i32
    %dma_wait3A_1210 = tpu.memref_slice %arg22[%dma_wait3A_1208, %dma_wait3A_1209] : memref<10000x128xf32, #tpu.memory_space<vmem_shared>> -> memref<10000x128xf32, #tpu.memory_space<vmem_shared>>
    tpu.wait_indirect_dma semaphore(%arg39 : memref<!tpu.dma_semaphore, #tpu.memory_space<semaphore_mem>>) src(%arg13 : memref<40x128xf32, #tpu.memory_space<vmem>>) dst(%dma_wait3A_1210 : memref<10000x128xf32, #tpu.memory_space<vmem_shared>>)
    %dma_wait3A_1211 = arith.constant 0 : i32
    %dma_wait3A_1212 = arith.constant 0 : i32
    %dma_wait3A_1213 = tpu.memref_slice %arg22[%dma_wait3A_1211, %dma_wait3A_1212] : memref<10000x128xf32, #tpu.memory_space<vmem_shared>> -> memref<10000x128xf32, #tpu.memory_space<vmem_shared>>
    tpu.wait_indirect_dma semaphore(%arg40 : memref<!tpu.dma_semaphore, #tpu.memory_space<semaphore_mem>>) src(%arg14 : memref<40x128xf32, #tpu.memory_space<vmem>>) dst(%dma_wait3A_1213 : memref<10000x128xf32, #tpu.memory_space<vmem_shared>>)
    %barrier3A_1214 = arith.constant 0 : index
    tpu.barrier barrier_id(%barrier3A_1214)
    %mul3A_1215 = arith.constant 624 : i32
    %mul3A_1216 = arith.muli %arg1, %mul3A_1215 : i32
    %mul3A_1217 = arith.constant 624 : i32
    %mul3A_1218 = arith.muli %arg1, %mul3A_1217 : i32
    "tpu.region"() ({
      %run_scoped3A = tpu.sem_alloc : memref<!tpu.dma_semaphore, #tpu.memory_space<semaphore_mem>>
      %dma_start3A_1224 = arith.constant 0 : i32
      %dma_start3A_1225 = tpu.memref_slice %arg4[%arg0, %mul3A_1218, %dma_start3A_1224] : memref<2x10000x128xf32, #tpu.memory_space<hbm>> -> memref<1x624x128xf32, #tpu.memory_space<hbm>>
      %dma_start3A_1226 = tpu.memref_squeeze %dma_start3A_1225 : memref<1x624x128xf32, #tpu.memory_space<hbm>> -> memref<624x128xf32, #tpu.memory_space<hbm>>
      %dma_start3A_1227 = arith.constant 0 : i32
      %dma_start3A_1228 = tpu.memref_slice %arg22[%mul3A_1216, %dma_start3A_1227] : memref<10000x128xf32, #tpu.memory_space<vmem_shared>> -> memref<624x128xf32, #tpu.memory_space<vmem_shared>>
      tpu.enqueue_dma source(%dma_start3A_1228 : memref<624x128xf32, #tpu.memory_space<vmem_shared>>) target(%dma_start3A_1226 : memref<624x128xf32, #tpu.memory_space<hbm>>) target_semaphore(%run_scoped3A : memref<!tpu.dma_semaphore, #tpu.memory_space<semaphore_mem>>)
      %dma_wait3A_1229 = arith.constant 0 : i32
      %dma_wait3A_1230 = tpu.memref_slice %arg4[%arg0, %mul3A_1218, %dma_wait3A_1229] : memref<2x10000x128xf32, #tpu.memory_space<hbm>> -> memref<1x624x128xf32, #tpu.memory_space<hbm>>
      %dma_wait3A_1231 = tpu.memref_squeeze %dma_wait3A_1230 : memref<1x624x128xf32, #tpu.memory_space<hbm>> -> memref<624x128xf32, #tpu.memory_space<hbm>>
      %dma_wait3A_1232 = arith.constant 0 : i32
      %dma_wait3A_1233 = tpu.memref_slice %arg22[%mul3A_1216, %dma_wait3A_1232] : memref<10000x128xf32, #tpu.memory_space<vmem_shared>> -> memref<624x128xf32, #tpu.memory_space<vmem_shared>>
      tpu.wait_dma2 semaphore(%run_scoped3A : memref<!tpu.dma_semaphore, #tpu.memory_space<semaphore_mem>>) src(%dma_wait3A_1233 : memref<624x128xf32, #tpu.memory_space<vmem_shared>>) dst(%dma_wait3A_1231 : memref<624x128xf32, #tpu.memory_space<hbm>>)
      tpu.yield
    }) : () -> ()
    %eq3A_1219 = arith.constant 15 : i32
    %eq3A_1220 = arith.cmpi eq, %arg1, %eq3A_1219 : i32
    %convert_element_type3A_1221 = arith.extui %eq3A_1220 : i1 to i32
    %cond3A_1222 = arith.constant 0 : i32
    %cond3A_1223 = arith.cmpi ne, %convert_element_type3A_1221, %cond3A_1222 : i32
    scf.if %cond3A_1223 {
      "tpu.region"() ({
        %run_scoped3A = tpu.sem_alloc : memref<!tpu.dma_semaphore, #tpu.memory_space<semaphore_mem>>
        %dma_start3A_1224 = arith.constant 9984 : i32
        %dma_start3A_1225 = arith.constant 0 : i32
        %dma_start3A_1226 = tpu.memref_slice %arg4[%arg0, %dma_start3A_1224, %dma_start3A_1225] : memref<2x10000x128xf32, #tpu.memory_space<hbm>> -> memref<1x16x128xf32, #tpu.memory_space<hbm>>
        %dma_start3A_1227 = tpu.memref_squeeze %dma_start3A_1226 : memref<1x16x128xf32, #tpu.memory_space<hbm>> -> memref<16x128xf32, #tpu.memory_space<hbm>>
        %dma_start3A_1228 = arith.constant 9984 : i32
        %dma_start3A_1229 = arith.constant 0 : i32
        %dma_start3A_1230 = tpu.memref_slice %arg22[%dma_start3A_1228, %dma_start3A_1229] : memref<10000x128xf32, #tpu.memory_space<vmem_shared>> -> memref<16x128xf32, #tpu.memory_space<vmem_shared>>
        tpu.enqueue_dma source(%dma_start3A_1230 : memref<16x128xf32, #tpu.memory_space<vmem_shared>>) target(%dma_start3A_1227 : memref<16x128xf32, #tpu.memory_space<hbm>>) target_semaphore(%run_scoped3A : memref<!tpu.dma_semaphore, #tpu.memory_space<semaphore_mem>>)
        %dma_wait3A_1231 = arith.constant 9984 : i32
        %dma_wait3A_1232 = arith.constant 0 : i32
        %dma_wait3A_1233 = tpu.memref_slice %arg4[%arg0, %dma_wait3A_1231, %dma_wait3A_1232] : memref<2x10000x128xf32, #tpu.memory_space<hbm>> -> memref<1x16x128xf32, #tpu.memory_space<hbm>>
        %dma_wait3A_1234 = tpu.memref_squeeze %dma_wait3A_1233 : memref<1x16x128xf32, #tpu.memory_space<hbm>> -> memref<16x128xf32, #tpu.memory_space<hbm>>
        %dma_wait3A_1235 = arith.constant 9984 : i32
        %dma_wait3A_1236 = arith.constant 0 : i32
        %dma_wait3A_1237 = tpu.memref_slice %arg22[%dma_wait3A_1235, %dma_wait3A_1236] : memref<10000x128xf32, #tpu.memory_space<vmem_shared>> -> memref<16x128xf32, #tpu.memory_space<vmem_shared>>
        tpu.wait_dma2 semaphore(%run_scoped3A : memref<!tpu.dma_semaphore, #tpu.memory_space<semaphore_mem>>) src(%dma_wait3A_1237 : memref<16x128xf32, #tpu.memory_space<vmem_shared>>) dst(%dma_wait3A_1234 : memref<16x128xf32, #tpu.memory_space<hbm>>)
        tpu.yield
      }) : () -> ()
    } else {
    }
    return
  }
}

module attributes {stable_mosaic.version = 14 : i64} {
  func.func @_tc_gate_body(%arg0: i32, %arg1: memref<1x2000x128xf32, #tpu.memory_space<vmem>>, %arg2: memref<1x2000x128xf32, #tpu.memory_space<vmem>>, %arg3: memref<2000x128xf32, #tpu.memory_space<vmem>>, %arg4: memref<128x128xf32, #tpu.memory_space<vmem>>, %arg5: memref<128x128xf32, #tpu.memory_space<vmem>>, %arg6: memref<1x128xf32, #tpu.memory_space<vmem>>, %arg7: memref<128x128xf32, #tpu.memory_space<vmem>>, %arg8: memref<1x128xf32, #tpu.memory_space<vmem>>, %arg9: memref<2000x128xf32, #tpu.memory_space<vmem>>) attributes {dimension_semantics = [#tpu.dimension_semantics<arbitrary>], iteration_bounds = array<i64: 5>, scalar_prefetch = 0 : i64, scratch_operands = 0 : i64, tpu.core_type = #tpu.core_type<tc>, window_params = [{transform_indices = @transform_0, window_bounds = array<i64: 1, 2000, 128>}, {transform_indices = @transform_1, window_bounds = array<i64: 1, 2000, 128>}, {transform_indices = @transform_2, window_bounds = array<i64: 2000, 128>}, {pipeline_mode = #tpu.pipeline_mode<synchronous>, transform_indices = @transform_3, window_bounds = array<i64: 128, 128>}, {pipeline_mode = #tpu.pipeline_mode<synchronous>, transform_indices = @transform_4, window_bounds = array<i64: 128, 128>}, {pipeline_mode = #tpu.pipeline_mode<synchronous>, transform_indices = @transform_5, window_bounds = array<i64: 1, 128>}, {pipeline_mode = #tpu.pipeline_mode<synchronous>, transform_indices = @transform_6, window_bounds = array<i64: 128, 128>}, {pipeline_mode = #tpu.pipeline_mode<synchronous>, transform_indices = @transform_7, window_bounds = array<i64: 1, 128>}, {transform_indices = @transform_8, window_bounds = array<i64: 2000, 128>}]} {
    %get3A = arith.constant 0 : index
    %get3A_0 = arith.constant 0 : index
    %get3A_1 = arith.constant 0 : index
    %get3A_2 = vector.load %arg1[%get3A, %get3A_0, %get3A_1] : memref<1x2000x128xf32, #tpu.memory_space<vmem>>, vector<1x2000x128xf32>
    %get3A_3 = vector.shape_cast %get3A_2 : vector<1x2000x128xf32> to vector<2000x128xf32>
    %get3A_4 = arith.constant 0 : index
    %get3A_5 = arith.constant 0 : index
    %get3A_6 = arith.constant 0 : index
    %get3A_7 = vector.load %arg2[%get3A_4, %get3A_5, %get3A_6] : memref<1x2000x128xf32, #tpu.memory_space<vmem>>, vector<1x2000x128xf32>
    %get3A_8 = vector.shape_cast %get3A_7 : vector<1x2000x128xf32> to vector<2000x128xf32>
    %add3A = arith.addf %get3A_3, %get3A_8 : vector<2000x128xf32>
    %get3A_9 = arith.constant 0 : index
    %get3A_10 = arith.constant 0 : index
    %get3A_11 = vector.load %arg3[%get3A_9, %get3A_10] : memref<2000x128xf32, #tpu.memory_space<vmem>>, vector<2000x128xf32>
    %get3A_12 = arith.constant 0 : index
    %get3A_13 = arith.constant 0 : index
    %get3A_14 = vector.load %arg4[%get3A_12, %get3A_13] : memref<128x128xf32, #tpu.memory_space<vmem>>, vector<128x128xf32>
    %dot_general3A = arith.constant dense<0.000000e+00> : vector<2000x128xf32>
    %dot_general3A_15 = tpu.matmul %get3A_11, %get3A_14, %dot_general3A {dimension_numbers = #tpu.dot_dimension_numbers<[1], [0], [0], [1], [0, 0, 1, 1], [], []>, transpose_lhs_hint = false} : vector<2000x128xf32>, vector<128x128xf32>, vector<2000x128xf32> -> vector<2000x128xf32>
    %get3A_16 = arith.constant 0 : index
    %get3A_17 = arith.constant 0 : index
    %get3A_18 = vector.load %arg5[%get3A_16, %get3A_17] : memref<128x128xf32, #tpu.memory_space<vmem>>, vector<128x128xf32>
    %dot_general3A_19 = arith.constant dense<0.000000e+00> : vector<2000x128xf32>
    %dot_general3A_20 = tpu.matmul %add3A, %get3A_18, %dot_general3A_19 {dimension_numbers = #tpu.dot_dimension_numbers<[1], [0], [0], [1], [0, 0, 1, 1], [], []>, transpose_lhs_hint = false} : vector<2000x128xf32>, vector<128x128xf32>, vector<2000x128xf32> -> vector<2000x128xf32>
    %add3A_21 = arith.addf %dot_general3A_15, %dot_general3A_20 : vector<2000x128xf32>
    %get3A_22 = arith.constant 0 : index
    %get3A_23 = arith.constant 0 : index
    %get3A_24 = vector.load %arg6[%get3A_22, %get3A_23] : memref<1x128xf32, #tpu.memory_space<vmem>>, vector<1x128xf32>
    %add3A_25 = vector.broadcast %get3A_24 : vector<1x128xf32> to vector<2000x128xf32>
    %add3A_26 = arith.addf %add3A_21, %add3A_25 : vector<2000x128xf32>
    %logistic3A = arith.negf %add3A_26 : vector<2000x128xf32>
    %logistic3A_27 = math.exp %logistic3A : vector<2000x128xf32>
    %logistic3A_28 = arith.constant 1.000000e+00 : f32
    %logistic3A_29 = vector.broadcast %logistic3A_28 : f32 to vector<2000x128xf32>
    %logistic3A_30 = arith.addf %logistic3A_29, %logistic3A_27 : vector<2000x128xf32>
    %logistic3A_31 = arith.divf %logistic3A_29, %logistic3A_30 : vector<2000x128xf32>
    %get3A_32 = arith.constant 0 : index
    %get3A_33 = arith.constant 0 : index
    %get3A_34 = vector.load %arg7[%get3A_32, %get3A_33] : memref<128x128xf32, #tpu.memory_space<vmem>>, vector<128x128xf32>
    %dot_general3A_35 = arith.constant dense<0.000000e+00> : vector<2000x128xf32>
    %dot_general3A_36 = tpu.matmul %add3A, %get3A_34, %dot_general3A_35 {dimension_numbers = #tpu.dot_dimension_numbers<[1], [0], [0], [1], [0, 0, 1, 1], [], []>, transpose_lhs_hint = false} : vector<2000x128xf32>, vector<128x128xf32>, vector<2000x128xf32> -> vector<2000x128xf32>
    %get3A_37 = arith.constant 0 : index
    %get3A_38 = arith.constant 0 : index
    %get3A_39 = vector.load %arg8[%get3A_37, %get3A_38] : memref<1x128xf32, #tpu.memory_space<vmem>>, vector<1x128xf32>
    %add3A_40 = vector.broadcast %get3A_39 : vector<1x128xf32> to vector<2000x128xf32>
    %add3A_41 = arith.addf %dot_general3A_36, %add3A_40 : vector<2000x128xf32>
    %max3A = arith.constant 0.000000e+00 : f32
    %max3A_42 = vector.broadcast %max3A : f32 to vector<2000x128xf32>
    %max3A_43 = arith.maximumf %add3A_41, %max3A_42 : vector<2000x128xf32>
    %mul3A = arith.mulf %logistic3A_31, %get3A_11 : vector<2000x128xf32>
    %sub3A = arith.constant 1.000000e+00 : f32
    %sub3A_44 = vector.broadcast %sub3A : f32 to vector<2000x128xf32>
    %sub3A_45 = arith.subf %sub3A_44, %logistic3A_31 : vector<2000x128xf32>
    %mul3A_46 = arith.mulf %sub3A_45, %max3A_43 : vector<2000x128xf32>
    %add3A_47 = arith.addf %mul3A, %mul3A_46 : vector<2000x128xf32>
    %swap3A = arith.constant 0 : index
    %swap3A_48 = arith.constant 0 : index
    %swap3A_49 = vector.load %arg9[%swap3A, %swap3A_48] : memref<2000x128xf32, #tpu.memory_space<vmem>>, vector<2000x128xf32>
    tpu.vector_store %arg9[%swap3A, %swap3A_48], %add3A_47 {strides = array<i32>} : memref<2000x128xf32, #tpu.memory_space<vmem>>, vector<2000x128xf32>,
    return
  }
  func.func @transform_0(%arg0: i32) -> (i32, i32, i32) {
    %c0_i32 = arith.constant 0 : i32
    %c0_i32_0 = arith.constant 0 : i32
    %c0_i32_1 = arith.constant 0 : i32
    return %c0_i32, %arg0, %c0_i32_0 : i32, i32, i32
  }
  func.func @transform_1(%arg0: i32) -> (i32, i32, i32) {
    %c1_i32 = arith.constant 1 : i32
    %c0_i32 = arith.constant 0 : i32
    %c0_i32_0 = arith.constant 0 : i32
    return %c1_i32, %arg0, %c0_i32 : i32, i32, i32
  }
  func.func @transform_2(%arg0: i32) -> (i32, i32) {
    %c0_i32 = arith.constant 0 : i32
    %c0_i32_0 = arith.constant 0 : i32
    return %arg0, %c0_i32 : i32, i32
  }
  func.func @transform_3(%arg0: i32) -> (i32, i32) {
    %c0_i32 = arith.constant 0 : i32
    %c0_i32_0 = arith.constant 0 : i32
    %c0_i32_1 = arith.constant 0 : i32
    return %c0_i32, %c0_i32_0 : i32, i32
  }
  func.func @transform_4(%arg0: i32) -> (i32, i32) {
    %c0_i32 = arith.constant 0 : i32
    %c0_i32_0 = arith.constant 0 : i32
    %c0_i32_1 = arith.constant 0 : i32
    return %c0_i32, %c0_i32_0 : i32, i32
  }
  func.func @transform_5(%arg0: i32) -> (i32, i32) {
    %c0_i32 = arith.constant 0 : i32
    %c0_i32_0 = arith.constant 0 : i32
    %c0_i32_1 = arith.constant 0 : i32
    return %c0_i32, %c0_i32_0 : i32, i32
  }
  func.func @transform_6(%arg0: i32) -> (i32, i32) {
    %c0_i32 = arith.constant 0 : i32
    %c0_i32_0 = arith.constant 0 : i32
    %c0_i32_1 = arith.constant 0 : i32
    return %c0_i32, %c0_i32_0 : i32, i32
  }
  func.func @transform_7(%arg0: i32) -> (i32, i32) {
    %c0_i32 = arith.constant 0 : i32
    %c0_i32_0 = arith.constant 0 : i32
    %c0_i32_1 = arith.constant 0 : i32
    return %c0_i32, %c0_i32_0 : i32, i32
  }
  func.func @transform_8(%arg0: i32) -> (i32, i32) {
    %c0_i32 = arith.constant 0 : i32
    %c0_i32_0 = arith.constant 0 : i32
    return %arg0, %c0_i32 : i32, i32
  }
}

</mosaic_0001>

<sc_bundles>
// kernel: kernel.4.cloned.1.call-start
scs
__scs_entry_jumppad:
0x0: {  	(pc) =	sbr.rel $0x88, $3  }
0x1: {  	(tag) =	ssettag $0x0;
	lr =	simm.s32 $0x1  }
0x2: {  	[smem:$0x3F9A] =	sst lr;
	_ =	strace $0xD0000000  }
0x3: {  	_ = 	snop  }
0x4: {  	_ = 	snop  }
0x5: {  	_ = 	snop  }
0x6: {  	_ = 	snop  }
0x7: {  	_ = 	snop  }
__scs_overlays_trampoline_lowered:
0x8: {  	[smem:$0x3FA9] =	sst s0  }
0x9: {  	[smem:$0x3FAA] =	sst s1  }
0xa: {  	[smem:$0x3FAB] =	sst s2  }
0xb: {  	[smem:$0x3FAC] =	sst s3  }
0xc: {  	[smem:$0x3FAD] =	sst s4  }
0xd: {  	[smem:$0x3FAE] =	sst s5  }
0xe: {  	[smem:$0x3FAF] =	sst s6  }
0xf: {  	[smem:$0x3FB0] =	sst s7  }
0x10: {  	[smem:$0x3FB1] =	sst s8  }
0x11: {  	[smem:$0x3FB2] =	sst s9;
	s0 =	simm.s32 @!p0 $0x0  }
0x12: {  	s1 =	sld [smem:$0x3F98];
	s0 =	simm.s32 @p0 $0x1  }
0x13: {  	[smem:$0x3FB3] =	sst s0;
	s0 =	simm.s32 @!p1 $0x0  }
0x14: {  	s2 =	sld [smem:$0x3F97];
	s0 =	simm.s32 @p1 $0x1  }
0x15: {  	[smem:$0x3FB4] =	sst s0;
	s0 =	simm.s32 @!p2 $0x0  }
0x16: {  	s3 =	sld [smem:$0x3FDB];
	s0 =	simm.s32 @p2 $0x1  }
0x17: {  	s4 =	simm.s32 $0x1BF5;
	[smem:$0x3FB6] =	sst s0  }
0x18: {  	s0 =	sld [smem:$0x3F99];
	_ =	swait.ge [sflag:s4], $0x0  }
0x19: {  	s7 =	sld [smem:$0x3F9A]  }
0x1a: {  	s8 =	sadd.s32 $0xFFFFE003, lr  }
0x1b: {  	s9 =	sadd.s32 $0xFFFFFEF7, lr;
	s5 =	simm.s32 $0xFFFFFFFF;
	p2 =	slt.u32 s8, $0xFFFFF086  }
0x1c: {  	p1 =	slt.u32 s9, $0xF7A;
	s5 =	simm.s32 @!p2 $0x0  }
0x1d: {  	s5 =	simm.s32 @p1 $0x1;
	p0 =	seq.s32 s7, s2  }
0x1e: {  	s7 =	smul.u32 @!p0 $0xF7A, s2;
	p2 =	seq.s32 @!p0 s5, $0x0  }
0x1f: {  	s9 =	smul.u32 $0xF7A, s1;
	s8 =	simm.s32 @!p0 $0x1BF5;
	p2 =	por !p2, p0  }
0x20: {  	[sflag:s8] =	ssyncset.s32 @!p0 $0xFFFFF086;
	s6 =	sadd.s32 @!p0 s3, s7;
	s7 =	simm.s32 @!p0 $0x108  }
0x21: {  	s3 =	sadd.s32 s3, s9;
	s6 =	sadd.s32 @!p0 $0x88, s6;
	s7 =	simm.s32 @p2 $0x1082  }
0x22: {  	[simem:s7], [sflag:s8] =	dma.local @!p0 [hbm:s6], $0xF7A  }
0x23: {  	s9 =	sor.u32 $0xD0000000, s2;
	s6 =	simm.s32 $0x108;
	_ =	swait.ge @!p0 [sflag:s8], $0x0  }
0x24: {  	s3 =	sadd.s32 $0x88, s3;
	s6 =	simm.s32 @!p1 $0x1082;
	[sflag:s4] =	ssyncset.s32 $0xFFFFF086  }
0x25: {  	[simem:s6], [sflag:s4] =	dma.local [hbm:s3], $0xF7A  }
0x26: {  	[smem:$0x3F9A] =	sst s1;
	(tag) =	ssettag s2;
	_ =	strace s9  }
0x27: {  	s1 =	sld [smem:$0x3FAA]  }
0x28: {  	s2 =	sld [smem:$0x3FAB]  }
0x29: {  	s4 =	sld [smem:$0x3FAD]  }
0x2a: {  	p0 =	seq.s32 s5, $0x0;
	s5 =	sld [smem:$0x3FAE]  }
0x2b: {  	s6 =	sld [smem:$0x3FAF]  }
0x2c: {  	s7 =	sld [smem:$0x3FB0]  }
0x2d: {  	s3 =	simm.s32 $0x108;
	s8 =	sld [smem:$0x3FB1]  }
0x2e: {  	s3 =	simm.s32 @!p0 $0x1082;
	s9 =	sld [smem:$0x3FB2]  }
0x2f: {  	lr =	sadd.s32 s0, s3;
	s0 =	sld [smem:$0x3FA9]  }
0x30: {  	s3 =	sld [smem:$0x3FAC]  }
0x31: {  	[smem:$0x3FB5] =	sst s10  }
0x32: {  	s10 =	sld [smem:$0x3FB3];
	_ =	sdelay $0x3  }
0x33: {  	p0 =	seq.s32 s10, $0x1;
	s10 =	sld [smem:$0x3FB5];
	_ =	sdelay $0x3  }
0x34: {  	[smem:$0x3FB5] =	sst s10  }
0x35: {  	s10 =	sld [smem:$0x3FB4];
	_ =	sdelay $0x3  }
0x36: {  	p1 =	seq.s32 s10, $0x1;
	s10 =	sld [smem:$0x3FB5];
	_ =	sdelay $0x3  }
0x37: {  	[smem:$0x3FB5] =	sst s10  }
0x38: {  	s10 =	sld [smem:$0x3FB6]  }
0x39: {  	_ = 	snop;
	(pc) =	sbr.ind lr, $3  }
0x3a: {  	_ = 	snop  }
0x3b: {  	_ = 	snop  }
0x3c: {  	p2 =	seq.s32 s10, $0x1;
	s10 =	sld [smem:$0x3FB5]  }
0x3d: {  	_ =	shalt  }
0x3e: {  	_ =	shalt  }
0x3f: {  	_ =	shalt  }
0x40: {  	_ =	shalt  }
0x41: {  	_ =	shalt  }
0x42: {  	_ =	shalt  }
0x43: {  	_ =	shalt  }
0x44: {  	_ =	shalt  }
0x45: {  	_ =	shalt  }
0x46: {  	_ =	shalt  }
0x47: {  	_ =	shalt  }
0x48: {  	_ =	shalt  }
0x49: {  	_ =	shalt  }
0x4a: {  	_ =	shalt  }
0x4b: {  	_ =	shalt  }
0x4c: {  	_ =	shalt  }
0x4d: {  	_ =	shalt  }
0x4e: {  	_ =	shalt  }
0x4f: {  	_ =	shalt  }
0x50: {  	_ =	shalt  }
0x51: {  	_ =	shalt  }
0x52: {  	_ =	shalt  }
0x53: {  	_ =	shalt  }
0x54: {  	_ =	shalt  }
0x55: {  	_ =	shalt  }
0x56: {  	_ =	shalt  }
0x57: {  	_ =	shalt  }
0x58: {  	_ =	shalt  }
0x59: {  	_ =	shalt  }
0x5a: {  	_ =	shalt  }
0x5b: {  	_ =	shalt  }
0x5c: {  	_ =	shalt  }
0x5d: {  	_ =	shalt  }
0x5e: {  	_ =	shalt  }
0x5f: {  	_ =	shalt  }
0x60: {  	_ =	shalt  }
0x61: {  	_ =	shalt  }
0x62: {  	_ =	shalt  }
0x63: {  	_ =	shalt  }
0x64: {  	_ =	shalt  }
0x65: {  	_ =	shalt  }
0x66: {  	_ =	shalt  }
0x67: {  	_ =	shalt  }
0x68: {  	_ =	shalt  }
0x69: {  	_ =	shalt  }
0x6a: {  	_ =	shalt  }
0x6b: {  	_ =	shalt  }
0x6c: {  	_ =	shalt  }
0x6d: {  	_ =	shalt  }
0x6e: {  	_ =	shalt  }
0x6f: {  	_ =	shalt  }
0x70: {  	_ =	shalt  }
0x71: {  	_ =	shalt  }
0x72: {  	_ =	shalt  }
0x73: {  	_ =	shalt  }
0x74: {  	_ =	shalt  }
0x75: {  	_ =	shalt  }
0x76: {  	_ =	shalt  }
0x77: {  	_ =	shalt  }
0x78: {  	_ =	shalt  }
0x79: {  	_ =	shalt  }
0x7a: {  	_ =	shalt  }
0x7b: {  	_ =	shalt  }
0x7c: {  	_ =	shalt  }
0x7d: {  	_ =	shalt  }
0x7e: {  	_ =	shalt  }
0x7f: {  	_ =	shalt  }
0x80: {  	_ =	shalt  }
0x81: {  	_ =	shalt  }
0x82: {  	_ =	shalt  }
0x83: {  	_ =	shalt  }
0x84: {  	_ =	shalt  }
0x85: {  	_ =	shalt  }
0x86: {  	_ =	shalt  }
0x87: {  	_ =	shalt  }
.Lfunc_end0:
.L_simem_size_0:
called_computation_lowered:
.L_overlay_start_0:
0x88: {  	s2 =	sld [smem:$0x3FD9]  }
0x89: {  	s3 =	sld [smem:$0x3FFE];
	_ =	sdelay $0x1  }
0x8a: {  	s1 =	srdreg.scid  }
0x8b: {  	s0 =	sand.u32 $0x1, s1  }
0x8c: {  	s17 =	sshll.u32 s0, $0xA;
	s2 =	sadd.s32 s3, s2  }
0x8d: {  	s2 =	sadd.s32 s2, s17  }
0x8e: {  	[smem:$0x3FC1] =	sst s2  }
0x8f: {  	_ = 	snop  }
0x90: {  	s2 =	sld [smem:$0x3FC9]  }
0x91: {  	s18 =	sld [smem:$0x3FC8];
	(tm) =	ssettm $0x1  }
0x92: {  	s4 =	sld [smem:$0x3FFB];
	_ =	sdelay $0x3  }
0x93: {  	_ =	strace s4  }
0x94: {  	s4 =	sld [smem:$0x3FFC];
	_ =	sdelay $0x3  }
0x95: {  	_ =	strace s4  }
0x96: {  	s4 =	sld [smem:$0x3FFD];
	_ =	sdelay $0x3  }
0x97: {  	_ =	strace s4  }
0x98: {  	_ =	strace $0x8FFFFFFF  }
0x99: {  	s19 =	sld [smem:$0x3FDB];
	_ =	sdelay $0x1  }
0x9a: {  	s5 =	simm.s32 $_scs_section_size  }
0x9b: {  	s6 =	simm.s32 $_size__tile_overlayer_lowered;
	s7 =	simm.s32 $_tile_overlayer_lowered  }
0x9c: {  	s22 =	simm.s32 $0x1BFF;
	s21 =	sshll.u32 s7, $0x1;
	s4 =	sadd.s32 s5, s19  }
0x9d: {  	s8 =	simm.s32 $0x0;
	s20 =	sshll.u32 s6, $0x1;
	s6 =	sadd.s32 s21, s4  }
0x9e: {  	[timem:s8], [sflag:s22] =	dma.local [hbm:s6], s20  }
0x9f: {  	_ =	swait.ge [sflag:s22], s20  }
0xa0: {  	s5 =	ssub.s32 $0x0, s20;
	[sflag:s22] =	ssyncset.done $0x0  }
0xa1: {  	[sflag:s22] =	ssyncadd.s32 s5;
	_ =	sdelay $0x1  }
0xa2: {  	s23 =	simm.s32 $0x1B8B  }
0xa3: {  	_ =	swait.ge [sflag:s23], $0x1  }
0xa4: {  	[sflag:s23] =	ssyncset.done $0x0  }
0xa5: {  	s25 =	simm.s32 $0x1B8E;
	s24 =	sld [smem:$0x3FFE];
	[sflag:s23] =	ssyncadd.s32 $0xFFFFFFFF  }
0xa6: {  	s26 =	simm.s32 $execute0_lowered;
	[smem:$0x3FD2] =	sst s25  }
0xa7: {  	s6 =	sshll.u32 s26, $0x1;
	_ =	strace $0x80000046;
	[dreg:$0x1] =	wrdreg $0xFFFFFFFF  }
0xa8: {  	s28 =	simm.s32 $_size_execute0_lowered;
	s4 =	sadd.s32 s4, s6;
	[dreg:$0x0] =	wrdreg $0x0  }
0xa9: {  	s6 =	sshll.u32 s28, $0x1;
	[dreg:$0x2] =	wrdreg s4  }
0xaa: {  	[dreg:$0x3] =	wrdreg s6  }
0xab: {  	[dreg:$0x4] =	wrdreg $0xC0  }
0xac: {  	_ =	task [dreg:s8], $0x5FFFF  }
0xad: {  	[dreg:$0x1] =	wrdreg $0xFFFFFFFF  }
0xae: {  	[dreg:$0x0] =	wrdreg $0x60  }
0xaf: {  	[dreg:$0x2] =	wrdreg s2  }
0xb0: {  	[dreg:$0x3] =	wrdreg s18  }
0xb1: {  	[dreg:$0x4] =	wrdreg s24  }
0xb2: {  	[dreg:$0x5] =	wrdreg $0xAC000  }
0xb3: {  	[dreg:$0x6] =	wrdreg $0x9  }
0xb4: {  	_ =	task.clear_ibuf [dreg:s8], $0x7FFFF;
	_ =	strace $0x90000046  }
0xb5: {  	s29 =	simm.s32 $0x9;
	_ =	strace $0x80000048  }
0xb6: {  	_ =	swait.ge [sflag:s29], $0x1  }
0xb7: {  	[sflag:s29] =	ssyncadd.s32 $0xFFFFFFFF  }
0xb8: {  	_ =	strace $0x90000048  }
0xb9: {  	_ =	sfence  }
0xba: {  	s30 =	sld [smem:$0x0];
	_ =	sdelay $0x2  }
0xbb: {  	s31 =	sshll.u32 s1, $0xD;
	s1 =	sshrl.u32 s1, $0x2  }
0xbc: {  	s3 =	sand.u32 $0x4000, s31;
	s1 =	sadd.s32 s1, s30  }
0xbd: {  	s0 =	sor.u32 s3, s0;
	s1 =	sshll.u32 s1, $0x11  }
0xbe: {  	s0 =	sor.u32 s1, s0  }
0xbf: {  	s0 =	sadd.s32 $0x8F2B, s0  }
0xc0: {  	[sflag:s0] =	ssyncadd.remote.s32 $0x1  }
0xc1: {  	_ =	sfence.sel $0xFFFF  }
0xc2: {  	[dreg:$0x0] =	wrdreg $0xFFFFFFFF;
	(pc) =	sbr.abs _section_cstart, $3  }
0xc3: {  	[dreg:$0x1] =	wrdreg $0xFFFFFFFF  }
0xc4: {  	_ =	task.clear_ibuf [dreg:s8], $0x2FFFF;
	_ =	strace $0x9FFFFFFF  }
0xc5: {  	(tm) =	ssettm $0x7FFFFFFF  }
tec
execute0_lowered:
.L_overlay_start_1:
0x0: {  	(tag) =	ssettag $0x1  }
0x1: {  	s2 =	rddreg [dreg:$0x0]  }
0x2: {  	s30 =	rddreg [dreg:$0x1]  }
0x3: {  	s0 =	srdreg.scid;
	s31 =	stileid.u32  }
0x4: {  	s1 =	rddreg [dreg:$0x2];
	s15 =	smul.u32 $0x2710, s31  }
0x5: {  	s3 =	rddreg [dreg:$0x3];
	s16 =	smul.u32 $0x27100, s31  }
0x6: {  	s4 =	simm.s32 $0x0;
	s11 =	sand.u32 $0x1, s0;
	s28 =	smul.u32 $0x13800, s31  }
0x7: {  	[smem:$0x7FF] =	sst s4;
	s1 =	sadd.s32 $0x1200, s1;
	s12 =	smul.u32 $0x271000, s11  }
0x8: {  	p0 =	sne.s32 s31, $0xF;
	s0 =	sshll.u32 s11, $0x4;
	s13 =	smul.u32 $0x27100, s11  }
0x9: {  	s5 =	ssub.s32 $0x2, s11;
	s11 =	smul.u32 $0x138800, s11;
	s0 =	sor.u32 s31, s0  }
0xa: {  	_ =	strace $0x80000047;
	s6 =	sshrl.u32 s5, $0x1;
	s8 =	smul.u32 $0x2710, s0  }
0xb: {  	s7 =	smul.u32 $0x27100, s0;
	s23 =	sadd.s32 s12, s2;
	s17 =	sadd.s32 s15, s13  }
0xc: {  	s0 =	ssub.s32 s5, s6;
	s24 =	sadd.s32 s16, s23;
	s25 =	sadd.s32 $0x2F8, s17  }
0xd: {  	s29 =	sadd.s32 $0x2D0, s17;
	s15 =	sadd.s32 $0x2A8, s17;
	s18 =	sadd.s32 $0x280, s17  }
0xe: {  	s0 =	smax.u32 s0, $0x1;
	s5 =	sadd.s32 $0x28, s8;
	s19 =	sadd.s32 s2, s7  }
0xf: {  	s7 =	sadd.s32 $0x50, s8;
	s10 =	sadd.s32 $0xC8, s8;
	s12 =	sadd.s32 $0xF0, s8  }
0x10: {  	[dreg:$0x5] =	wrdreg s24;
	s26 =	sshrl.u32 s25, $0x3;
	s16 =	sshrl.u32 s15, $0x3  }
0x11: {  	s15 =	sadd.s32 $0x258, s17;
	[smem:$0x7FB] =	sst s0;
	s20 =	sshll.u32 s5, $0x4  }
0x12: {  	s13 =	sadd.s32 $0x118, s8;
	[dreg:$0xe] =	wrdreg s19;
	s6 =	sadd.s32 s2, s20  }
0x13: {  	s9 =	sshll.u32 s7, $0x4;
	[dreg:$0xf] =	wrdreg s6;
	s6 =	sadd.s32 $0x78, s8  }
0x14: {  	[dreg:$0x6] =	wrdreg s26;
	s9 =	sadd.s32 s2, s9;
	s21 =	sshll.u32 s6, $0x4  }
0x15: {  	s0 =	simm.s32 $0x0;
	[dreg:$0x10] =	wrdreg s9;
	s9 =	sadd.s32 s2, s21  }
0x16: {  	s22 =	sshll.u32 s10, $0x4;
	[dreg:$0x11] =	wrdreg s9;
	s9 =	sadd.s32 $0xA0, s8  }
0x17: {  	[dreg:$0x8] =	wrdreg s16;
	s19 =	sshrl.u32 s15, $0x3;
	s14 =	sshll.u32 s9, $0x4  }
0x18: {  	s16 =	sadd.s32 $0x190, s8;
	[dreg:$0xa] =	wrdreg s19;
	s14 =	sadd.s32 s2, s14  }
0x19: {  	s20 =	sshll.u32 s12, $0x4;
	[dreg:$0x12] =	wrdreg s14;
	s14 =	sadd.s32 s2, s22  }
0x1a: {  	s19 =	sshll.u32 s16, $0x4;
	[dreg:$0x13] =	wrdreg s14;
	s14 =	sshrl.u32 s29, $0x3  }
0x1b: {  	s21 =	sshll.u32 s13, $0x4;
	[dreg:$0x7] =	wrdreg s14;
	s14 =	sshrl.u32 s18, $0x3  }
0x1c: {  	s15 =	sadd.s32 s2, s20;
	[dreg:$0x9] =	wrdreg s14;
	s14 =	sadd.s32 s2, s21  }
0x1d: {  	s23 =	sadd.s32 s2, s19;
	[dreg:$0x15] =	wrdreg s14;
	s14 =	sadd.s32 $0x140, s8  }
0x1e: {  	[dreg:$0x14] =	wrdreg s15;
	s15 =	sadd.s32 $0x168, s8;
	s18 =	sshll.u32 s14, $0x4  }
0x1f: {  	[dreg:$0x18] =	wrdreg s23;
	s22 =	sshll.u32 s15, $0x4;
	s18 =	sadd.s32 s2, s18  }
0x20: {  	s19 =	sadd.s32 $0x2620, s8;
	[dreg:$0x16] =	wrdreg s18;
	s18 =	sadd.s32 s2, s22  }
0x21: {  	s20 =	sadd.s32 $0x2648, s8;
	[dreg:$0x17] =	wrdreg s18;
	s18 =	sadd.s32 $0x1B8, s8  }
0x22: {  	s24 =	sshll.u32 s19, $0x4;
	s23 =	sadd.s32 $0x2698, s8;
	s21 =	sshll.u32 s18, $0x4  }
0x23: {  	s29 =	sshll.u32 s23, $0x4;
	s22 =	sshll.u32 s20, $0x4;
	s21 =	sadd.s32 s2, s21  }
0x24: {  	s25 =	sadd.s32 s2, s22;
	[dreg:$0x19] =	wrdreg s21;
	s21 =	sadd.s32 s2, s24  }
0x25: {  	s24 =	sadd.s32 $0x26C0, s8;
	[dreg:$0x1a] =	wrdreg s21;
	s21 =	sadd.s32 $0x2670, s8  }
0x26: {  	[dreg:$0x1b] =	wrdreg s25;
	s25 =	sshll.u32 s24, $0x4;
	s26 =	sshll.u32 s21, $0x4  }
0x27: {  	s25 =	sadd.s32 s2, s25;
	s21 =	sshrl.u32 s21, $0x3;
	s22 =	sadd.s32 s2, s26  }
0x28: {  	[dreg:$0x1e] =	wrdreg s25;
	s26 =	sadd.s32 $0x230, s17;
	s25 =	sadd.s32 $0x26E8, s8  }
0x29: {  	s8 =	sshrl.u32 s8, $0x3;
	[dreg:$0x1c] =	wrdreg s22;
	s22 =	sadd.s32 s2, s29  }
0x2a: {  	s29 =	sadd.s32 $0x208, s17;
	[dreg:$0x1d] =	wrdreg s22;
	s22 =	sshrl.u32 s26, $0x3  }
0x2b: {  	s26 =	sshll.u32 s25, $0x4;
	s29 =	sshrl.u32 s29, $0x3;
	[dreg:$0xb] =	wrdreg s22  }
0x2c: {  	s17 =	sadd.s32 $0x1E0, s17;
	s2 =	sadd.s32 s2, s26;
	[dreg:$0xc] =	wrdreg s29  }
0x2d: {  	s22 =	sadd.s32 s28, s11;
	s26 =	sshrl.u32 s11, $0x3;
	s29 =	sshrl.u32 s17, $0x3  }
0x2e: {  	s11 =	sadd.s32 s30, s8;
	s17 =	sshrl.u32 s5, $0x3;
	[dreg:$0x1f] =	wrdreg s2  }
0x2f: {  	s5 =	sshrl.u32 s6, $0x3;
	s28 =	sadd.s32 $0x138000, s3;
	[dreg:$0xd] =	wrdreg s29  }
0x30: {  	s2 =	sshrl.u32 s22, $0x3;
	[smem:$0x7E8] =	sst s11;
	s22 =	sshrl.u32 s7, $0x3  }
0x31: {  	s7 =	sshrl.u32 s9, $0x3;
	s9 =	sshrl.u32 s10, $0x3;
	s10 =	sshrl.u32 s12, $0x3  }
0x32: {  	s11 =	sshrl.u32 s13, $0x3;
	s13 =	sshrl.u32 s14, $0x3;
	s14 =	sshrl.u32 s15, $0x3  }
0x33: {  	s15 =	sshrl.u32 s16, $0x3;
	[smem:$0x7FD] =	sst s28;
	s2 =	sadd.s32 s1, s2  }
0x34: {  	s1 =	sadd.s32 s1, s26;
	s26 =	smul.u32 $0x4E000, s31;
	s29 =	sadd.s32 s30, s22  }
0x35: {  	s8 =	sadd.s32 s30, s7;
	s12 =	sadd.s32 s30, s11;
	[smem:$0x7E7] =	sst s2  }
0x36: {  	s16 =	sadd.s32 s30, s15;
	s22 =	sshrl.u32 s23, $0x3;
	[smem:$0x7EA] =	sst s29  }
0x37: {  	s23 =	sshrl.u32 s24, $0x3;
	s7 =	simm.s32 $0x2C00;
	[smem:$0x7EC] =	sst s8  }
0x38: {  	s15 =	simm.s32 $0x19;
	s31 =	simm.s32 $0x28;
	[smem:$0x7EF] =	sst s12  }
0x39: {  	s2 =	sadd.s32 s30, s17;
	[smem:$0x7F2] =	sst s16;
	s17 =	sshrl.u32 s18, $0x3  }
0x3a: {  	s18 =	sshrl.u32 s19, $0x3;
	s24 =	sadd.s32 s30, s23;
	[smem:$0x7E9] =	sst s2  }
0x3b: {  	s19 =	sshrl.u32 s20, $0x3;
	s1 =	sadd.s32 $0x27000, s1;
	[smem:$0x7F8] =	sst s24  }
0x3c: {  	s29 =	sshrl.u32 s25, $0x3;
	s2 =	sadd.s32 s30, s5;
	[smem:$0x7FA] =	sst s1  }
0x3d: {  	s16 =	simm.s32 $0x400;
	s20 =	sadd.s32 s30, s19;
	[smem:$0x7EB] =	sst s2  }
0x3e: {  	s6 =	sshrl.u32 s26, $0x2;
	s2 =	sadd.s32 s30, s9;
	[smem:$0x7F5] =	sst s20  }
0x3f: {  	s8 =	simm.s32 $0x1800;
	s26 =	sadd.s32 s6, s3;
	[smem:$0x7ED] =	sst s2  }
0x40: {  	s23 =	simm.s32 $0x4;
	s2 =	sadd.s32 s30, s10;
	[smem:$0x7FC] =	sst s26  }
0x41: {  	s19 =	simm.s32 $0x80;
	[smem:$0x7EE] =	sst s2;
	s2 =	sadd.s32 s30, s13  }
0x42: {  	s5 =	simm.s32 $0x180;
	[smem:$0x7F0] =	sst s2;
	s2 =	sadd.s32 s30, s14  }
0x43: {  	s1 =	simm.s32 $0x9000;
	[smem:$0x7F1] =	sst s2;
	s2 =	sadd.s32 s30, s17  }
0x44: {  	s24 =	simm.s32 $0xC;
	[smem:$0x7F3] =	sst s2;
	s2 =	sadd.s32 s30, s18  }
0x45: {  	s6 =	simm.s32 $0x100;
	[smem:$0x7F4] =	sst s2;
	s2 =	sadd.s32 s30, s21  }
0x46: {  	s9 =	simm.s32 $0x4000;
	[smem:$0x7F6] =	sst s2;
	s2 =	sadd.s32 s30, s22  }
0x47: {  	s14 =	simm.s32 $0xA400;
	[smem:$0x7F7] =	sst s2;
	s2 =	sadd.s32 s30, s29  }
0x48: {  	v0 =	vimm.f32 $0.0e+00;
	s21 =	simm.s32 $0x3;
	s22 =	simm.s32 $0xB;
	[smem:$0x7F9] =	sst s2  }
.LBB2_1:
0x49: {  	s12 =	sld [smem:$0x7E8];
	_ =	sdelay $0x1  }
0x4a: {  	s11 =	rddreg [dreg:$0xe]  }
0x4b: {  	[tilespmem:s4], [sflag:$0x1] =	stream.linear.gather [hbm4b:s12+s4], $0x28, $0x38;
	[tilespmem:$0x1E480] =	vst v63  }
0x4c: {  	s13 =	sld [smem:$0x7E9]  }
0x4d: {  	[tilespmem:s16], [sflag:$0x9] =	stream.linear.gather [hbm4b:s11+s4], $0x1400, $0x38;
	[tilespmem:$0x1E480] =	vst v63  }
0x4e: {  	s17 =	rddreg [dreg:$0xf]  }
0x4f: {  	[tilespmem:s19], [sflag:$0x2] =	stream.linear.gather [hbm4b:s13+s4], $0x28, $0x38;
	[tilespmem:$0x1E480] =	vst v63  }
0x50: {  	s18 =	sld [smem:$0x7EA]  }
0x51: {  	[tilespmem:s8], [sflag:$0xA] =	stream.linear.gather [hbm4b:s17+s4], $0x1400, $0x38;
	[tilespmem:$0x1E480] =	vst v63  }
0x52: {  	s20 =	rddreg [dreg:$0x10]  }
0x53: {  	[tilespmem:s6], [sflag:$0x3] =	stream.linear.gather [hbm4b:s18+s4], $0x28, $0x38;
	[tilespmem:$0x1E480] =	vst v63  }
0x54: {  	s25 =	sld [smem:$0x7EB]  }
0x55: {  	[tilespmem:s7], [sflag:$0xB] =	stream.linear.gather [hbm4b:s20+s4], $0x1400, $0x38;
	[tilespmem:$0x1E480] =	vst v63  }
0x56: {  	_ = 	snop  }
0x57: {  	[tilespmem:s5], [sflag:$0x4] =	stream.linear.gather [hbm4b:s25+s4], $0x28, $0x38;
	[tilespmem:$0x1E480] =	vst v63  }
0x58: {  	s29 =	rddreg [dreg:$0x11]  }
0x59: {  	[tilespmem:s9], [sflag:$0xC] =	stream.linear.gather [hbm4b:s29+s4], $0x1400, $0x38;
	[tilespmem:$0x1E480] =	vst v63  }
0x5a: {  	[tilespmem:$0xA400] =	vst v0  }
0x5b: {  	[tilespmem:$0xA410] =	vst v0  }
0x5c: {  	[tilespmem:$0xA420] =	vst v0  }
0x5d: {  	[tilespmem:$0xA430] =	vst v0  }
0x5e: {  	[tilespmem:$0xA440] =	vst v0  }
0x5f: {  	[tilespmem:$0xA450] =	vst v0  }
0x60: {  	[tilespmem:$0xA460] =	vst v0  }
0x61: {  	[tilespmem:$0xA470] =	vst v0  }
0x62: {  	[tilespmem:$0xA480] =	vst v0  }
0x63: {  	[tilespmem:$0xA490] =	vst v0  }
0x64: {  	[tilespmem:$0xA4A0] =	vst v0  }
0x65: {  	[tilespmem:$0xA4B0] =	vst v0  }
0x66: {  	[tilespmem:$0xA4C0] =	vst v0  }
0x67: {  	[tilespmem:$0xA4D0] =	vst v0  }
0x68: {  	[tilespmem:$0xA4E0] =	vst v0  }
0x69: {  	[tilespmem:$0xA4F0] =	vst v0  }
0x6a: {  	[tilespmem:$0xA500] =	vst v0  }
0x6b: {  	[tilespmem:$0xA510] =	vst v0  }
0x6c: {  	[tilespmem:$0xA520] =	vst v0  }
0x6d: {  	[tilespmem:$0xA530] =	vst v0  }
0x6e: {  	[tilespmem:$0xA540] =	vst v0  }
0x6f: {  	[tilespmem:$0xA550] =	vst v0  }
0x70: {  	[tilespmem:$0xA560] =	vst v0  }
0x71: {  	[tilespmem:$0xA570] =	vst v0  }
0x72: {  	[tilespmem:$0xA580] =	vst v0  }
0x73: {  	[tilespmem:$0xA590] =	vst v0  }
0x74: {  	[tilespmem:$0xA5A0] =	vst v0  }
0x75: {  	[tilespmem:$0xA5B0] =	vst v0  }
0x76: {  	[tilespmem:$0xA5C0] =	vst v0  }
0x77: {  	[tilespmem:$0xA5D0] =	vst v0  }
0x78: {  	[tilespmem:$0xA5E0] =	vst v0  }
0x79: {  	[tilespmem:$0xA5F0] =	vst v0  }
0x7a: {  	[tilespmem:$0xA600] =	vst v0  }
0x7b: {  	[tilespmem:$0xA610] =	vst v0  }
0x7c: {  	[tilespmem:$0xA620] =	vst v0  }
0x7d: {  	[tilespmem:$0xA630] =	vst v0  }
0x7e: {  	[tilespmem:$0xA640] =	vst v0  }
0x7f: {  	[tilespmem:$0xA650] =	vst v0  }
0x80: {  	[tilespmem:$0xA660] =	vst v0  }
0x81: {  	[tilespmem:$0xA670] =	vst v0  }
0x82: {  	[tilespmem:$0xA680] =	vst v0  }
0x83: {  	[tilespmem:$0xA690] =	vst v0  }
0x84: {  	[tilespmem:$0xA6A0] =	vst v0  }
0x85: {  	[tilespmem:$0xA6B0] =	vst v0  }
0x86: {  	[tilespmem:$0xA6C0] =	vst v0  }
0x87: {  	[tilespmem:$0xA6D0] =	vst v0  }
0x88: {  	[tilespmem:$0xA6E0] =	vst v0  }
0x89: {  	[tilespmem:$0xA6F0] =	vst v0  }
0x8a: {  	[tilespmem:$0xA700] =	vst v0  }
0x8b: {  	[tilespmem:$0xA710] =	vst v0  }
0x8c: {  	[tilespmem:$0xA720] =	vst v0  }
0x8d: {  	[tilespmem:$0xA730] =	vst v0  }
0x8e: {  	[tilespmem:$0xA740] =	vst v0  }
0x8f: {  	[tilespmem:$0xA750] =	vst v0  }
0x90: {  	[tilespmem:$0xA760] =	vst v0  }
0x91: {  	[tilespmem:$0xA770] =	vst v0  }
0x92: {  	[tilespmem:$0xA780] =	vst v0  }
0x93: {  	[tilespmem:$0xA790] =	vst v0  }
0x94: {  	[tilespmem:$0xA7A0] =	vst v0  }
0x95: {  	[tilespmem:$0xA7B0] =	vst v0  }
0x96: {  	[tilespmem:$0xA7C0] =	vst v0  }
0x97: {  	[tilespmem:$0xA7D0] =	vst v0  }
0x98: {  	[tilespmem:$0xA7E0] =	vst v0  }
0x99: {  	[tilespmem:$0xA7F0] =	vst v0  }
0x9a: {  	[tilespmem:$0xA800] =	vst v0  }
0x9b: {  	[tilespmem:$0xA810] =	vst v0  }
0x9c: {  	[tilespmem:$0xA820] =	vst v0  }
0x9d: {  	[tilespmem:$0xA830] =	vst v0  }
0x9e: {  	[tilespmem:$0xA840] =	vst v0  }
0x9f: {  	[tilespmem:$0xA850] =	vst v0  }
0xa0: {  	[tilespmem:$0xA860] =	vst v0  }
0xa1: {  	[tilespmem:$0xA870] =	vst v0  }
0xa2: {  	[tilespmem:$0xA880] =	vst v0  }
0xa3: {  	[tilespmem:$0xA890] =	vst v0  }
0xa4: {  	[tilespmem:$0xA8A0] =	vst v0  }
0xa5: {  	[tilespmem:$0xA8B0] =	vst v0  }
0xa6: {  	[tilespmem:$0xA8C0] =	vst v0  }
0xa7: {  	[tilespmem:$0xA8D0] =	vst v0  }
0xa8: {  	[tilespmem:$0xA8E0] =	vst v0  }
0xa9: {  	[tilespmem:$0xA8F0] =	vst v0  }
0xaa: {  	[tilespmem:$0xA900] =	vst v0  }
0xab: {  	[tilespmem:$0xA910] =	vst v0  }
0xac: {  	[tilespmem:$0xA920] =	vst v0  }
0xad: {  	[tilespmem:$0xA930] =	vst v0  }
0xae: {  	[tilespmem:$0xA940] =	vst v0  }
0xaf: {  	[tilespmem:$0xA950] =	vst v0  }
0xb0: {  	[tilespmem:$0xA960] =	vst v0  }
0xb1: {  	[tilespmem:$0xA970] =	vst v0  }
0xb2: {  	[tilespmem:$0xA980] =	vst v0  }
0xb3: {  	[tilespmem:$0xA990] =	vst v0  }
0xb4: {  	[tilespmem:$0xA9A0] =	vst v0  }
0xb5: {  	[tilespmem:$0xA9B0] =	vst v0  }
0xb6: {  	[tilespmem:$0xA9C0] =	vst v0  }
0xb7: {  	[tilespmem:$0xA9D0] =	vst v0  }
0xb8: {  	[tilespmem:$0xA9E0] =	vst v0  }
0xb9: {  	[tilespmem:$0xA9F0] =	vst v0  }
0xba: {  	[tilespmem:$0xAA00] =	vst v0  }
0xbb: {  	[tilespmem:$0xAA10] =	vst v0  }
0xbc: {  	[tilespmem:$0xAA20] =	vst v0  }
0xbd: {  	[tilespmem:$0xAA30] =	vst v0  }
0xbe: {  	[tilespmem:$0xAA40] =	vst v0  }
0xbf: {  	[tilespmem:$0xAA50] =	vst v0  }
0xc0: {  	[tilespmem:$0xAA60] =	vst v0  }
0xc1: {  	[tilespmem:$0xAA70] =	vst v0  }
0xc2: {  	[tilespmem:$0xAA80] =	vst v0  }
0xc3: {  	[tilespmem:$0xAA90] =	vst v0  }
0xc4: {  	[tilespmem:$0xAAA0] =	vst v0  }
0xc5: {  	[tilespmem:$0xAAB0] =	vst v0  }
0xc6: {  	[tilespmem:$0xAAC0] =	vst v0  }
0xc7: {  	[tilespmem:$0xAAD0] =	vst v0  }
0xc8: {  	[tilespmem:$0xAAE0] =	vst v0  }
0xc9: {  	[tilespmem:$0xAAF0] =	vst v0  }
0xca: {  	[tilespmem:$0xAB00] =	vst v0  }
0xcb: {  	[tilespmem:$0xAB10] =	vst v0  }
0xcc: {  	[tilespmem:$0xAB20] =	vst v0  }
0xcd: {  	[tilespmem:$0xAB30] =	vst v0  }
0xce: {  	[tilespmem:$0xAB40] =	vst v0  }
0xcf: {  	[tilespmem:$0xAB50] =	vst v0  }
0xd0: {  	[tilespmem:$0xAB60] =	vst v0  }
0xd1: {  	[tilespmem:$0xAB70] =	vst v0  }
0xd2: {  	[tilespmem:$0xAB80] =	vst v0  }
0xd3: {  	[tilespmem:$0xAB90] =	vst v0  }
0xd4: {  	[tilespmem:$0xABA0] =	vst v0  }
0xd5: {  	[tilespmem:$0xABB0] =	vst v0  }
0xd6: {  	[tilespmem:$0xABC0] =	vst v0  }
0xd7: {  	[tilespmem:$0xABD0] =	vst v0  }
0xd8: {  	[tilespmem:$0xABE0] =	vst v0  }
0xd9: {  	[smem:$0x7E6] =	sst s0;
	s30 =	sadd.s32 $0x0, s26;
	[tilespmem:$0xABF0] =	vst v0  }
0xda: {  	[spmem:s30] =	stream.linear.scatter [tilespmem:s14], [sflag:$0x19], $0x800, $0x38;
	[tilespmem:$0x1E480] =	vst v63  }
0xdb: {  	s12 =	simm.s32 $0x2000;
	_ =	swait.ge [sflag:s15], $0x800  }
.LBB2_2:
0xdc: {  	s10 =	simm.s32 $0x19  }
0xdd: {  	s15 =	sshra.s32 s12, $0x2;
	[sflag:s10] =	ssyncset.done $0x0  }
0xde: {  	p1 =	sne.s32 s12, $0x4C000;
	s15 =	sadd.s32 s15, s26;
	[sflag:s10] =	ssyncadd.s32 $0xFFFFF800  }
0xdf: {  	[spmem:s15] =	stream.linear.scatter [tilespmem:s14], [sflag:$0x19], $0x800, $0x38;
	[tilespmem:$0x1E480] =	vst v63  }
.Ltmp0:
0xe0: {  	_ = 	snop;
	(pc) =	sbr.rel @p1 .LBB2_2-.Ltmp0, $3  }
0xe1: {  	s15 =	simm.s32 $0x19  }
0xe2: {  	s12 =	sadd.s32 $0x2000, s12;
	_ =	sdelay $0x1  }
0xe3: {  	_ =	swait.ge [sflag:s15], $0x800  }
0xe4: {  	[sflag:s15] =	ssyncset.done $0x0  }
0xe5: {  	s12 =	simm.s32 @!p0 $0xA400;
	[sflag:s15] =	ssyncadd.s32 $0xFFFFF800  }
0xe6: {  	[spmem:s28] =	stream.linear.scatter @!p0 [tilespmem:s12], [sflag:$0x19], $0x800, $0x38;
	[tilespmem:$0x1E480] =	vst v63  }
0xe7: {  	s12 =	simm.s32 @!p0 $0x19  }
0xe8: {  	_ =	swait.ge @!p0 [sflag:s12], $0x800  }
0xe9: {  	[sflag:s12] =	ssyncset.done @!p0 $0x0  }
0xea: {  	[sflag:s12] =	ssyncadd.s32 @!p0 $0xFFFFF800  }
0xeb: {  	s28 =	simm.s32 $0x1;
	[bflag:$0x0] =	sbarrier.arrive $0xFFFF  }
0xec: {  	_ =	swait.ge [sflag:s28], $0x28  }
0xed: {  	[sflag:s28] =	ssyncset.done $0x0  }
0xee: {  	s2 =	simm.s32 $0x9;
	[sflag:s28] =	ssyncadd.s32 $0xFFFFFFD8  }
0xef: {  	_ =	swait.ge [sflag:s2], $0x1400  }
0xf0: {  	[sflag:s2] =	ssyncset.done $0x0  }
0xf1: {  	s12 =	simm.s32 $0x0;
	s11 =	sld [smem:$0x7EC];
	[sflag:s2] =	ssyncadd.s32 $0xFFFFEC00  }
0xf2: {  	[spmem:s3] =	stream.indirect.scatter.add.f32 [tilespmem:s16], [sflag:$0x11], $0x80, s12, s31, $0xb8;
	[tilespmem:$0x1E480] =	vst v63  }
0xf3: {  	s0 =	simm.s32 $0x200  }
0xf4: {  	[tilespmem:s0], [sflag:$0x5] =	stream.linear.gather [hbm4b:s11+s12], $0x28, $0x38;
	[tilespmem:$0x1E480] =	vst v63  }
0xf5: {  	s14 =	simm.s32 $0x5400;
	s10 =	simm.s32 $0x2;
	s13 =	rddreg [dreg:$0x12]  }
0xf6: {  	[tilespmem:s14], [sflag:$0xD] =	stream.linear.gather [hbm4b:s13+s12], $0x1400, $0x38;
	[tilespmem:$0x1E480] =	vst v63  }
0xf7: {  	_ =	swait.ge [sflag:s10], $0x28  }
0xf8: {  	[sflag:s10] =	ssyncset.done $0x0  }
0xf9: {  	s14 =	simm.s32 $0xA;
	[sflag:s10] =	ssyncadd.s32 $0xFFFFFFD8  }
0xfa: {  	_ =	swait.ge [sflag:s14], $0x1400  }
0xfb: {  	[sflag:s14] =	ssyncset.done $0x0  }
0xfc: {  	s17 =	sld [smem:$0x7ED];
	[sflag:s14] =	ssyncadd.s32 $0xFFFFEC00  }
0xfd: {  	[spmem:s3] =	stream.indirect.scatter.add.f32 [tilespmem:s8], [sflag:$0x12], $0x80, s19, s31, $0xb8;
	[tilespmem:$0x1E480] =	vst v63  }
0xfe: {  	s18 =	simm.s32 $0x280  }
0xff: {  	[tilespmem:s18], [sflag:$0x6] =	stream.linear.gather [hbm4b:s17+s12], $0x28, $0x38;
	[tilespmem:$0x1E480] =	vst v63  }
0x100: {  	s26 =	simm.s32 $0x6800;
	s20 =	rddreg [dreg:$0x13]  }
0x101: {  	[tilespmem:s26], [sflag:$0xE] =	stream.linear.gather [hbm4b:s20+s12], $0x1400, $0x38;
	[tilespmem:$0x1E480] =	vst v63  }
0x102: {  	_ =	swait.ge [sflag:s21], $0x28  }
0x103: {  	[sflag:s21] =	ssyncset.done $0x0  }
0x104: {  	[sflag:s21] =	ssyncadd.s32 $0xFFFFFFD8  }
0x105: {  	_ =	swait.ge [sflag:s22], $0x1400  }
0x106: {  	[sflag:s22] =	ssyncset.done $0x0  }
0x107: {  	[sflag:s22] =	ssyncadd.s32 $0xFFFFEC00  }
0x108: {  	[spmem:s3] =	stream.indirect.scatter.add.f32 [tilespmem:s7], [sflag:$0x13], $0x80, s6, s31, $0xb8;
	[tilespmem:$0x1E480] =	vst v63  }
0x109: {  	s7 =	sld [smem:$0x7EE];
	_ =	sdelay $0x1  }
0x10a: {  	s13 =	simm.s32 $0x300  }
0x10b: {  	[tilespmem:s13], [sflag:$0x7] =	stream.linear.gather [hbm4b:s7+s12], $0x28, $0x38;
	[tilespmem:$0x1E480] =	vst v63  }
0x10c: {  	s18 =	simm.s32 $0x7C00;
	s17 =	rddreg [dreg:$0x14]  }
0x10d: {  	[tilespmem:s18], [sflag:$0xF] =	stream.linear.gather [hbm4b:s17+s12], $0x1400, $0x38;
	[tilespmem:$0x1E480] =	vst v63  }
0x10e: {  	_ =	swait.ge [sflag:s23], $0x28  }
0x10f: {  	[sflag:s23] =	ssyncset.done $0x0  }
0x110: {  	[sflag:s23] =	ssyncadd.s32 $0xFFFFFFD8  }
0x111: {  	_ =	swait.ge [sflag:s24], $0x1400  }
0x112: {  	[sflag:s24] =	ssyncset.done $0x0  }
0x113: {  	s20 =	sld [smem:$0x7EF];
	[sflag:s24] =	ssyncadd.s32 $0xFFFFEC00  }
0x114: {  	[spmem:s3] =	stream.indirect.scatter.add.f32 [tilespmem:s9], [sflag:$0x14], $0x80, s5, s31, $0xb8;
	[tilespmem:$0x1E480] =	vst v63  }
0x115: {  	s26 =	simm.s32 $0x380  }
0x116: {  	[tilespmem:s26], [sflag:$0x8] =	stream.linear.gather [hbm4b:s20+s12], $0x28, $0x38;
	[tilespmem:$0x1E480] =	vst v63  }
0x117: {  	s0 =	rddreg [dreg:$0x15];
	s20 =	simm.s32 $0x5  }
0x118: {  	[tilespmem:s1], [sflag:$0x10] =	stream.linear.gather [hbm4b:s0+s12], $0x1400, $0x38;
	[tilespmem:$0x1E480] =	vst v63  }
0x119: {  	_ =	swait.ge [sflag:s20], $0x28  }
0x11a: {  	[sflag:s20] =	ssyncset.done $0x0  }
0x11b: {  	s0 =	simm.s32 $0xD;
	[sflag:s20] =	ssyncadd.s32 $0xFFFFFFD8  }
0x11c: {  	_ =	swait.ge [sflag:s0], $0x1400  }
0x11d: {  	s25 =	simm.s32 $0x200;
	[sflag:s0] =	ssyncset.done $0x0  }
0x11e: {  	s29 =	simm.s32 $0x5400;
	s9 =	simm.s32 $0x11;
	[sflag:s0] =	ssyncadd.s32 $0xFFFFEC00  }
0x11f: {  	[spmem:s3] =	stream.indirect.scatter.add.f32 [tilespmem:s29], [sflag:$0x15], $0x80, s25, s31, $0xb8;
	[tilespmem:$0x1E480] =	vst v63  }
0x120: {  	_ =	swait.ge [sflag:s9], $0x1400  }
0x121: {  	s5 =	sld [smem:$0x7F0]  }
0x122: {  	[sflag:s9] =	ssyncset.done $0x0  }
0x123: {  	[sflag:s9] =	ssyncadd.s32 $0xFFFFEC00  }
0x124: {  	[tilespmem:s12], [sflag:$0x1] =	stream.linear.gather [hbm4b:s5+s12], $0x28, $0x38;
	[tilespmem:$0x1E480] =	vst v63  }
0x125: {  	s1 =	simm.s32 $0x6;
	s7 =	rddreg [dreg:$0x16]  }
0x126: {  	[tilespmem:s16], [sflag:$0x9] =	stream.linear.gather [hbm4b:s7+s12], $0x1400, $0x38;
	[tilespmem:$0x1E480] =	vst v63  }
0x127: {  	_ =	swait.ge [sflag:s1], $0x28  }
0x128: {  	[sflag:s1] =	ssyncset.done $0x0  }
0x129: {  	s5 =	simm.s32 $0xE;
	[sflag:s1] =	ssyncadd.s32 $0xFFFFFFD8  }
0x12a: {  	_ =	swait.ge [sflag:s5], $0x1400  }
0x12b: {  	[sflag:s5] =	ssyncset.done $0x0  }
0x12c: {  	s11 =	simm.s32 $0x6800;
	s8 =	simm.s32 $0x280;
	[sflag:s5] =	ssyncadd.s32 $0xFFFFEC00  }
0x12d: {  	[spmem:s3] =	stream.indirect.scatter.add.f32 [tilespmem:s11], [sflag:$0x16], $0x80, s8, s31, $0xb8;
	[tilespmem:$0x1E480] =	vst v63  }
0x12e: {  	s8 =	simm.s32 $0x12  }
0x12f: {  	_ =	swait.ge [sflag:s8], $0x1400  }
0x130: {  	s25 =	sld [smem:$0x7F1]  }
0x131: {  	[sflag:s8] =	ssyncset.done $0x0  }
0x132: {  	[sflag:s8] =	ssyncadd.s32 $0xFFFFEC00  }
0x133: {  	[tilespmem:s19], [sflag:$0x2] =	stream.linear.gather [hbm4b:s25+s12], $0x28, $0x38;
	[tilespmem:$0x1E480] =	vst v63  }
0x134: {  	s7 =	simm.s32 $0x1800;
	s11 =	rddreg [dreg:$0x17]  }
0x135: {  	[tilespmem:s7], [sflag:$0xA] =	stream.linear.gather [hbm4b:s11+s12], $0x1400, $0x38;
	[tilespmem:$0x1E480] =	vst v63  }
0x136: {  	s7 =	simm.s32 $0x7  }
0x137: {  	_ =	swait.ge [sflag:s7], $0x28  }
0x138: {  	[sflag:s7] =	ssyncset.done $0x0  }
0x139: {  	s11 =	simm.s32 $0xF;
	[sflag:s7] =	ssyncadd.s32 $0xFFFFFFD8  }
0x13a: {  	_ =	swait.ge [sflag:s11], $0x1400  }
0x13b: {  	[sflag:s11] =	ssyncset.done $0x0  }
0x13c: {  	s13 =	simm.s32 $0x300;
	s17 =	simm.s32 $0x7C00;
	[sflag:s11] =	ssyncadd.s32 $0xFFFFEC00  }
0x13d: {  	[spmem:s3] =	stream.indirect.scatter.add.f32 [tilespmem:s17], [sflag:$0x17], $0x80, s13, s31, $0xb8;
	[tilespmem:$0x1E480] =	vst v63  }
0x13e: {  	s13 =	simm.s32 $0x13  }
0x13f: {  	_ =	swait.ge [sflag:s13], $0x1400  }
0x140: {  	s17 =	sld [smem:$0x7F2]  }
0x141: {  	[sflag:s13] =	ssyncset.done $0x0  }
0x142: {  	[sflag:s13] =	ssyncadd.s32 $0xFFFFEC00  }
0x143: {  	[tilespmem:s6], [sflag:$0x3] =	stream.linear.gather [hbm4b:s17+s12], $0x28, $0x38;
	[tilespmem:$0x1E480] =	vst v63  }
0x144: {  	s25 =	simm.s32 $0x2C00;
	s17 =	rddreg [dreg:$0x18]  }
0x145: {  	[tilespmem:s25], [sflag:$0xB] =	stream.linear.gather [hbm4b:s17+s12], $0x1400, $0x38;
	[tilespmem:$0x1E480] =	vst v63  }
0x146: {  	s25 =	simm.s32 $0x8  }
0x147: {  	_ =	swait.ge [sflag:s25], $0x28  }
0x148: {  	[sflag:s25] =	ssyncset.done $0x0  }
0x149: {  	s17 =	simm.s32 $0x10;
	[sflag:s25] =	ssyncadd.s32 $0xFFFFFFD8  }
0x14a: {  	_ =	swait.ge [sflag:s17], $0x1400  }
0x14b: {  	[sflag:s17] =	ssyncset.done $0x0  }
0x14c: {  	s18 =	simm.s32 $0x380;
	s26 =	simm.s32 $0x9000;
	[sflag:s17] =	ssyncadd.s32 $0xFFFFEC00  }
0x14d: {  	[spmem:s3] =	stream.indirect.scatter.add.f32 [tilespmem:s26], [sflag:$0x18], $0x80, s18, s31, $0xb8;
	[tilespmem:$0x1E480] =	vst v63  }
0x14e: {  	s18 =	simm.s32 $0x14  }
0x14f: {  	_ =	swait.ge [sflag:s18], $0x1400  }
0x150: {  	s6 =	sld [smem:$0x7F3]  }
0x151: {  	[sflag:s18] =	ssyncset.done $0x0  }
0x152: {  	s29 =	simm.s32 $0x180;
	[sflag:s18] =	ssyncadd.s32 $0xFFFFEC00  }
0x153: {  	[tilespmem:s29], [sflag:$0x4] =	stream.linear.gather [hbm4b:s6+s12], $0x28, $0x38;
	[tilespmem:$0x1E480] =	vst v63  }
0x154: {  	s30 =	simm.s32 $0x4000;
	s26 =	rddreg [dreg:$0x19]  }
0x155: {  	[tilespmem:s30], [sflag:$0xC] =	stream.linear.gather [hbm4b:s26+s12], $0x1400, $0x38;
	[tilespmem:$0x1E480] =	vst v63  }
0x156: {  	_ =	swait.ge [sflag:s28], $0x28  }
0x157: {  	[sflag:s28] =	ssyncset.done $0x0  }
0x158: {  	[sflag:s28] =	ssyncadd.s32 $0xFFFFFFD8  }
0x159: {  	_ =	swait.ge [sflag:s2], $0x1400  }
0x15a: {  	[sflag:s2] =	ssyncset.done $0x0  }
0x15b: {  	s6 =	simm.s32 $0x15;
	[sflag:s2] =	ssyncadd.s32 $0xFFFFEC00  }
0x15c: {  	[spmem:s3] =	stream.indirect.scatter.add.f32 [tilespmem:s16], [sflag:$0x11], $0x80, s4, s31, $0xb8;
	[tilespmem:$0x1E480] =	vst v63  }
0x15d: {  	_ =	swait.ge [sflag:s6], $0x1400  }
0x15e: {  	s2 =	rddreg [dreg:$0xd];
	[sflag:s6] =	ssyncset.done $0x0  }
0x15f: {  	s15 =	rddreg [dreg:$0x5];
	[sflag:s6] =	ssyncadd.s32 $0xFFFFEC00  }
0x160: {  	s26 =	rddreg [dreg:$0x1]  }
0x161: {  	s15 =	sadd.s32 $0x0, s15;
	s12 =	sadd.s32 s26, s2;
	s2 =	simm.s32 $0x200  }
0x162: {  	[tilespmem:s2], [sflag:$0x5] =	stream.linear.gather [hbm4b:s12+s4], $0x28, $0x38;
	[tilespmem:$0x1E480] =	vst v63  }
0x163: {  	s12 =	sadd.s32 $0x1E00, s15;
	s2 =	simm.s32 $0x5400  }
0x164: {  	[tilespmem:s2], [sflag:$0xD] =	stream.linear.gather [hbm4b:s12+s4], $0x1400, $0x38;
	[tilespmem:$0x1E480] =	vst v63  }
0x165: {  	_ =	swait.ge [sflag:s10], $0x28  }
0x166: {  	[sflag:s10] =	ssyncset.done $0x0  }
0x167: {  	[sflag:s10] =	ssyncadd.s32 $0xFFFFFFD8  }
0x168: {  	_ =	swait.ge [sflag:s14], $0x1400  }
0x169: {  	[sflag:s14] =	ssyncset.done $0x0  }
0x16a: {  	s29 =	simm.s32 $0x16;
	[sflag:s14] =	ssyncadd.s32 $0xFFFFEC00;
	s14 =	simm.s32 $0x1800  }
0x16b: {  	[spmem:s3] =	stream.indirect.scatter.add.f32 [tilespmem:s14], [sflag:$0x12], $0x80, s19, s31, $0xb8;
	[tilespmem:$0x1E480] =	vst v63  }
0x16c: {  	_ =	swait.ge [sflag:s29], $0x1400  }
0x16d: {  	s10 =	rddreg [dreg:$0xc];
	[sflag:s29] =	ssyncset.done $0x0  }
0x16e: {  	s14 =	simm.s32 $0x280;
	[sflag:s29] =	ssyncadd.s32 $0xFFFFEC00;
	s12 =	sadd.s32 s26, s10  }
0x16f: {  	[tilespmem:s14], [sflag:$0x6] =	stream.linear.gather [hbm4b:s12+s4], $0x28, $0x38;
	[tilespmem:$0x1E480] =	vst v63  }
0x170: {  	s2 =	sadd.s32 $0x2080, s15;
	s10 =	simm.s32 $0x6800  }
0x171: {  	[tilespmem:s10], [sflag:$0xE] =	stream.linear.gather [hbm4b:s2+s4], $0x1400, $0x38;
	[tilespmem:$0x1E480] =	vst v63  }
0x172: {  	_ =	swait.ge [sflag:s21], $0x28  }
0x173: {  	[sflag:s21] =	ssyncset.done $0x0  }
0x174: {  	[sflag:s21] =	ssyncadd.s32 $0xFFFFFFD8  }
0x175: {  	_ =	swait.ge [sflag:s22], $0x1400  }
0x176: {  	[sflag:s22] =	ssyncset.done $0x0  }
0x177: {  	s30 =	simm.s32 $0x100;
	s14 =	simm.s32 $0x2C00;
	[sflag:s22] =	ssyncadd.s32 $0xFFFFEC00  }
0x178: {  	[spmem:s3] =	stream.indirect.scatter.add.f32 [tilespmem:s14], [sflag:$0x13], $0x80, s30, s31, $0xb8;
	[tilespmem:$0x1E480] =	vst v63  }
0x179: {  	s30 =	simm.s32 $0x17  }
0x17a: {  	_ =	swait.ge [sflag:s30], $0x1400  }
0x17b: {  	s10 =	rddreg [dreg:$0xb];
	[sflag:s30] =	ssyncset.done $0x0  }
0x17c: {  	s14 =	simm.s32 $0x300;
	[sflag:s30] =	ssyncadd.s32 $0xFFFFEC00;
	s12 =	sadd.s32 s26, s10  }
0x17d: {  	[tilespmem:s14], [sflag:$0x7] =	stream.linear.gather [hbm4b:s12+s4], $0x28, $0x38;
	[tilespmem:$0x1E480] =	vst v63  }
0x17e: {  	s10 =	sadd.s32 $0x2300, s15;
	s14 =	simm.s32 $0x7C00  }
0x17f: {  	[tilespmem:s14], [sflag:$0xF] =	stream.linear.gather [hbm4b:s10+s4], $0x1400, $0x38;
	[tilespmem:$0x1E480] =	vst v63  }
0x180: {  	_ =	swait.ge [sflag:s23], $0x28  }
0x181: {  	[sflag:s23] =	ssyncset.done $0x0  }
0x182: {  	[sflag:s23] =	ssyncadd.s32 $0xFFFFFFD8  }
0x183: {  	_ =	swait.ge [sflag:s24], $0x1400  }
0x184: {  	s2 =	simm.s32 $0x18;
	[sflag:s24] =	ssyncset.done $0x0  }
0x185: {  	s12 =	simm.s32 $0x4000;
	s10 =	simm.s32 $0x180;
	[sflag:s24] =	ssyncadd.s32 $0xFFFFEC00  }
0x186: {  	[spmem:s3] =	stream.indirect.scatter.add.f32 [tilespmem:s12], [sflag:$0x14], $0x80, s10, s31, $0xb8;
	[tilespmem:$0x1E480] =	vst v63  }
0x187: {  	_ =	swait.ge [sflag:s2], $0x1400  }
0x188: {  	s14 =	rddreg [dreg:$0xa];
	[sflag:s2] =	ssyncset.done $0x0  }
0x189: {  	s10 =	simm.s32 $0x380;
	[sflag:s2] =	ssyncadd.s32 $0xFFFFEC00;
	s12 =	sadd.s32 s26, s14  }
0x18a: {  	[tilespmem:s10], [sflag:$0x8] =	stream.linear.gather [hbm4b:s12+s4], $0x28, $0x38;
	[tilespmem:$0x1E480] =	vst v63  }
0x18b: {  	s12 =	sadd.s32 $0x2580, s15;
	s10 =	simm.s32 $0x9000  }
0x18c: {  	[tilespmem:s10], [sflag:$0x10] =	stream.linear.gather [hbm4b:s12+s4], $0x1400, $0x38;
	[tilespmem:$0x1E480] =	vst v63  }
0x18d: {  	_ =	swait.ge [sflag:s20], $0x28  }
0x18e: {  	[sflag:s20] =	ssyncset.done $0x0  }
0x18f: {  	[sflag:s20] =	ssyncadd.s32 $0xFFFFFFD8  }
0x190: {  	_ =	swait.ge [sflag:s0], $0x1400  }
0x191: {  	[sflag:s0] =	ssyncset.done $0x0  }
0x192: {  	s12 =	simm.s32 $0x200;
	s20 =	simm.s32 $0x5400;
	[sflag:s0] =	ssyncadd.s32 $0xFFFFEC00  }
0x193: {  	[spmem:s3] =	stream.indirect.scatter.add.f32 [tilespmem:s20], [sflag:$0x15], $0x80, s12, s31, $0xb8;
	[tilespmem:$0x1E480] =	vst v63  }
0x194: {  	_ =	swait.ge [sflag:s9], $0x1400  }
0x195: {  	s0 =	rddreg [dreg:$0x9];
	[sflag:s9] =	ssyncset.done $0x0  }
0x196: {  	[sflag:s9] =	ssyncadd.s32 $0xFFFFEC00;
	s12 =	sadd.s32 s26, s0  }
0x197: {  	[tilespmem:s4], [sflag:$0x1] =	stream.linear.gather [hbm4b:s12+s4], $0x28, $0x38;
	[tilespmem:$0x1E480] =	vst v63  }
0x198: {  	s9 =	sadd.s32 $0x2800, s15  }
0x199: {  	[tilespmem:s16], [sflag:$0x9] =	stream.linear.gather [hbm4b:s9+s4], $0x1400, $0x38;
	[tilespmem:$0x1E480] =	vst v63  }
0x19a: {  	_ =	swait.ge [sflag:s1], $0x28  }
0x19b: {  	[sflag:s1] =	ssyncset.done $0x0  }
0x19c: {  	[sflag:s1] =	ssyncadd.s32 $0xFFFFFFD8  }
0x19d: {  	_ =	swait.ge [sflag:s5], $0x1400  }
0x19e: {  	[sflag:s5] =	ssyncset.done $0x0  }
0x19f: {  	s20 =	simm.s32 $0x6800;
	s16 =	simm.s32 $0x280;
	[sflag:s5] =	ssyncadd.s32 $0xFFFFEC00  }
0x1a0: {  	[spmem:s3] =	stream.indirect.scatter.add.f32 [tilespmem:s20], [sflag:$0x16], $0x80, s16, s31, $0xb8;
	[tilespmem:$0x1E480] =	vst v63  }
0x1a1: {  	_ =	swait.ge [sflag:s8], $0x1400  }
0x1a2: {  	s0 =	rddreg [dreg:$0x8];
	[sflag:s8] =	ssyncset.done $0x0  }
0x1a3: {  	[sflag:s8] =	ssyncadd.s32 $0xFFFFEC00;
	s12 =	sadd.s32 s26, s0  }
0x1a4: {  	[tilespmem:s19], [sflag:$0x2] =	stream.linear.gather [hbm4b:s12+s4], $0x28, $0x38;
	[tilespmem:$0x1E480] =	vst v63  }
0x1a5: {  	s1 =	sadd.s32 $0x2A80, s15;
	s5 =	simm.s32 $0x1800  }
0x1a6: {  	[tilespmem:s5], [sflag:$0xA] =	stream.linear.gather [hbm4b:s1+s4], $0x1400, $0x38;
	[tilespmem:$0x1E480] =	vst v63  }
0x1a7: {  	_ =	swait.ge [sflag:s7], $0x28  }
0x1a8: {  	[sflag:s7] =	ssyncset.done $0x0  }
0x1a9: {  	[sflag:s7] =	ssyncadd.s32 $0xFFFFFFD8  }
0x1aa: {  	_ =	swait.ge [sflag:s11], $0x1400  }
0x1ab: {  	[sflag:s11] =	ssyncset.done $0x0  }
0x1ac: {  	s9 =	simm.s32 $0x7C00;
	s8 =	simm.s32 $0x300;
	[sflag:s11] =	ssyncadd.s32 $0xFFFFEC00  }
0x1ad: {  	[spmem:s3] =	stream.indirect.scatter.add.f32 [tilespmem:s9], [sflag:$0x17], $0x80, s8, s31, $0xb8;
	[tilespmem:$0x1E480] =	vst v63  }
0x1ae: {  	_ =	swait.ge [sflag:s13], $0x1400  }
0x1af: {  	s11 =	rddreg [dreg:$0x7];
	[sflag:s13] =	ssyncset.done $0x0  }
0x1b0: {  	[sflag:s13] =	ssyncadd.s32 $0xFFFFEC00;
	s12 =	sadd.s32 s26, s11;
	s13 =	simm.s32 $0x100  }
0x1b1: {  	[tilespmem:s13], [sflag:$0x3] =	stream.linear.gather [hbm4b:s12+s4], $0x28, $0x38;
	[tilespmem:$0x1E480] =	vst v63  }
0x1b2: {  	s16 =	sadd.s32 $0x2D00, s15;
	s19 =	simm.s32 $0x2C00  }
0x1b3: {  	[tilespmem:s19], [sflag:$0xB] =	stream.linear.gather [hbm4b:s16+s4], $0x1400, $0x38;
	[tilespmem:$0x1E480] =	vst v63  }
0x1b4: {  	_ =	swait.ge [sflag:s25], $0x28  }
0x1b5: {  	[sflag:s25] =	ssyncset.done $0x0  }
0x1b6: {  	[sflag:s25] =	ssyncadd.s32 $0xFFFFFFD8  }
0x1b7: {  	_ =	swait.ge [sflag:s17], $0x1400  }
0x1b8: {  	[sflag:s17] =	ssyncset.done $0x0  }
0x1b9: {  	s14 =	simm.s32 $0x380;
	s9 =	simm.s32 $0x100;
	[sflag:s17] =	ssyncadd.s32 $0xFFFFEC00  }
0x1ba: {  	[spmem:s3] =	stream.indirect.scatter.add.f32 [tilespmem:s10], [sflag:$0x18], $0x80, s14, s31, $0xb8;
	[tilespmem:$0x1E480] =	vst v63  }
0x1bb: {  	s13 =	simm.s32 $0x180;
	s16 =	sadd.s32 $0x2F80, s15;
	_ =	swait.ge [sflag:s18], $0x1400  }
0x1bc: {  	s15 =	smov.u32 s26;
	s20 =	rddreg [dreg:$0x6];
	[sflag:s18] =	ssyncset.done $0x0  }
0x1bd: {  	s25 =	simm.s32 $0x180;
	[sflag:s18] =	ssyncadd.s32 $0xFFFFEC00;
	s12 =	sadd.s32 s26, s20  }
0x1be: {  	[tilespmem:s25], [sflag:$0x4] =	stream.linear.gather [hbm4b:s12+s4], $0x28, $0x38;
	[tilespmem:$0x1E480] =	vst v63  }
0x1bf: {  	s14 =	simm.s32 $0x4000;
	s10 =	simm.s32 $0x2C00;
	s12 =	simm.s32 $0x1400  }
.LBB2_4:
0x1c0: {  	[tilespmem:s14], [sflag:$0xC] =	stream.linear.gather [hbm4b:s16+s4], $0x1400, $0x38;
	[tilespmem:$0x1E480] =	vst v63  }
0x1c1: {  	_ =	swait.ge [sflag:s28], $0x28  }
0x1c2: {  	[sflag:s28] =	ssyncset.done $0x0  }
0x1c3: {  	s11 =	simm.s32 $0x9;
	[sflag:s28] =	ssyncadd.s32 $0xFFFFFFD8  }
0x1c4: {  	_ =	swait.ge [sflag:s11], $0x1400  }
0x1c5: {  	[sflag:s11] =	ssyncset.done $0x0  }
0x1c6: {  	s25 =	simm.s32 $0x400;
	[sflag:s11] =	ssyncadd.s32 $0xFFFFEC00  }
0x1c7: {  	[spmem:s3] =	stream.indirect.scatter.add.f32 [tilespmem:s25], [sflag:$0x11], $0x80, s4, s31, $0xb8;
	[tilespmem:$0x1E480] =	vst v63  }
0x1c8: {  	s15 =	sadd.s32 $0x28, s15;
	s26 =	smov.u32 s12;
	_ =	swait.ge [sflag:s6], $0x1400  }
0x1c9: {  	s19 =	simm.s32 $0x200;
	s17 =	rddreg [dreg:$0xd];
	[sflag:s6] =	ssyncset.done $0x0  }
0x1ca: {  	s28 =	rddreg [dreg:$0x5];
	[sflag:s6] =	ssyncadd.s32 $0xFFFFEC00;
	s16 =	sadd.s32 s15, s17  }
0x1cb: {  	[tilespmem:s19], [sflag:$0x5] =	stream.linear.gather [hbm4b:s16+s4], $0x28, $0x38;
	[tilespmem:$0x1E480] =	vst v63  }
0x1cc: {  	s16 =	sadd.s32 s26, s28  }
0x1cd: {  	s20 =	simm.s32 $0x5400;
	s18 =	simm.s32 $0x2;
	s26 =	sadd.s32 $0x1E00, s16  }
0x1ce: {  	[tilespmem:s20], [sflag:$0xD] =	stream.linear.gather [hbm4b:s26+s4], $0x1400, $0x38;
	[tilespmem:$0x1E480] =	vst v63  }
0x1cf: {  	_ =	swait.ge [sflag:s18], $0x28  }
0x1d0: {  	[sflag:s18] =	ssyncset.done $0x0  }
0x1d1: {  	s0 =	simm.s32 $0xA;
	[sflag:s18] =	ssyncadd.s32 $0xFFFFFFD8  }
0x1d2: {  	_ =	swait.ge [sflag:s0], $0x1400  }
0x1d3: {  	[sflag:s0] =	ssyncset.done $0x0  }
0x1d4: {  	s17 =	simm.s32 $0x1800;
	s18 =	simm.s32 $0x80;
	[sflag:s0] =	ssyncadd.s32 $0xFFFFEC00  }
0x1d5: {  	[spmem:s3] =	stream.indirect.scatter.add.f32 [tilespmem:s17], [sflag:$0x12], $0x80, s18, s31, $0xb8;
	[tilespmem:$0x1E480] =	vst v63  }
0x1d6: {  	_ =	swait.ge [sflag:s29], $0x1400  }
0x1d7: {  	s1 =	rddreg [dreg:$0xc];
	[sflag:s29] =	ssyncset.done $0x0  }
0x1d8: {  	s7 =	simm.s32 $0x280;
	[sflag:s29] =	ssyncadd.s32 $0xFFFFEC00;
	s26 =	sadd.s32 s15, s1  }
0x1d9: {  	[tilespmem:s7], [sflag:$0x6] =	stream.linear.gather [hbm4b:s26+s4], $0x28, $0x38;
	[tilespmem:$0x1E480] =	vst v63  }
0x1da: {  	s11 =	simm.s32 $0x6800;
	s28 =	sadd.s32 $0x2080, s16  }
0x1db: {  	[tilespmem:s11], [sflag:$0xE] =	stream.linear.gather [hbm4b:s28+s4], $0x1400, $0x38;
	[tilespmem:$0x1E480] =	vst v63  }
0x1dc: {  	_ =	swait.ge [sflag:s21], $0x28  }
0x1dd: {  	[sflag:s21] =	ssyncset.done $0x0  }
0x1de: {  	[sflag:s21] =	ssyncadd.s32 $0xFFFFFFD8  }
0x1df: {  	_ =	swait.ge [sflag:s22], $0x1400  }
0x1e0: {  	[sflag:s22] =	ssyncset.done $0x0  }
0x1e1: {  	[sflag:s22] =	ssyncadd.s32 $0xFFFFEC00  }
0x1e2: {  	[spmem:s3] =	stream.indirect.scatter.add.f32 [tilespmem:s10], [sflag:$0x13], $0x80, s9, s31, $0xb8;
	[tilespmem:$0x1E480] =	vst v63  }
0x1e3: {  	_ =	swait.ge [sflag:s30], $0x1400  }
0x1e4: {  	s5 =	rddreg [dreg:$0xb];
	[sflag:s30] =	ssyncset.done $0x0  }
0x1e5: {  	s0 =	simm.s32 $0x300;
	[sflag:s30] =	ssyncadd.s32 $0xFFFFEC00;
	s26 =	sadd.s32 s15, s5  }
0x1e6: {  	[tilespmem:s0], [sflag:$0x7] =	stream.linear.gather [hbm4b:s26+s4], $0x28, $0x38;
	[tilespmem:$0x1E480] =	vst v63  }
0x1e7: {  	s28 =	sadd.s32 $0x2300, s16;
	s5 =	simm.s32 $0x7C00  }
0x1e8: {  	[tilespmem:s5], [sflag:$0xF] =	stream.linear.gather [hbm4b:s28+s4], $0x1400, $0x38;
	[tilespmem:$0x1E480] =	vst v63  }
0x1e9: {  	_ =	swait.ge [sflag:s23], $0x28  }
0x1ea: {  	[sflag:s23] =	ssyncset.done $0x0  }
0x1eb: {  	[sflag:s23] =	ssyncadd.s32 $0xFFFFFFD8  }
0x1ec: {  	_ =	swait.ge [sflag:s24], $0x1400  }
0x1ed: {  	[sflag:s24] =	ssyncset.done $0x0  }
0x1ee: {  	[sflag:s24] =	ssyncadd.s32 $0xFFFFEC00  }
0x1ef: {  	[spmem:s3] =	stream.indirect.scatter.add.f32 [tilespmem:s14], [sflag:$0x14], $0x80, s13, s31, $0xb8;
	[tilespmem:$0x1E480] =	vst v63  }
0x1f0: {  	_ =	swait.ge [sflag:s2], $0x1400  }
0x1f1: {  	s8 =	rddreg [dreg:$0xa];
	[sflag:s2] =	ssyncset.done $0x0  }
0x1f2: {  	[sflag:s2] =	ssyncadd.s32 $0xFFFFEC00;
	s26 =	sadd.s32 s15, s8;
	s8 =	simm.s32 $0x380  }
0x1f3: {  	[tilespmem:s8], [sflag:$0x8] =	stream.linear.gather [hbm4b:s26+s4], $0x28, $0x38;
	[tilespmem:$0x1E480] =	vst v63  }
0x1f4: {  	s1 =	simm.s32 $0x9000;
	s28 =	sadd.s32 $0x2580, s16;
	s26 =	simm.s32 $0x5  }
0x1f5: {  	[tilespmem:s1], [sflag:$0x10] =	stream.linear.gather [hbm4b:s28+s4], $0x1400, $0x38;
	[tilespmem:$0x1E480] =	vst v63  }
0x1f6: {  	_ =	swait.ge [sflag:s26], $0x28  }
0x1f7: {  	[sflag:s26] =	ssyncset.done $0x0  }
0x1f8: {  	[sflag:s26] =	ssyncadd.s32 $0xFFFFFFD8;
	s26 =	simm.s32 $0xD  }
0x1f9: {  	_ =	swait.ge [sflag:s26], $0x1400  }
0x1fa: {  	[sflag:s26] =	ssyncset.done $0x0  }
0x1fb: {  	s28 =	simm.s32 $0x11;
	[sflag:s26] =	ssyncadd.s32 $0xFFFFEC00  }
0x1fc: {  	[spmem:s3] =	stream.indirect.scatter.add.f32 [tilespmem:s20], [sflag:$0x15], $0x80, s19, s31, $0xb8;
	[tilespmem:$0x1E480] =	vst v63  }
0x1fd: {  	_ =	swait.ge [sflag:s28], $0x1400  }
0x1fe: {  	s20 =	rddreg [dreg:$0x9];
	[sflag:s28] =	ssyncset.done $0x0  }
0x1ff: {  	[sflag:s28] =	ssyncadd.s32 $0xFFFFEC00;
	s26 =	sadd.s32 s15, s20  }
0x200: {  	[tilespmem:s4], [sflag:$0x1] =	stream.linear.gather [hbm4b:s26+s4], $0x28, $0x38;
	[tilespmem:$0x1E480] =	vst v63  }
0x201: {  	s28 =	sadd.s32 $0x2800, s16  }
0x202: {  	[tilespmem:s25], [sflag:$0x9] =	stream.linear.gather [hbm4b:s28+s4], $0x1400, $0x38;
	[tilespmem:$0x1E480] =	vst v63  }
0x203: {  	s25 =	simm.s32 $0x6  }
0x204: {  	_ =	swait.ge [sflag:s25], $0x28  }
0x205: {  	[sflag:s25] =	ssyncset.done $0x0  }
0x206: {  	s26 =	simm.s32 $0xE;
	[sflag:s25] =	ssyncadd.s32 $0xFFFFFFD8  }
0x207: {  	_ =	swait.ge [sflag:s26], $0x1400  }
0x208: {  	[sflag:s26] =	ssyncset.done $0x0  }
0x209: {  	s28 =	simm.s32 $0x12;
	[sflag:s26] =	ssyncadd.s32 $0xFFFFEC00  }
0x20a: {  	[spmem:s3] =	stream.indirect.scatter.add.f32 [tilespmem:s11], [sflag:$0x16], $0x80, s7, s31, $0xb8;
	[tilespmem:$0x1E480] =	vst v63  }
0x20b: {  	_ =	swait.ge [sflag:s28], $0x1400  }
0x20c: {  	s20 =	rddreg [dreg:$0x8];
	[sflag:s28] =	ssyncset.done $0x0  }
0x20d: {  	[sflag:s28] =	ssyncadd.s32 $0xFFFFEC00;
	s26 =	sadd.s32 s15, s20  }
0x20e: {  	[tilespmem:s18], [sflag:$0x2] =	stream.linear.gather [hbm4b:s26+s4], $0x28, $0x38;
	[tilespmem:$0x1E480] =	vst v63  }
0x20f: {  	s25 =	simm.s32 $0x7;
	s28 =	sadd.s32 $0x2A80, s16  }
0x210: {  	[tilespmem:s17], [sflag:$0xA] =	stream.linear.gather [hbm4b:s28+s4], $0x1400, $0x38;
	[tilespmem:$0x1E480] =	vst v63  }
0x211: {  	_ =	swait.ge [sflag:s25], $0x28  }
0x212: {  	[sflag:s25] =	ssyncset.done $0x0  }
0x213: {  	s26 =	simm.s32 $0xF;
	[sflag:s25] =	ssyncadd.s32 $0xFFFFFFD8  }
0x214: {  	_ =	swait.ge [sflag:s26], $0x1400  }
0x215: {  	[sflag:s26] =	ssyncset.done $0x0  }
0x216: {  	s11 =	simm.s32 $0x13;
	[sflag:s26] =	ssyncadd.s32 $0xFFFFEC00  }
0x217: {  	[spmem:s3] =	stream.indirect.scatter.add.f32 [tilespmem:s5], [sflag:$0x17], $0x80, s0, s31, $0xb8;
	[tilespmem:$0x1E480] =	vst v63  }
0x218: {  	_ =	swait.ge [sflag:s11], $0x1400  }
0x219: {  	s17 =	rddreg [dreg:$0x7];
	[sflag:s11] =	ssyncset.done $0x0  }
0x21a: {  	[sflag:s11] =	ssyncadd.s32 $0xFFFFEC00;
	s26 =	sadd.s32 s15, s17  }
0x21b: {  	[tilespmem:s9], [sflag:$0x3] =	stream.linear.gather [hbm4b:s26+s4], $0x28, $0x38;
	[tilespmem:$0x1E480] =	vst v63  }
0x21c: {  	s18 =	simm.s32 $0x8;
	s28 =	sadd.s32 $0x2D00, s16  }
0x21d: {  	[tilespmem:s10], [sflag:$0xB] =	stream.linear.gather [hbm4b:s28+s4], $0x1400, $0x38;
	[tilespmem:$0x1E480] =	vst v63  }
0x21e: {  	_ =	swait.ge [sflag:s18], $0x28  }
0x21f: {  	[sflag:s18] =	ssyncset.done $0x0  }
0x220: {  	s19 =	simm.s32 $0x10;
	[sflag:s18] =	ssyncadd.s32 $0xFFFFFFD8  }
0x221: {  	_ =	swait.ge [sflag:s19], $0x1400  }
0x222: {  	[sflag:s19] =	ssyncset.done $0x0  }
0x223: {  	p1 =	sne.s32 s12, $0x23000;
	[sflag:s19] =	ssyncadd.s32 $0xFFFFEC00  }
0x224: {  	[spmem:s3] =	stream.indirect.scatter.add.f32 [tilespmem:s1], [sflag:$0x18], $0x80, s8, s31, $0xb8;
	[tilespmem:$0x1E480] =	vst v63  }
.Ltmp1:
0x225: {  	s20 =	simm.s32 $0x14;
	(pc) =	sbr.rel @p1 .LBB2_4-.Ltmp1, $4  }
0x226: {  	s12 =	sadd.s32 $0x1400, s12;
	_ =	swait.ge [sflag:s20], $0x1400  }
0x227: {  	s16 =	sadd.s32 $0x2F80, s16;
	s25 =	rddreg [dreg:$0x6];
	[sflag:s20] =	ssyncset.done $0x0  }
0x228: {  	s28 =	simm.s32 $0x1;
	[sflag:s20] =	ssyncadd.s32 $0xFFFFEC00;
	s26 =	sadd.s32 s15, s25  }
0x229: {  	[tilespmem:s13], [sflag:$0x4] =	stream.linear.gather [hbm4b:s26+s4], $0x28, $0x38;
	[tilespmem:$0x1E480] =	vst v63  }
0x22a: {  	[tilespmem:s14], [sflag:$0xC] =	stream.linear.gather [hbm4b:s16+s4], $0x1400, $0x38;
	[tilespmem:$0x1E480] =	vst v63  }
0x22b: {  	_ =	swait.ge [sflag:s28], $0x28  }
0x22c: {  	[sflag:s28] =	ssyncset.done $0x0  }
0x22d: {  	s15 =	simm.s32 $0x9;
	[sflag:s28] =	ssyncadd.s32 $0xFFFFFFD8  }
0x22e: {  	_ =	swait.ge [sflag:s15], $0x1400  }
0x22f: {  	[sflag:s15] =	ssyncset.done $0x0  }
0x230: {  	s20 =	simm.s32 $0x400;
	[sflag:s15] =	ssyncadd.s32 $0xFFFFEC00  }
0x231: {  	[spmem:s3] =	stream.indirect.scatter.add.f32 [tilespmem:s20], [sflag:$0x11], $0x80, s4, s31, $0xb8;
	[tilespmem:$0x1E480] =	vst v63  }
0x232: {  	_ =	swait.ge [sflag:s6], $0x1400  }
0x233: {  	s12 =	sld [smem:$0x7F4]  }
0x234: {  	[sflag:s6] =	ssyncset.done $0x0  }
0x235: {  	s1 =	simm.s32 $0x200;
	[sflag:s6] =	ssyncadd.s32 $0xFFFFEC00  }
0x236: {  	[tilespmem:s1], [sflag:$0x5] =	stream.linear.gather [hbm4b:s12+s4], $0x28, $0x38;
	[tilespmem:$0x1E480] =	vst v63  }
0x237: {  	s19 =	simm.s32 $0x5400;
	s16 =	simm.s32 $0x2;
	s18 =	rddreg [dreg:$0x1a]  }
0x238: {  	[tilespmem:s19], [sflag:$0xD] =	stream.linear.gather [hbm4b:s18+s4], $0x1400, $0x38;
	[tilespmem:$0x1E480] =	vst v63  }
0x239: {  	_ =	swait.ge [sflag:s16], $0x28  }
0x23a: {  	[sflag:s16] =	ssyncset.done $0x0  }
0x23b: {  	s26 =	simm.s32 $0xA;
	[sflag:s16] =	ssyncadd.s32 $0xFFFFFFD8  }
0x23c: {  	_ =	swait.ge [sflag:s26], $0x1400  }
0x23d: {  	[sflag:s26] =	ssyncset.done $0x0  }
0x23e: {  	s17 =	simm.s32 $0x1800;
	s18 =	simm.s32 $0x80;
	[sflag:s26] =	ssyncadd.s32 $0xFFFFEC00  }
0x23f: {  	[spmem:s3] =	stream.indirect.scatter.add.f32 [tilespmem:s17], [sflag:$0x12], $0x80, s18, s31, $0xb8;
	[tilespmem:$0x1E480] =	vst v63  }
0x240: {  	_ =	swait.ge [sflag:s29], $0x1400  }
0x241: {  	s25 =	sld [smem:$0x7F5]  }
0x242: {  	[sflag:s29] =	ssyncset.done $0x0  }
0x243: {  	s7 =	simm.s32 $0x280;
	[sflag:s29] =	ssyncadd.s32 $0xFFFFEC00  }
0x244: {  	[tilespmem:s7], [sflag:$0x6] =	stream.linear.gather [hbm4b:s25+s4], $0x28, $0x38;
	[tilespmem:$0x1E480] =	vst v63  }
0x245: {  	s11 =	simm.s32 $0x6800;
	s0 =	rddreg [dreg:$0x1b]  }
0x246: {  	[tilespmem:s11], [sflag:$0xE] =	stream.linear.gather [hbm4b:s0+s4], $0x1400, $0x38;
	[tilespmem:$0x1E480] =	vst v63  }
0x247: {  	_ =	swait.ge [sflag:s21], $0x28  }
0x248: {  	[sflag:s21] =	ssyncset.done $0x0  }
0x249: {  	[sflag:s21] =	ssyncadd.s32 $0xFFFFFFD8  }
0x24a: {  	_ =	swait.ge [sflag:s22], $0x1400  }
0x24b: {  	[sflag:s22] =	ssyncset.done $0x0  }
0x24c: {  	[sflag:s22] =	ssyncadd.s32 $0xFFFFEC00  }
0x24d: {  	[spmem:s3] =	stream.indirect.scatter.add.f32 [tilespmem:s10], [sflag:$0x13], $0x80, s9, s31, $0xb8;
	[tilespmem:$0x1E480] =	vst v63  }
0x24e: {  	_ =	swait.ge [sflag:s30], $0x1400  }
0x24f: {  	s5 =	sld [smem:$0x7F6]  }
0x250: {  	[sflag:s30] =	ssyncset.done $0x0  }
0x251: {  	s0 =	simm.s32 $0x300;
	[sflag:s30] =	ssyncadd.s32 $0xFFFFEC00  }
0x252: {  	[tilespmem:s0], [sflag:$0x7] =	stream.linear.gather [hbm4b:s5+s4], $0x28, $0x38;
	[tilespmem:$0x1E480] =	vst v63  }
0x253: {  	s8 =	rddreg [dreg:$0x1c];
	s5 =	simm.s32 $0x7C00  }
0x254: {  	[tilespmem:s5], [sflag:$0xF] =	stream.linear.gather [hbm4b:s8+s4], $0x1400, $0x38;
	[tilespmem:$0x1E480] =	vst v63  }
0x255: {  	_ =	swait.ge [sflag:s23], $0x28  }
0x256: {  	[sflag:s23] =	ssyncset.done $0x0  }
0x257: {  	[sflag:s23] =	ssyncadd.s32 $0xFFFFFFD8  }
0x258: {  	_ =	swait.ge [sflag:s24], $0x1400  }
0x259: {  	[sflag:s24] =	ssyncset.done $0x0  }
0x25a: {  	[sflag:s24] =	ssyncadd.s32 $0xFFFFEC00  }
0x25b: {  	[spmem:s3] =	stream.indirect.scatter.add.f32 [tilespmem:s14], [sflag:$0x14], $0x80, s13, s31, $0xb8;
	[tilespmem:$0x1E480] =	vst v63  }
0x25c: {  	_ =	swait.ge [sflag:s2], $0x1400  }
0x25d: {  	s9 =	sld [smem:$0x7F7]  }
0x25e: {  	[sflag:s2] =	ssyncset.done $0x0  }
0x25f: {  	s8 =	simm.s32 $0x380;
	[sflag:s2] =	ssyncadd.s32 $0xFFFFEC00  }
0x260: {  	[tilespmem:s8], [sflag:$0x8] =	stream.linear.gather [hbm4b:s9+s4], $0x28, $0x38;
	[tilespmem:$0x1E480] =	vst v63  }
0x261: {  	s12 =	simm.s32 $0x5;
	s10 =	rddreg [dreg:$0x1d];
	s9 =	simm.s32 $0x9000  }
0x262: {  	[tilespmem:s9], [sflag:$0x10] =	stream.linear.gather [hbm4b:s10+s4], $0x1400, $0x38;
	[tilespmem:$0x1E480] =	vst v63  }
0x263: {  	_ =	swait.ge [sflag:s12], $0x28  }
0x264: {  	[sflag:s12] =	ssyncset.done $0x0  }
0x265: {  	s13 =	simm.s32 $0xD;
	[sflag:s12] =	ssyncadd.s32 $0xFFFFFFD8  }
0x266: {  	_ =	swait.ge [sflag:s13], $0x1400  }
0x267: {  	[sflag:s13] =	ssyncset.done $0x0  }
0x268: {  	[sflag:s13] =	ssyncadd.s32 $0xFFFFEC00  }
0x269: {  	[spmem:s3] =	stream.indirect.scatter.add.f32 [tilespmem:s19], [sflag:$0x15], $0x80, s1, s31, $0xb8;
	[tilespmem:$0x1E480] =	vst v63  }
0x26a: {  	s1 =	simm.s32 $0x11  }
0x26b: {  	_ =	swait.ge [sflag:s1], $0x1400  }
0x26c: {  	s14 =	sld [smem:$0x7F8]  }
0x26d: {  	[sflag:s1] =	ssyncset.done $0x0  }
0x26e: {  	[sflag:s1] =	ssyncadd.s32 $0xFFFFEC00  }
0x26f: {  	[tilespmem:s4], [sflag:$0x1] =	stream.linear.gather [hbm4b:s14+s4], $0x28, $0x38;
	[tilespmem:$0x1E480] =	vst v63  }
0x270: {  	s25 =	simm.s32 $0x6;
	s19 =	rddreg [dreg:$0x1e]  }
0x271: {  	[tilespmem:s20], [sflag:$0x9] =	stream.linear.gather [hbm4b:s19+s4], $0x1400, $0x38;
	[tilespmem:$0x1E480] =	vst v63  }
0x272: {  	_ =	swait.ge [sflag:s25], $0x28  }
0x273: {  	[sflag:s25] =	ssyncset.done $0x0  }
0x274: {  	s12 =	simm.s32 $0xE;
	[sflag:s25] =	ssyncadd.s32 $0xFFFFFFD8  }
0x275: {  	_ =	swait.ge [sflag:s12], $0x1400  }
0x276: {  	[sflag:s12] =	ssyncset.done $0x0  }
0x277: {  	[sflag:s12] =	ssyncadd.s32 $0xFFFFEC00  }
0x278: {  	[spmem:s3] =	stream.indirect.scatter.add.f32 [tilespmem:s11], [sflag:$0x16], $0x80, s7, s31, $0xb8;
	[tilespmem:$0x1E480] =	vst v63  }
0x279: {  	s7 =	simm.s32 $0x12  }
0x27a: {  	_ =	swait.ge [sflag:s7], $0x1400  }
0x27b: {  	s13 =	sld [smem:$0x7F9]  }
0x27c: {  	[sflag:s7] =	ssyncset.done $0x0  }
0x27d: {  	[sflag:s7] =	ssyncadd.s32 $0xFFFFEC00  }
0x27e: {  	[tilespmem:s18], [sflag:$0x2] =	stream.linear.gather [hbm4b:s13+s4], $0x28, $0x38;
	[tilespmem:$0x1E480] =	vst v63  }
0x27f: {  	s19 =	simm.s32 $0x7;
	s14 =	rddreg [dreg:$0x1f]  }
0x280: {  	[tilespmem:s17], [sflag:$0xA] =	stream.linear.gather [hbm4b:s14+s4], $0x1400, $0x38;
	[tilespmem:$0x1E480] =	vst v63  }
0x281: {  	_ =	swait.ge [sflag:s19], $0x28  }
0x282: {  	[sflag:s19] =	ssyncset.done $0x0  }
0x283: {  	s25 =	simm.s32 $0xF;
	[sflag:s19] =	ssyncadd.s32 $0xFFFFFFD8  }
0x284: {  	_ =	swait.ge [sflag:s25], $0x1400  }
0x285: {  	[sflag:s25] =	ssyncset.done $0x0  }
0x286: {  	s11 =	simm.s32 $0x13;
	[sflag:s25] =	ssyncadd.s32 $0xFFFFEC00  }
0x287: {  	[spmem:s3] =	stream.indirect.scatter.add.f32 [tilespmem:s5], [sflag:$0x17], $0x80, s0, s31, $0xb8;
	[tilespmem:$0x1E480] =	vst v63  }
0x288: {  	_ =	swait.ge [sflag:s11], $0x1400  }
0x289: {  	[sflag:s11] =	ssyncset.done $0x0  }
0x28a: {  	s12 =	simm.s32 $0x8;
	[sflag:s11] =	ssyncadd.s32 $0xFFFFEC00  }
0x28b: {  	_ =	swait.ge [sflag:s12], $0x28  }
0x28c: {  	[sflag:s12] =	ssyncset.done $0x0  }
0x28d: {  	s13 =	simm.s32 $0x10;
	[sflag:s12] =	ssyncadd.s32 $0xFFFFFFD8  }
0x28e: {  	_ =	swait.ge [sflag:s13], $0x1400  }
0x28f: {  	[sflag:s13] =	ssyncset.done $0x0  }
0x290: {  	s14 =	simm.s32 $0x14;
	[sflag:s13] =	ssyncadd.s32 $0xFFFFEC00  }
0x291: {  	[spmem:s3] =	stream.indirect.scatter.add.f32 [tilespmem:s9], [sflag:$0x18], $0x80, s8, s31, $0xb8;
	[tilespmem:$0x1E480] =	vst v63  }
0x292: {  	_ =	swait.ge [sflag:s14], $0x1400  }
0x293: {  	[sflag:s14] =	ssyncset.done $0x0  }
0x294: {  	[sflag:s14] =	ssyncadd.s32 $0xFFFFEC00  }
0x295: {  	_ =	swait.ge [sflag:s28], $0x28  }
0x296: {  	[sflag:s28] =	ssyncset.done $0x0  }
0x297: {  	[sflag:s28] =	ssyncadd.s32 $0xFFFFFFD8  }
0x298: {  	_ =	swait.ge [sflag:s15], $0x1400  }
0x299: {  	[sflag:s15] =	ssyncset.done $0x0  }
0x29a: {  	[sflag:s15] =	ssyncadd.s32 $0xFFFFEC00  }
0x29b: {  	[spmem:s3] =	stream.indirect.scatter.add.f32 [tilespmem:s20], [sflag:$0x11], $0x80, s4, s31, $0xb8;
	[tilespmem:$0x1E480] =	vst v63  }
0x29c: {  	_ =	swait.ge [sflag:s6], $0x1400  }
0x29d: {  	[sflag:s6] =	ssyncset.done $0x0  }
0x29e: {  	[sflag:s6] =	ssyncadd.s32 $0xFFFFEC00  }
0x29f: {  	_ =	swait.ge [sflag:s16], $0x28  }
0x2a0: {  	[sflag:s16] =	ssyncset.done $0x0  }
0x2a1: {  	[sflag:s16] =	ssyncadd.s32 $0xFFFFFFD8  }
0x2a2: {  	_ =	swait.ge [sflag:s26], $0x1400  }
0x2a3: {  	[sflag:s26] =	ssyncset.done $0x0  }
0x2a4: {  	[sflag:s26] =	ssyncadd.s32 $0xFFFFEC00  }
0x2a5: {  	[spmem:s3] =	stream.indirect.scatter.add.f32 [tilespmem:s17], [sflag:$0x12], $0x80, s18, s31, $0xb8;
	[tilespmem:$0x1E480] =	vst v63  }
0x2a6: {  	_ =	swait.ge [sflag:s29], $0x1400  }
0x2a7: {  	[sflag:s29] =	ssyncset.done $0x0  }
0x2a8: {  	[sflag:s29] =	ssyncadd.s32 $0xFFFFEC00  }
0x2a9: {  	_ =	swait.ge [sflag:s30], $0x1400  }
0x2aa: {  	[sflag:s30] =	ssyncset.done $0x0  }
0x2ab: {  	[sflag:s30] =	ssyncadd.s32 $0xFFFFEC00  }
0x2ac: {  	_ =	swait.ge [sflag:s2], $0x1400  }
0x2ad: {  	[sflag:s2] =	ssyncset.done $0x0  }
0x2ae: {  	[sflag:s2] =	ssyncadd.s32 $0xFFFFEC00  }
0x2af: {  	_ =	swait.ge [sflag:s1], $0x1400  }
0x2b0: {  	[sflag:s1] =	ssyncset.done $0x0  }
0x2b1: {  	[sflag:s1] =	ssyncadd.s32 $0xFFFFEC00  }
0x2b2: {  	_ =	swait.ge [sflag:s7], $0x1400  }
0x2b3: {  	[sflag:s7] =	ssyncset.done $0x0  }
0x2b4: {  	[sflag:s7] =	ssyncadd.s32 $0xFFFFEC00  }
0x2b5: {  	[bflag:$0x0] =	sbarrier.arrive $0xFFFF  }
0x2b6: {  	s26 =	sld [smem:$0x7FC]  }
0x2b7: {  	s18 =	stileid.u32;
	s20 =	sld [smem:$0x7E7]  }
0x2b8: {  	s12 =	sshll.u32 s18, $0x6  }
0x2b9: {  	s25 =	simm.s32 $0x19;
	s12 =	sor.u32 $0x1C19, s12;
	s19 =	sshrl.u32 s26, $0x3  }
0x2ba: {  	[hbm:s20], [sflag:s12] =	dma.local [spmem:s19], $0x2700  }
0x2bb: {  	_ =	swait.ge [sflag:s25], $0x2700  }
0x2bc: {  	s28 =	sld [smem:$0x7FD]  }
0x2bd: {  	s16 =	sld [smem:$0x7FA]  }
0x2be: {  	[sflag:s25] =	ssyncset.done $0x0  }
0x2bf: {  	[sflag:s25] =	ssyncadd.s32 $0xFFFFD900;
	s15 =	sshrl.u32 @!p0 s28, $0x3  }
0x2c0: {  	[hbm:s16], [sflag:s12] =	dma.local @!p0 [spmem:s15], $0x100  }
0x2c1: {  	s12 =	simm.s32 @!p0 $0x19  }
0x2c2: {  	_ =	swait.ge @!p0 [sflag:s12], $0x100  }
0x2c3: {  	s29 =	sld [smem:$0x7E6]  }
0x2c4: {  	s30 =	sld [smem:$0x7FB];
	_ =	sdelay $0x1  }
0x2c5: {  	s0 =	sadd.s32 $0x1, s29  }
0x2c6: {  	p1 =	sne.s32 s0, s30  }
.Ltmp2:
0x2c7: {  	_ = 	snop;
	(pc) =	sbr.rel @p1 .LBB2_1-.Ltmp2, $4  }
0x2c8: {  	s5 =	simm.s32 $0x180;
	s8 =	simm.s32 $0x1800;
	s9 =	simm.s32 $0x4000  }
0x2c9: {  	s14 =	simm.s32 $0xA400;
	s6 =	simm.s32 $0x100;
	s1 =	simm.s32 $0x9000  }
0x2ca: {  	s7 =	simm.s32 $0x2C00;
	s19 =	simm.s32 $0x80;
	[sflag:s12] =	ssyncset.done @!p0 $0x0  }
0x2cb: {  	s15 =	simm.s32 $0x19;
	s16 =	simm.s32 $0x400;
	[sflag:s12] =	ssyncadd.s32 @!p0 $0xFFFFFF00  }
0x2cc: {  	_ =	sfence.sel $0x180000  }
0x2cd: {  	[bflag:$0x0] =	sbarrier.arrive $0xFFFF  }
0x2ce: {  	_ =	strace $0x90000047  }
0x2cf: {  	s0 =	stileid.u32;
	[bflag:$0x2] =	sbarrier.arrive $0xFFFF  }
0x2d0: {  	p0 =	sne.s32 s0, $0x0;
	s0 =	rddreg [dreg:$0x4]  }
0x2d1: {  	s0 =	sadd.s32 @!p0 $0x100000, s0  }
0x2d2: {  	[sflag:s0] =	ssyncadd.tile.s32 @!p0 $0x1;
	_ =	shalt  }
.Lfunc_end2:
_tile_overlayer_lowered:
.L_overlay_start_2:
0x2d3: {  	(tag) =	ssettag $0x2  }
0x2d4: {  	s0 =	rddreg [dreg:$0x0];
	s2 =	stileid.u32  }
0x2d5: {  	s1 =	rddreg [dreg:$0x1];
	p0 =	sne.s32 s2, $0x0  }
0x2d6: {  	s3 =	rddreg [dreg:$0x2];
	[bflag:$0x3] =	sbarrier.arrive $0xFFFF;
	s2 =	simm.s32 @!p0 $0x1C19  }
0x2d7: {  	[timem:s3], [sflag:s2] =	dma.local @!p0 [hbm:s0], s1  }
0x2d8: {  	s0 =	simm.s32 @!p0 $0x19  }
0x2d9: {  	_ =	swait.ge @!p0 [sflag:s0], s1  }
0x2da: {  	s1 =	ssub.s32 @!p0 $0x0, s1;
	[sflag:s0] =	ssyncset.done @!p0 $0x0  }
0x2db: {  	[sflag:s0] =	ssyncadd.s32 @!p0 s1  }
0x2dc: {  	[bflag:$0x3] =	sbarrier.arrive $0xFFFF  }
0x2dd: {  	_ =	shalt  }

</sc_bundles>
